<compile_context>
chip_gen: v7x
topology: tpu7x:2x2x1
jax: 0.10.2.dev20260603
libtpu: 0.0.44.dev20260713+nightly
codegen_flags: <defaults>
</compile_context>

<pallas_src>
import functools

import jax
import jax.numpy as jnp
import numpy as np
from jax import lax
from jax.experimental import pallas as pl
from jax.experimental.pallas import tpu as pltpu
from jax.experimental.pallas import tpu_sc as plsc

B = 4096
L = 200
LP = 208
D = 64
NC = 2
NS = 16
NW = NC * NS
ROWS = B // NW
CHUNK0 = 128
CHUNK1 = L - CHUNK0
NBLK = LP // 16

_BCAST_DNUMS = lax.GatherDimensionNumbers(
    offset_dims=(), collapsed_slice_dims=(0,), start_index_map=(0,))


def _lane_gather(vec, idx):
  return lax.gather(vec, idx.reshape(16, 1), _BCAST_DNUMS, (1,),
                    mode=lax.GatherScatterMode.PROMISE_IN_BOUNDS)


def _allreduce_sum(vec, iota_vec):
  for k in (8, 4, 2, 1):
    vec = vec + _lane_gather(vec, iota_vec ^ k)
  return vec


def _sc_body(uidx_hbm, hidx_hbm, wm_hbm, iota_hbm, utab_hbm, itab_hbm,
             uout_hbm, pout_hbm,
             uidx_v, urows_v, idxh_v, wm_v, iota_v,
             rows_v, out_v, sem_u, sem0, sem1):
  wid = lax.axis_index("s") * NC + lax.axis_index("c")
  base = wid * ROWS

  pltpu.sync_copy(uidx_hbm.at[pl.ds(base, ROWS)], uidx_v)
  pltpu.async_copy(utab_hbm.at[uidx_v], urows_v, sem_u)

  pltpu.sync_copy(hidx_hbm.at[pl.ds(base, ROWS)], idxh_v)
  pltpu.sync_copy(wm_hbm.at[pl.ds(base, ROWS)], wm_v)
  pltpu.sync_copy(iota_hbm, iota_v)

  pltpu.make_async_copy(utab_hbm.at[uidx_v], urows_v, sem_u).wait()
  pltpu.sync_copy(urows_v, uout_hbm.at[pl.ds(base, ROWS)])

  sems = (sem0, sem1)

  def issue(r, buf, sem):
    pltpu.async_copy(itab_hbm.at[idxh_v.at[r, pl.ds(0, CHUNK0)]],
                     rows_v.at[buf, pl.ds(0, CHUNK0)], sem)
    pltpu.async_copy(itab_hbm.at[idxh_v.at[r, pl.ds(CHUNK0, CHUNK1)]],
                     rows_v.at[buf, pl.ds(CHUNK0, CHUNK1)], sem)

  def wait(r, buf, sem):
    pltpu.make_async_copy(itab_hbm.at[idxh_v.at[r, pl.ds(0, CHUNK0)]],
                          rows_v.at[buf, pl.ds(0, CHUNK0)], sem).wait()
    pltpu.make_async_copy(itab_hbm.at[idxh_v.at[r, pl.ds(CHUNK0, CHUNK1)]],
                          rows_v.at[buf, pl.ds(CHUNK0, CHUNK1)], sem).wait()

  def accum(r, buf):
    def block(j, carry):
      a0, a1, a2, a3, swv = carry
      zv = iota_v[...] * 0
      cw = wm_v[r, pl.ds(j * 16, 16)]
      swv = swv + cw
      for t in range(16):
        c = _lane_gather(cw, zv + t)
        l = j * 16 + t
        a0 = a0 + rows_v[buf, l, pl.ds(0, 16)] * c
        a1 = a1 + rows_v[buf, l, pl.ds(16, 16)] * c
        a2 = a2 + rows_v[buf, l, pl.ds(32, 16)] * c
        a3 = a3 + rows_v[buf, l, pl.ds(48, 16)] * c
      return a0, a1, a2, a3, swv

    z = jnp.zeros((16,), jnp.float32)
    a0, a1, a2, a3, swv = lax.fori_loop(0, NBLK - 1, block, (z, z, z, z, z))
    iv = iota_v[...]
    zv = iv * 0
    cw = wm_v[r, pl.ds((NBLK - 1) * 16, 16)]
    swv = swv + cw
    for t in range(8):
      c = _lane_gather(cw, zv + t)
      l = (NBLK - 1) * 16 + t
      a0 = a0 + rows_v[buf, l, pl.ds(0, 16)] * c
      a1 = a1 + rows_v[buf, l, pl.ds(16, 16)] * c
      a2 = a2 + rows_v[buf, l, pl.ds(32, 16)] * c
      a3 = a3 + rows_v[buf, l, pl.ds(48, 16)] * c

    inv = 1.0 / (_allreduce_sum(swv, iv) + 1e-8)
    out_v[r, pl.ds(0, 16)] = a0 * inv
    out_v[r, pl.ds(16, 16)] = a1 * inv
    out_v[r, pl.ds(32, 16)] = a2 * inv
    out_v[r, pl.ds(48, 16)] = a3 * inv

  issue(0, 0, sem0)
  issue(1, 1, sem1)

  def outer(i, _):
    for b in range(2):
      r = 2 * i + b
      wait(r, b, sems[b])
      accum(r, b)

      @pl.when(r + 2 < ROWS)
      def _():
        issue(r + 2, b, sems[b])
    return 0

  lax.fori_loop(0, ROWS // 2, outer, 0)
  pltpu.sync_copy(out_v, pout_hbm.at[pl.ds(base, ROWS)])


def _sc_pool(user_indices, hist_indices, wm_padded, lane_iota,
             user_table_t, item_table):
  mesh = plsc.VectorSubcoreMesh(core_axis_name="c", subcore_axis_name="s")
  f = pl.kernel(
      _sc_body,
      out_type=(jax.ShapeDtypeStruct((B, D), jnp.float32),
                jax.ShapeDtypeStruct((B, D), jnp.float32)),
      mesh=mesh,
      scratch_types=[
          pltpu.VMEM((ROWS,), jnp.int32),
          pltpu.VMEM((ROWS, D), jnp.float32),
          pltpu.VMEM((ROWS, L), jnp.int32),
          pltpu.VMEM((ROWS, LP), jnp.float32),
          pltpu.VMEM((16,), jnp.int32),
          pltpu.VMEM((2, L, D), jnp.float32),
          pltpu.VMEM((ROWS, D), jnp.float32),
          pltpu.SemaphoreType.DMA,
          pltpu.SemaphoreType.DMA,
          pltpu.SemaphoreType.DMA,
      ],
      compiler_params=pltpu.CompilerParams(use_tc_tiling_on_sc=False),
  )
  return f(user_indices, hist_indices, wm_padded, lane_iota, user_table_t,
           item_table)


def _mlp_body(u_ref, p_ref, w1_ref, b1_ref, g_ref, be_ref, w2_ref, b2_ref,
              o_ref):
  xt = lax.dot_general(w1_ref[:, :D], u_ref[...], (((1,), (1,)), ((), ())),
                       preferred_element_type=jnp.float32,
                       precision=lax.Precision.HIGHEST)
  xt = xt + lax.dot_general(w1_ref[:, D:], p_ref[...],
                            (((1,), (1,)), ((), ())),
                            preferred_element_type=jnp.float32,
                            precision=lax.Precision.HIGHEST)
  xt = xt + b1_ref[...]
  mean = jnp.mean(xt, axis=1, keepdims=True)
  xc = xt - mean
  var = jnp.mean(xc * xc, axis=1, keepdims=True)
  xt = xc * lax.rsqrt(var + 1e-5)
  xt = xt * g_ref[...] + be_ref[...]
  xt = jnp.maximum(xt, 0.0)
  yt = lax.dot_general(w2_ref[...], xt, (((1,), (0,)), ((), ())),
                       preferred_element_type=jnp.float32,
                       precision=lax.Precision.HIGHEST)
  yt = yt + b2_ref[...]
  nrm = jnp.sqrt(jnp.sum(yt * yt, axis=0, keepdims=True))
  o_ref[...] = yt / jnp.maximum(nrm, 1e-12)


def _mlp(u_emb, pooled, W1, b1, gamma, beta, W2, b2):
  return pl.pallas_call(
      _mlp_body,
      out_shape=jax.ShapeDtypeStruct((D, B), jnp.float32),
  )(u_emb, pooled, W1, b1.reshape(-1, 1), gamma.reshape(-1, 1),
    beta.reshape(-1, 1), W2, b2.reshape(-1, 1))


def kernel(user_indices, hist_indices, hist_weights, hist_mask,
           user_table, item_table, W1, b1, gamma, beta, W2, b2):
  wm = hist_weights * hist_mask
  wm_padded = jnp.pad(wm, ((0, 0), (0, LP - L)))
  lane_iota = jnp.arange(16, dtype=jnp.int32)
  u_emb, pooled = _sc_pool(user_indices, hist_indices, wm_padded, lane_iota,
                           user_table, item_table)
  out_t = _mlp(u_emb, pooled, W1, b1, gamma, beta, W2, b2)
  return out_t.T

# --- scband reference (transcript-rebuilt; emitter-appended) ---
"""Pipeline reference for scband-user-tower-69818988364113 (READ-ONLY COPY).

The authoritative reference and input builder live on the scoring server;
editing this copy changes nothing except your own understanding.
"""

import jax, jax.numpy as jnp
import numpy as np

B, L = 4096, 200
NUM_USERS = 1000000
NUM_ITEMS = 1000000
EMB_DIM = 64
LATENT_DIM = 64
FUSION_DIM = EMB_DIM + LATENT_DIM


def setup_inputs(seed: int = 0) -> dict:
    key = jax.random.key(seed)
    ks = jax.random.split(key, 12)
    user_indices = jax.random.randint(ks[0], (B,), 0, NUM_USERS, dtype=jnp.int64 if jax.config.jax_enable_x64 else jnp.int32)
    hist_indices = jax.random.randint(ks[1], (B, L), 0, NUM_ITEMS, dtype=jnp.int64 if jax.config.jax_enable_x64 else jnp.int32)
    hist_weights = jax.random.uniform(ks[2], (B, L), dtype=jnp.float32)
    hist_mask = jax.random.uniform(ks[3], (B, L), dtype=jnp.float32)
    user_table = jax.random.normal(ks[4], (NUM_USERS, EMB_DIM), jnp.float32) * 0.02
    item_table = jax.random.normal(ks[5], (NUM_ITEMS, LATENT_DIM), jnp.float32) * 0.02
    W1 = jax.random.normal(ks[6], (FUSION_DIM, FUSION_DIM), jnp.float32) / np.sqrt(FUSION_DIM)
    b1 = jnp.zeros((FUSION_DIM,), jnp.float32)
    gamma = jnp.ones((FUSION_DIM,), jnp.float32)
    beta = jnp.zeros((FUSION_DIM,), jnp.float32)
    W2 = jax.random.normal(ks[7], (LATENT_DIM, FUSION_DIM), jnp.float32) / np.sqrt(FUSION_DIM)
    b2 = jnp.zeros((LATENT_DIM,), jnp.float32)
    return {
        "user_indices": user_indices,
        "hist_indices": hist_indices,
        "hist_weights": hist_weights,
        "hist_mask": hist_mask,
        "user_table": user_table,
        "item_table": item_table,
        "W1": W1, "b1": b1, "gamma": gamma, "beta": beta,
        "W2": W2, "b2": b2,
    }


def reference(user_indices, hist_indices, hist_weights, hist_mask,
              user_table, item_table, W1, b1, gamma, beta, W2, b2):
    # id embedding lookup (gather)
    u_emb = jnp.take(user_table, user_indices, axis=0)  # [B, EMB_DIM]
    # item tower = embedding lookup on flattened history
    b, l = hist_indices.shape
    flat_hist = hist_indices.reshape(-1)
    flat_h_emb = jnp.take(item_table, flat_hist, axis=0)  # [B*L, LATENT_DIM]
    h_emb = flat_h_emb.reshape(b, l, -1)
    weights = hist_weights[:, :, None]
    mask = hist_mask[:, :, None]
    weighted_sum = jnp.sum(h_emb * weights * mask, axis=1)
    sum_weights = jnp.sum(weights * mask, axis=1) + 1e-08
    pooled_history = weighted_sum / sum_weights
    concated = jnp.concatenate([u_emb, pooled_history], axis=1)  # [B, FUSION_DIM]
    # fusion MLP: Linear -> BatchNorm1d (training-mode batch stats) -> ReLU -> Linear
    x = concated @ W1.T + b1
    mean = jnp.mean(x, axis=0)
    var = jnp.var(x, axis=0)
    x = (x - mean) / jnp.sqrt(var + 1e-05)
    x = x * gamma + beta
    x = jax.nn.relu(x)
    x = x @ W2.T + b2
    # F.normalize(p=2, dim=1)
    norm = jnp.linalg.norm(x, ord=2, axis=1, keepdims=True)
    out = x / jnp.maximum(norm, 1e-12)
    return out

if __name__ == "__main__":
    import jax
    _d = setup_inputs()
    print(jax.jit(kernel)(*tuple(_d.values())))

</pallas_src>

<mosaic_0001>
#map = affine_map<(d0, d1) -> (0)>
#map1 = affine_map<(d0, d1) -> (0, 0)>
module attributes {stable_mosaic.version = 14 : i64} {
  func.func @_sc_body(%arg0: i32, %arg1: i32, %arg2: memref<4096xi32, #tpu.memory_space<hbm>>, %arg3: memref<4096x200xi32, #tpu.memory_space<hbm>>, %arg4: memref<4096x208xf32, #tpu.memory_space<hbm>>, %arg5: memref<16xi32, #tpu.memory_space<hbm>>, %arg6: memref<1000000x64xf32, #tpu.memory_space<hbm>>, %arg7: memref<1000000x64xf32, #tpu.memory_space<hbm>>, %arg8: memref<4096x64xf32, #tpu.memory_space<hbm>>, %arg9: memref<4096x64xf32, #tpu.memory_space<hbm>>, %arg10: memref<128xi32, #tpu.memory_space<vmem>>, %arg11: memref<128x64xf32, #tpu.memory_space<vmem>>, %arg12: memref<128x200xi32, #tpu.memory_space<vmem>>, %arg13: memref<128x208xf32, #tpu.memory_space<vmem>>, %arg14: memref<16xi32, #tpu.memory_space<vmem>>, %arg15: memref<2x200x64xf32, #tpu.memory_space<vmem>>, %arg16: memref<128x64xf32, #tpu.memory_space<vmem>>, %arg17: memref<!tpu.dma_semaphore, #tpu.memory_space<semaphore_mem>>, %arg18: memref<!tpu.dma_semaphore, #tpu.memory_space<semaphore_mem>>, %arg19: memref<!tpu.dma_semaphore, #tpu.memory_space<semaphore_mem>>) attributes {dimension_semantics = [#tpu.dimension_semantics<core_parallel>, #tpu.dimension_semantics<subcore_parallel>], iteration_bounds = array<i64: 2, 16>, scalar_prefetch = 0 : i64, scratch_operands = 10 : i64, tpu.core_type = #tpu.core_type<sc_vector_subcore>, window_params = [{transform_indices = #map}, {transform_indices = #map1}, {transform_indices = #map1}, {transform_indices = #map}, {transform_indices = #map1}, {transform_indices = #map1}, {transform_indices = #map1}, {transform_indices = #map1}]} {
    %mul3A = arith.constant 2 : i32
    %mul3A_0 = arith.muli %arg1, %mul3A : i32
    %add3A = arith.addi %mul3A_0, %arg0 : i32
    %mul3A_1 = arith.constant 128 : i32
    %mul3A_2 = arith.muli %add3A, %mul3A_1 : i32
    "tpu.region"() ({
      %run_scoped3A = tpu.sem_alloc : memref<!tpu.dma_semaphore, #tpu.memory_space<semaphore_mem>>
      %dma_start3A_61 = tpu.memref_slice %arg2[%mul3A_2] : memref<4096xi32, #tpu.memory_space<hbm>> -> memref<128xi32, #tpu.memory_space<hbm>>
      %dma_start3A_62 = tpu.memref_slice %arg2[%mul3A_2] : memref<4096xi32, #tpu.memory_space<hbm>> -> memref<128xi32, #tpu.memory_space<hbm>>
      tpu.enqueue_dma source(%dma_start3A_62 : memref<128xi32, #tpu.memory_space<hbm>>) target(%arg10 : memref<128xi32, #tpu.memory_space<vmem>>) target_semaphore(%run_scoped3A : memref<!tpu.dma_semaphore, #tpu.memory_space<semaphore_mem>>)
      %dma_wait3A_63 = tpu.memref_slice %arg2[%mul3A_2] : memref<4096xi32, #tpu.memory_space<hbm>> -> memref<128xi32, #tpu.memory_space<hbm>>
      %dma_wait3A_64 = tpu.memref_slice %arg2[%mul3A_2] : memref<4096xi32, #tpu.memory_space<hbm>> -> memref<128xi32, #tpu.memory_space<hbm>>
      tpu.wait_dma2 semaphore(%run_scoped3A : memref<!tpu.dma_semaphore, #tpu.memory_space<semaphore_mem>>) src(%dma_wait3A_64 : memref<128xi32, #tpu.memory_space<hbm>>) dst(%arg10 : memref<128xi32, #tpu.memory_space<vmem>>)
      tpu.yield
    }) : () -> ()
    %dma_start3A = arith.constant 0 : i32
    %dma_start3A_3 = arith.constant 0 : i32
    %dma_start3A_4 = tpu.memref_slice %arg6[%dma_start3A, %dma_start3A_3] : memref<1000000x64xf32, #tpu.memory_space<hbm>> -> memref<1000000x64xf32, #tpu.memory_space<hbm>>
    tpu.enqueue_indirect_dma source(%dma_start3A_4 : memref<1000000x64xf32, #tpu.memory_space<hbm>>) target(%arg11 : memref<128x64xf32, #tpu.memory_space<vmem>>) offsets(%arg10 : memref<128xi32, #tpu.memory_space<vmem>>) semaphore(%arg17 : memref<!tpu.dma_semaphore, #tpu.memory_space<semaphore_mem>>)
    "tpu.region"() ({
      %run_scoped3A = tpu.sem_alloc : memref<!tpu.dma_semaphore, #tpu.memory_space<semaphore_mem>>
      %dma_start3A_61 = arith.constant 0 : i32
      %dma_start3A_62 = tpu.memref_slice %arg3[%mul3A_2, %dma_start3A_61] : memref<4096x200xi32, #tpu.memory_space<hbm>> -> memref<128x200xi32, #tpu.memory_space<hbm>>
      %dma_start3A_63 = arith.constant 0 : i32
      %dma_start3A_64 = tpu.memref_slice %arg3[%mul3A_2, %dma_start3A_63] : memref<4096x200xi32, #tpu.memory_space<hbm>> -> memref<128x200xi32, #tpu.memory_space<hbm>>
      tpu.enqueue_dma source(%dma_start3A_64 : memref<128x200xi32, #tpu.memory_space<hbm>>) target(%arg12 : memref<128x200xi32, #tpu.memory_space<vmem>>) target_semaphore(%run_scoped3A : memref<!tpu.dma_semaphore, #tpu.memory_space<semaphore_mem>>)
      %dma_wait3A_65 = arith.constant 0 : i32
      %dma_wait3A_66 = tpu.memref_slice %arg3[%mul3A_2, %dma_wait3A_65] : memref<4096x200xi32, #tpu.memory_space<hbm>> -> memref<128x200xi32, #tpu.memory_space<hbm>>
      %dma_wait3A_67 = arith.constant 0 : i32
      %dma_wait3A_68 = tpu.memref_slice %arg3[%mul3A_2, %dma_wait3A_67] : memref<4096x200xi32, #tpu.memory_space<hbm>> -> memref<128x200xi32, #tpu.memory_space<hbm>>
      tpu.wait_dma2 semaphore(%run_scoped3A : memref<!tpu.dma_semaphore, #tpu.memory_space<semaphore_mem>>) src(%dma_wait3A_68 : memref<128x200xi32, #tpu.memory_space<hbm>>) dst(%arg12 : memref<128x200xi32, #tpu.memory_space<vmem>>)
      tpu.yield
    }) : () -> ()
    "tpu.region"() ({
      %run_scoped3A = tpu.sem_alloc : memref<!tpu.dma_semaphore, #tpu.memory_space<semaphore_mem>>
      %dma_start3A_61 = arith.constant 0 : i32
      %dma_start3A_62 = tpu.memref_slice %arg4[%mul3A_2, %dma_start3A_61] : memref<4096x208xf32, #tpu.memory_space<hbm>> -> memref<128x208xf32, #tpu.memory_space<hbm>>
      %dma_start3A_63 = arith.constant 0 : i32
      %dma_start3A_64 = tpu.memref_slice %arg4[%mul3A_2, %dma_start3A_63] : memref<4096x208xf32, #tpu.memory_space<hbm>> -> memref<128x208xf32, #tpu.memory_space<hbm>>
      tpu.enqueue_dma source(%dma_start3A_64 : memref<128x208xf32, #tpu.memory_space<hbm>>) target(%arg13 : memref<128x208xf32, #tpu.memory_space<vmem>>) target_semaphore(%run_scoped3A : memref<!tpu.dma_semaphore, #tpu.memory_space<semaphore_mem>>)
      %dma_wait3A_65 = arith.constant 0 : i32
      %dma_wait3A_66 = tpu.memref_slice %arg4[%mul3A_2, %dma_wait3A_65] : memref<4096x208xf32, #tpu.memory_space<hbm>> -> memref<128x208xf32, #tpu.memory_space<hbm>>
      %dma_wait3A_67 = arith.constant 0 : i32
      %dma_wait3A_68 = tpu.memref_slice %arg4[%mul3A_2, %dma_wait3A_67] : memref<4096x208xf32, #tpu.memory_space<hbm>> -> memref<128x208xf32, #tpu.memory_space<hbm>>
      tpu.wait_dma2 semaphore(%run_scoped3A : memref<!tpu.dma_semaphore, #tpu.memory_space<semaphore_mem>>) src(%dma_wait3A_68 : memref<128x208xf32, #tpu.memory_space<hbm>>) dst(%arg13 : memref<128x208xf32, #tpu.memory_space<vmem>>)
      tpu.yield
    }) : () -> ()
    "tpu.region"() ({
      %run_scoped3A = tpu.sem_alloc : memref<!tpu.dma_semaphore, #tpu.memory_space<semaphore_mem>>
      tpu.enqueue_dma source(%arg5 : memref<16xi32, #tpu.memory_space<hbm>>) target(%arg14 : memref<16xi32, #tpu.memory_space<vmem>>) target_semaphore(%run_scoped3A : memref<!tpu.dma_semaphore, #tpu.memory_space<semaphore_mem>>)
      tpu.wait_dma2 semaphore(%run_scoped3A : memref<!tpu.dma_semaphore, #tpu.memory_space<semaphore_mem>>) src(%arg5 : memref<16xi32, #tpu.memory_space<hbm>>) dst(%arg14 : memref<16xi32, #tpu.memory_space<vmem>>)
      tpu.yield
    }) : () -> ()
    %dma_wait3A = arith.constant 0 : i32
    %dma_wait3A_5 = arith.constant 0 : i32
    %dma_wait3A_6 = tpu.memref_slice %arg6[%dma_wait3A, %dma_wait3A_5] : memref<1000000x64xf32, #tpu.memory_space<hbm>> -> memref<1000000x64xf32, #tpu.memory_space<hbm>>
    tpu.wait_indirect_dma semaphore(%arg17 : memref<!tpu.dma_semaphore, #tpu.memory_space<semaphore_mem>>) src(%dma_wait3A_6 : memref<1000000x64xf32, #tpu.memory_space<hbm>>) dst(%arg11 : memref<128x64xf32, #tpu.memory_space<vmem>>)
    "tpu.region"() ({
      %run_scoped3A = tpu.sem_alloc : memref<!tpu.dma_semaphore, #tpu.memory_space<semaphore_mem>>
      %dma_start3A_61 = arith.constant 0 : i32
      %dma_start3A_62 = tpu.memref_slice %arg8[%mul3A_2, %dma_start3A_61] : memref<4096x64xf32, #tpu.memory_space<hbm>> -> memref<128x64xf32, #tpu.memory_space<hbm>>
      %dma_start3A_63 = arith.constant 0 : i32
      %dma_start3A_64 = tpu.memref_slice %arg8[%mul3A_2, %dma_start3A_63] : memref<4096x64xf32, #tpu.memory_space<hbm>> -> memref<128x64xf32, #tpu.memory_space<hbm>>
      tpu.enqueue_dma source(%arg11 : memref<128x64xf32, #tpu.memory_space<vmem>>) target(%dma_start3A_64 : memref<128x64xf32, #tpu.memory_space<hbm>>) target_semaphore(%run_scoped3A : memref<!tpu.dma_semaphore, #tpu.memory_space<semaphore_mem>>)
      %dma_wait3A_65 = arith.constant 0 : i32
      %dma_wait3A_66 = tpu.memref_slice %arg8[%mul3A_2, %dma_wait3A_65] : memref<4096x64xf32, #tpu.memory_space<hbm>> -> memref<128x64xf32, #tpu.memory_space<hbm>>
      %dma_wait3A_67 = arith.constant 0 : i32
      %dma_wait3A_68 = tpu.memref_slice %arg8[%mul3A_2, %dma_wait3A_67] : memref<4096x64xf32, #tpu.memory_space<hbm>> -> memref<128x64xf32, #tpu.memory_space<hbm>>
      tpu.wait_dma2 semaphore(%run_scoped3A : memref<!tpu.dma_semaphore, #tpu.memory_space<semaphore_mem>>) src(%arg11 : memref<128x64xf32, #tpu.memory_space<vmem>>) dst(%dma_wait3A_68 : memref<128x64xf32, #tpu.memory_space<hbm>>)
      tpu.yield
    }) : () -> ()
    %dma_start3A_7 = arith.constant 0 : i32
    %dma_start3A_8 = arith.constant 0 : i32
    %dma_start3A_9 = arith.constant 0 : i32
    %dma_start3A_10 = arith.constant 0 : i32
    %dma_start3A_11 = tpu.memref_slice %arg15[%dma_start3A_8, %dma_start3A_9, %dma_start3A_10] : memref<2x200x64xf32, #tpu.memory_space<vmem>> -> memref<1x128x64xf32, #tpu.memory_space<vmem>>
    %dma_start3A_12 = tpu.memref_squeeze %dma_start3A_11 : memref<1x128x64xf32, #tpu.memory_space<vmem>> -> memref<128x64xf32, #tpu.memory_space<vmem>>
    %dma_start3A_13 = arith.constant 0 : i32
    %dma_start3A_14 = tpu.memref_slice %arg12[%dma_start3A_7, %dma_start3A_13] : memref<128x200xi32, #tpu.memory_space<vmem>> -> memref<1x128xi32, #tpu.memory_space<vmem>>
    %dma_start3A_15 = tpu.memref_squeeze %dma_start3A_14 : memref<1x128xi32, #tpu.memory_space<vmem>> -> memref<128xi32, #tpu.memory_space<vmem>>
    %dma_start3A_16 = arith.constant 0 : i32
    %dma_start3A_17 = arith.constant 0 : i32
    %dma_start3A_18 = tpu.memref_slice %arg7[%dma_start3A_16, %dma_start3A_17] : memref<1000000x64xf32, #tpu.memory_space<hbm>> -> memref<1000000x64xf32, #tpu.memory_space<hbm>>
    tpu.enqueue_indirect_dma source(%dma_start3A_18 : memref<1000000x64xf32, #tpu.memory_space<hbm>>) target(%dma_start3A_12 : memref<128x64xf32, #tpu.memory_space<vmem>>) offsets(%dma_start3A_15 : memref<128xi32, #tpu.memory_space<vmem>>) semaphore(%arg18 : memref<!tpu.dma_semaphore, #tpu.memory_space<semaphore_mem>>)
    %dma_start3A_19 = arith.constant 0 : i32
    %dma_start3A_20 = arith.constant 0 : i32
    %dma_start3A_21 = arith.constant 128 : i32
    %dma_start3A_22 = arith.constant 0 : i32
    %dma_start3A_23 = tpu.memref_slice %arg15[%dma_start3A_20, %dma_start3A_21, %dma_start3A_22] : memref<2x200x64xf32, #tpu.memory_space<vmem>> -> memref<1x72x64xf32, #tpu.memory_space<vmem>>
    %dma_start3A_24 = tpu.memref_squeeze %dma_start3A_23 : memref<1x72x64xf32, #tpu.memory_space<vmem>> -> memref<72x64xf32, #tpu.memory_space<vmem>>
    %dma_start3A_25 = arith.constant 128 : i32
    %dma_start3A_26 = tpu.memref_slice %arg12[%dma_start3A_19, %dma_start3A_25] : memref<128x200xi32, #tpu.memory_space<vmem>> -> memref<1x72xi32, #tpu.memory_space<vmem>>
    %dma_start3A_27 = tpu.memref_squeeze %dma_start3A_26 : memref<1x72xi32, #tpu.memory_space<vmem>> -> memref<72xi32, #tpu.memory_space<vmem>>
    %dma_start3A_28 = arith.constant 0 : i32
    %dma_start3A_29 = arith.constant 0 : i32
    %dma_start3A_30 = tpu.memref_slice %arg7[%dma_start3A_28, %dma_start3A_29] : memref<1000000x64xf32, #tpu.memory_space<hbm>> -> memref<1000000x64xf32, #tpu.memory_space<hbm>>
    tpu.enqueue_indirect_dma source(%dma_start3A_30 : memref<1000000x64xf32, #tpu.memory_space<hbm>>) target(%dma_start3A_24 : memref<72x64xf32, #tpu.memory_space<vmem>>) offsets(%dma_start3A_27 : memref<72xi32, #tpu.memory_space<vmem>>) semaphore(%arg18 : memref<!tpu.dma_semaphore, #tpu.memory_space<semaphore_mem>>)
    %dma_start3A_31 = arith.constant 1 : i32
    %dma_start3A_32 = arith.constant 1 : i32
    %dma_start3A_33 = arith.constant 0 : i32
    %dma_start3A_34 = arith.constant 0 : i32
    %dma_start3A_35 = tpu.memref_slice %arg15[%dma_start3A_32, %dma_start3A_33, %dma_start3A_34] : memref<2x200x64xf32, #tpu.memory_space<vmem>> -> memref<1x128x64xf32, #tpu.memory_space<vmem>>
    %dma_start3A_36 = tpu.memref_squeeze %dma_start3A_35 : memref<1x128x64xf32, #tpu.memory_space<vmem>> -> memref<128x64xf32, #tpu.memory_space<vmem>>
    %dma_start3A_37 = arith.constant 0 : i32
    %dma_start3A_38 = tpu.memref_slice %arg12[%dma_start3A_31, %dma_start3A_37] : memref<128x200xi32, #tpu.memory_space<vmem>> -> memref<1x128xi32, #tpu.memory_space<vmem>>
    %dma_start3A_39 = tpu.memref_squeeze %dma_start3A_38 : memref<1x128xi32, #tpu.memory_space<vmem>> -> memref<128xi32, #tpu.memory_space<vmem>>
    %dma_start3A_40 = arith.constant 0 : i32
    %dma_start3A_41 = arith.constant 0 : i32
    %dma_start3A_42 = tpu.memref_slice %arg7[%dma_start3A_40, %dma_start3A_41] : memref<1000000x64xf32, #tpu.memory_space<hbm>> -> memref<1000000x64xf32, #tpu.memory_space<hbm>>
    tpu.enqueue_indirect_dma source(%dma_start3A_42 : memref<1000000x64xf32, #tpu.memory_space<hbm>>) target(%dma_start3A_36 : memref<128x64xf32, #tpu.memory_space<vmem>>) offsets(%dma_start3A_39 : memref<128xi32, #tpu.memory_space<vmem>>) semaphore(%arg19 : memref<!tpu.dma_semaphore, #tpu.memory_space<semaphore_mem>>)
    %dma_start3A_43 = arith.constant 1 : i32
    %dma_start3A_44 = arith.constant 1 : i32
    %dma_start3A_45 = arith.constant 128 : i32
    %dma_start3A_46 = arith.constant 0 : i32
    %dma_start3A_47 = tpu.memref_slice %arg15[%dma_start3A_44, %dma_start3A_45, %dma_start3A_46] : memref<2x200x64xf32, #tpu.memory_space<vmem>> -> memref<1x72x64xf32, #tpu.memory_space<vmem>>
    %dma_start3A_48 = tpu.memref_squeeze %dma_start3A_47 : memref<1x72x64xf32, #tpu.memory_space<vmem>> -> memref<72x64xf32, #tpu.memory_space<vmem>>
    %dma_start3A_49 = arith.constant 128 : i32
    %dma_start3A_50 = tpu.memref_slice %arg12[%dma_start3A_43, %dma_start3A_49] : memref<128x200xi32, #tpu.memory_space<vmem>> -> memref<1x72xi32, #tpu.memory_space<vmem>>
    %dma_start3A_51 = tpu.memref_squeeze %dma_start3A_50 : memref<1x72xi32, #tpu.memory_space<vmem>> -> memref<72xi32, #tpu.memory_space<vmem>>
    %dma_start3A_52 = arith.constant 0 : i32
    %dma_start3A_53 = arith.constant 0 : i32
    %dma_start3A_54 = tpu.memref_slice %arg7[%dma_start3A_52, %dma_start3A_53] : memref<1000000x64xf32, #tpu.memory_space<hbm>> -> memref<1000000x64xf32, #tpu.memory_space<hbm>>
    tpu.enqueue_indirect_dma source(%dma_start3A_54 : memref<1000000x64xf32, #tpu.memory_space<hbm>>) target(%dma_start3A_48 : memref<72x64xf32, #tpu.memory_space<vmem>>) offsets(%dma_start3A_51 : memref<72xi32, #tpu.memory_space<vmem>>) semaphore(%arg19 : memref<!tpu.dma_semaphore, #tpu.memory_space<semaphore_mem>>)
    %scan3A = arith.constant 0 : i32
    %scan3A_55 = arith.constant 0 : i32
    %scan3A_56 = arith.constant 64 : i32
    %scan3A_57 = arith.addi %scan3A_55, %scan3A_56 : i32
    %scan3A_58 = arith.constant 1 : i32
    %scan3A_59 = scf.for %scan3A_61 = %scan3A_55 to %scan3A_57 step %scan3A_58 iter_args(%scan3A_62 = %scan3A) -> (i32)  : i32 {
      %mul3A_63 = arith.constant 2 : i32
      %mul3A_64 = arith.muli %mul3A_63, %scan3A_61 : i32
      %add3A_65 = arith.constant 0 : i32
      %add3A_66 = arith.addi %mul3A_64, %add3A_65 : i32
      %dma_wait3A_67 = arith.constant 0 : i32
      %dma_wait3A_68 = arith.constant 0 : i32
      %dma_wait3A_69 = arith.constant 0 : i32
      %dma_wait3A_70 = tpu.memref_slice %arg15[%dma_wait3A_67, %dma_wait3A_68, %dma_wait3A_69] : memref<2x200x64xf32, #tpu.memory_space<vmem>> -> memref<1x128x64xf32, #tpu.memory_space<vmem>>
      %dma_wait3A_71 = tpu.memref_squeeze %dma_wait3A_70 : memref<1x128x64xf32, #tpu.memory_space<vmem>> -> memref<128x64xf32, #tpu.memory_space<vmem>>
      %dma_wait3A_72 = arith.constant 0 : i32
      %dma_wait3A_73 = tpu.memref_slice %arg12[%add3A_66, %dma_wait3A_72] : memref<128x200xi32, #tpu.memory_space<vmem>> -> memref<1x128xi32, #tpu.memory_space<vmem>>
      %dma_wait3A_74 = tpu.memref_squeeze %dma_wait3A_73 : memref<1x128xi32, #tpu.memory_space<vmem>> -> memref<128xi32, #tpu.memory_space<vmem>>
      %dma_wait3A_75 = arith.constant 0 : i32
      %dma_wait3A_76 = arith.constant 0 : i32
      %dma_wait3A_77 = tpu.memref_slice %arg7[%dma_wait3A_75, %dma_wait3A_76] : memref<1000000x64xf32, #tpu.memory_space<hbm>> -> memref<1000000x64xf32, #tpu.memory_space<hbm>>
      tpu.wait_indirect_dma semaphore(%arg18 : memref<!tpu.dma_semaphore, #tpu.memory_space<semaphore_mem>>) src(%dma_wait3A_77 : memref<1000000x64xf32, #tpu.memory_space<hbm>>) dst(%dma_wait3A_71 : memref<128x64xf32, #tpu.memory_space<vmem>>)
      %dma_wait3A_78 = arith.constant 0 : i32
      %dma_wait3A_79 = arith.constant 128 : i32
      %dma_wait3A_80 = arith.constant 0 : i32
      %dma_wait3A_81 = tpu.memref_slice %arg15[%dma_wait3A_78, %dma_wait3A_79, %dma_wait3A_80] : memref<2x200x64xf32, #tpu.memory_space<vmem>> -> memref<1x72x64xf32, #tpu.memory_space<vmem>>
      %dma_wait3A_82 = tpu.memref_squeeze %dma_wait3A_81 : memref<1x72x64xf32, #tpu.memory_space<vmem>> -> memref<72x64xf32, #tpu.memory_space<vmem>>
      %dma_wait3A_83 = arith.constant 128 : i32
      %dma_wait3A_84 = tpu.memref_slice %arg12[%add3A_66, %dma_wait3A_83] : memref<128x200xi32, #tpu.memory_space<vmem>> -> memref<1x72xi32, #tpu.memory_space<vmem>>
      %dma_wait3A_85 = tpu.memref_squeeze %dma_wait3A_84 : memref<1x72xi32, #tpu.memory_space<vmem>> -> memref<72xi32, #tpu.memory_space<vmem>>
      %dma_wait3A_86 = arith.constant 0 : i32
      %dma_wait3A_87 = arith.constant 0 : i32
      %dma_wait3A_88 = tpu.memref_slice %arg7[%dma_wait3A_86, %dma_wait3A_87] : memref<1000000x64xf32, #tpu.memory_space<hbm>> -> memref<1000000x64xf32, #tpu.memory_space<hbm>>
      tpu.wait_indirect_dma semaphore(%arg18 : memref<!tpu.dma_semaphore, #tpu.memory_space<semaphore_mem>>) src(%dma_wait3A_88 : memref<1000000x64xf32, #tpu.memory_space<hbm>>) dst(%dma_wait3A_82 : memref<72x64xf32, #tpu.memory_space<vmem>>)
      %broadcast_in_dim3A = arith.constant 0.000000e+00 : f32
      %broadcast_in_dim3A_89 = vector.broadcast %broadcast_in_dim3A : f32 to vector<16xf32>
      %scan3A_90 = arith.constant 0 : i32
      %scan3A_91 = arith.constant 12 : i32
      %scan3A_92 = arith.addi %scan3A_90, %scan3A_91 : i32
      %scan3A_93 = arith.constant 1 : i32
      %scan3A_94:5 = scf.for %scan3A_946 = %scan3A_90 to %scan3A_92 step %scan3A_93 iter_args(%scan3A_947 = %broadcast_in_dim3A_89, %scan3A_948 = %broadcast_in_dim3A_89, %scan3A_949 = %broadcast_in_dim3A_89, %scan3A_950 = %broadcast_in_dim3A_89, %scan3A_951 = %broadcast_in_dim3A_89) -> (vector<16xf32>, vector<16xf32>, vector<16xf32>, vector<16xf32>, vector<16xf32>)  : i32 {
        %get3A_952 = arith.constant 0 : index
        %get3A_953 = tpu.vector_load %arg14[%get3A_952] {strides = array<i32>} : memref<16xi32, #tpu.memory_space<vmem>>, vector<16xi32>,
        %get3A_954 = vector.shape_cast %get3A_953 : vector<16xi32> to vector<16xi32>
        %mul3A_955 = arith.constant 0 : i32
        %mul3A_956 = vector.broadcast %mul3A_955 : i32 to vector<16xi32>
        %mul3A_957 = arith.muli %get3A_954, %mul3A_956 : vector<16xi32>
        %mul3A_958 = arith.constant 16 : i32
        %mul3A_959 = arith.muli %scan3A_946, %mul3A_958 : i32
        %get3A_960 = arith.index_cast %add3A_66 : i32 to index
        %get3A_961 = arith.index_cast %mul3A_959 : i32 to index
        %get3A_962 = tpu.vector_load %arg13[%get3A_960, %get3A_961] {strides = array<i32>} : memref<128x208xf32, #tpu.memory_space<vmem>>, vector<1x16xf32>,
        %get3A_963 = vector.shape_cast %get3A_962 : vector<1x16xf32> to vector<16xf32>
        %add3A_964 = arith.addf %scan3A_951, %get3A_963 : vector<16xf32>
        %add3A_965 = arith.constant 0 : i32
        %add3A_966 = vector.broadcast %add3A_965 : i32 to vector<16xi32>
        %add3A_967 = arith.addi %mul3A_957, %add3A_966 : vector<16xi32>
        %reshape3A_968 = vector.shape_cast %add3A_967 : vector<16xi32> to vector<16x1xi32>
        %gather3A_969 = vector.shape_cast %reshape3A_968 : vector<16x1xi32> to vector<16xi32>
        %gather3A_970 = tpu.dynamic_gather %get3A_963[%gather3A_969] in [0] : vector<16xf32>, vector<16xi32> -> vector<16xf32>
        %mul3A_971 = arith.constant 16 : i32
        %mul3A_972 = arith.muli %scan3A_946, %mul3A_971 : i32
        %add3A_973 = arith.constant 0 : i32
        %add3A_974 = arith.addi %mul3A_972, %add3A_973 : i32
        %get3A_975 = arith.constant 0 : i32
        %get3A_976 = arith.index_cast %get3A_975 : i32 to index
        %get3A_977 = arith.index_cast %add3A_974 : i32 to index
        %get3A_978 = arith.constant 0 : index
        %get3A_979 = tpu.vector_load %arg15[%get3A_976, %get3A_977, %get3A_978] {strides = array<i32>} : memref<2x200x64xf32, #tpu.memory_space<vmem>>, vector<1x1x16xf32>,
        %get3A_980 = vector.shape_cast %get3A_979 : vector<1x1x16xf32> to vector<16xf32>
        %mul3A_981 = arith.mulf %get3A_980, %gather3A_970 : vector<16xf32>
        %add3A_982 = arith.addf %scan3A_947, %mul3A_981 : vector<16xf32>
        %get3A_983 = arith.constant 0 : i32
        %get3A_984 = arith.index_cast %get3A_983 : i32 to index
        %get3A_985 = arith.index_cast %add3A_974 : i32 to index
        %get3A_986 = arith.constant 16 : index
        %get3A_987 = tpu.vector_load %arg15[%get3A_984, %get3A_985, %get3A_986] {strides = array<i32>} : memref<2x200x64xf32, #tpu.memory_space<vmem>>, vector<1x1x16xf32>,
        %get3A_988 = vector.shape_cast %get3A_987 : vector<1x1x16xf32> to vector<16xf32>
        %mul3A_989 = arith.mulf %get3A_988, %gather3A_970 : vector<16xf32>
        %add3A_990 = arith.addf %scan3A_948, %mul3A_989 : vector<16xf32>
        %get3A_991 = arith.constant 0 : i32
        %get3A_992 = arith.index_cast %get3A_991 : i32 to index
        %get3A_993 = arith.index_cast %add3A_974 : i32 to index
        %get3A_994 = arith.constant 32 : index
        %get3A_995 = tpu.vector_load %arg15[%get3A_992, %get3A_993, %get3A_994] {strides = array<i32>} : memref<2x200x64xf32, #tpu.memory_space<vmem>>, vector<1x1x16xf32>,
        %get3A_996 = vector.shape_cast %get3A_995 : vector<1x1x16xf32> to vector<16xf32>
        %mul3A_997 = arith.mulf %get3A_996, %gather3A_970 : vector<16xf32>
        %add3A_998 = arith.addf %scan3A_949, %mul3A_997 : vector<16xf32>
        %get3A_999 = arith.constant 0 : i32
        %get3A_1000 = arith.index_cast %get3A_999 : i32 to index
        %get3A_1001 = arith.index_cast %add3A_974 : i32 to index
        %get3A_1002 = arith.constant 48 : index
        %get3A_1003 = tpu.vector_load %arg15[%get3A_1000, %get3A_1001, %get3A_1002] {strides = array<i32>} : memref<2x200x64xf32, #tpu.memory_space<vmem>>, vector<1x1x16xf32>,
        %get3A_1004 = vector.shape_cast %get3A_1003 : vector<1x1x16xf32> to vector<16xf32>
        %mul3A_1005 = arith.mulf %get3A_1004, %gather3A_970 : vector<16xf32>
        %add3A_1006 = arith.addf %scan3A_950, %mul3A_1005 : vector<16xf32>
        %add3A_1007 = arith.constant 1 : i32
        %add3A_1008 = vector.broadcast %add3A_1007 : i32 to vector<16xi32>
        %add3A_1009 = arith.addi %mul3A_957, %add3A_1008 : vector<16xi32>
        %reshape3A_1010 = vector.shape_cast %add3A_1009 : vector<16xi32> to vector<16x1xi32>
        %gather3A_1011 = vector.shape_cast %reshape3A_1010 : vector<16x1xi32> to vector<16xi32>
        %gather3A_1012 = tpu.dynamic_gather %get3A_963[%gather3A_1011] in [0] : vector<16xf32>, vector<16xi32> -> vector<16xf32>
        %mul3A_1013 = arith.constant 16 : i32
        %mul3A_1014 = arith.muli %scan3A_946, %mul3A_1013 : i32
        %add3A_1015 = arith.constant 1 : i32
        %add3A_1016 = arith.addi %mul3A_1014, %add3A_1015 : i32
        %get3A_1017 = arith.constant 0 : i32
        %get3A_1018 = arith.index_cast %get3A_1017 : i32 to index
        %get3A_1019 = arith.index_cast %add3A_1016 : i32 to index
        %get3A_1020 = arith.constant 0 : index
        %get3A_1021 = tpu.vector_load %arg15[%get3A_1018, %get3A_1019, %get3A_1020] {strides = array<i32>} : memref<2x200x64xf32, #tpu.memory_space<vmem>>, vector<1x1x16xf32>,
        %get3A_1022 = vector.shape_cast %get3A_1021 : vector<1x1x16xf32> to vector<16xf32>
        %mul3A_1023 = arith.mulf %get3A_1022, %gather3A_1012 : vector<16xf32>
        %add3A_1024 = arith.addf %add3A_982, %mul3A_1023 : vector<16xf32>
        %get3A_1025 = arith.constant 0 : i32
        %get3A_1026 = arith.index_cast %get3A_1025 : i32 to index
        %get3A_1027 = arith.index_cast %add3A_1016 : i32 to index
        %get3A_1028 = arith.constant 16 : index
        %get3A_1029 = tpu.vector_load %arg15[%get3A_1026, %get3A_1027, %get3A_1028] {strides = array<i32>} : memref<2x200x64xf32, #tpu.memory_space<vmem>>, vector<1x1x16xf32>,
        %get3A_1030 = vector.shape_cast %get3A_1029 : vector<1x1x16xf32> to vector<16xf32>
        %mul3A_1031 = arith.mulf %get3A_1030, %gather3A_1012 : vector<16xf32>
        %add3A_1032 = arith.addf %add3A_990, %mul3A_1031 : vector<16xf32>
        %get3A_1033 = arith.constant 0 : i32
        %get3A_1034 = arith.index_cast %get3A_1033 : i32 to index
        %get3A_1035 = arith.index_cast %add3A_1016 : i32 to index
        %get3A_1036 = arith.constant 32 : index
        %get3A_1037 = tpu.vector_load %arg15[%get3A_1034, %get3A_1035, %get3A_1036] {strides = array<i32>} : memref<2x200x64xf32, #tpu.memory_space<vmem>>, vector<1x1x16xf32>,
        %get3A_1038 = vector.shape_cast %get3A_1037 : vector<1x1x16xf32> to vector<16xf32>
        %mul3A_1039 = arith.mulf %get3A_1038, %gather3A_1012 : vector<16xf32>
        %add3A_1040 = arith.addf %add3A_998, %mul3A_1039 : vector<16xf32>
        %get3A_1041 = arith.constant 0 : i32
        %get3A_1042 = arith.index_cast %get3A_1041 : i32 to index
        %get3A_1043 = arith.index_cast %add3A_1016 : i32 to index
        %get3A_1044 = arith.constant 48 : index
        %get3A_1045 = tpu.vector_load %arg15[%get3A_1042, %get3A_1043, %get3A_1044] {strides = array<i32>} : memref<2x200x64xf32, #tpu.memory_space<vmem>>, vector<1x1x16xf32>,
        %get3A_1046 = vector.shape_cast %get3A_1045 : vector<1x1x16xf32> to vector<16xf32>
        %mul3A_1047 = arith.mulf %get3A_1046, %gather3A_1012 : vector<16xf32>
        %add3A_1048 = arith.addf %add3A_1006, %mul3A_1047 : vector<16xf32>
        %add3A_1049 = arith.constant 2 : i32
        %add3A_1050 = vector.broadcast %add3A_1049 : i32 to vector<16xi32>
        %add3A_1051 = arith.addi %mul3A_957, %add3A_1050 : vector<16xi32>
        %reshape3A_1052 = vector.shape_cast %add3A_1051 : vector<16xi32> to vector<16x1xi32>
        %gather3A_1053 = vector.shape_cast %reshape3A_1052 : vector<16x1xi32> to vector<16xi32>
        %gather3A_1054 = tpu.dynamic_gather %get3A_963[%gather3A_1053] in [0] : vector<16xf32>, vector<16xi32> -> vector<16xf32>
        %mul3A_1055 = arith.constant 16 : i32
        %mul3A_1056 = arith.muli %scan3A_946, %mul3A_1055 : i32
        %add3A_1057 = arith.constant 2 : i32
        %add3A_1058 = arith.addi %mul3A_1056, %add3A_1057 : i32
        %get3A_1059 = arith.constant 0 : i32
        %get3A_1060 = arith.index_cast %get3A_1059 : i32 to index
        %get3A_1061 = arith.index_cast %add3A_1058 : i32 to index
        %get3A_1062 = arith.constant 0 : index
        %get3A_1063 = tpu.vector_load %arg15[%get3A_1060, %get3A_1061, %get3A_1062] {strides = array<i32>} : memref<2x200x64xf32, #tpu.memory_space<vmem>>, vector<1x1x16xf32>,
        %get3A_1064 = vector.shape_cast %get3A_1063 : vector<1x1x16xf32> to vector<16xf32>
        %mul3A_1065 = arith.mulf %get3A_1064, %gather3A_1054 : vector<16xf32>
        %add3A_1066 = arith.addf %add3A_1024, %mul3A_1065 : vector<16xf32>
        %get3A_1067 = arith.constant 0 : i32
        %get3A_1068 = arith.index_cast %get3A_1067 : i32 to index
        %get3A_1069 = arith.index_cast %add3A_1058 : i32 to index
        %get3A_1070 = arith.constant 16 : index
        %get3A_1071 = tpu.vector_load %arg15[%get3A_1068, %get3A_1069, %get3A_1070] {strides = array<i32>} : memref<2x200x64xf32, #tpu.memory_space<vmem>>, vector<1x1x16xf32>,
        %get3A_1072 = vector.shape_cast %get3A_1071 : vector<1x1x16xf32> to vector<16xf32>
        %mul3A_1073 = arith.mulf %get3A_1072, %gather3A_1054 : vector<16xf32>
        %add3A_1074 = arith.addf %add3A_1032, %mul3A_1073 : vector<16xf32>
        %get3A_1075 = arith.constant 0 : i32
        %get3A_1076 = arith.index_cast %get3A_1075 : i32 to index
        %get3A_1077 = arith.index_cast %add3A_1058 : i32 to index
        %get3A_1078 = arith.constant 32 : index
        %get3A_1079 = tpu.vector_load %arg15[%get3A_1076, %get3A_1077, %get3A_1078] {strides = array<i32>} : memref<2x200x64xf32, #tpu.memory_space<vmem>>, vector<1x1x16xf32>,
        %get3A_1080 = vector.shape_cast %get3A_1079 : vector<1x1x16xf32> to vector<16xf32>
        %mul3A_1081 = arith.mulf %get3A_1080, %gather3A_1054 : vector<16xf32>
        %add3A_1082 = arith.addf %add3A_1040, %mul3A_1081 : vector<16xf32>
        %get3A_1083 = arith.constant 0 : i32
        %get3A_1084 = arith.index_cast %get3A_1083 : i32 to index
        %get3A_1085 = arith.index_cast %add3A_1058 : i32 to index
        %get3A_1086 = arith.constant 48 : index
        %get3A_1087 = tpu.vector_load %arg15[%get3A_1084, %get3A_1085, %get3A_1086] {strides = array<i32>} : memref<2x200x64xf32, #tpu.memory_space<vmem>>, vector<1x1x16xf32>,
        %get3A_1088 = vector.shape_cast %get3A_1087 : vector<1x1x16xf32> to vector<16xf32>
        %mul3A_1089 = arith.mulf %get3A_1088, %gather3A_1054 : vector<16xf32>
        %add3A_1090 = arith.addf %add3A_1048, %mul3A_1089 : vector<16xf32>
        %add3A_1091 = arith.constant 3 : i32
        %add3A_1092 = vector.broadcast %add3A_1091 : i32 to vector<16xi32>
        %add3A_1093 = arith.addi %mul3A_957, %add3A_1092 : vector<16xi32>
        %reshape3A_1094 = vector.shape_cast %add3A_1093 : vector<16xi32> to vector<16x1xi32>
        %gather3A_1095 = vector.shape_cast %reshape3A_1094 : vector<16x1xi32> to vector<16xi32>
        %gather3A_1096 = tpu.dynamic_gather %get3A_963[%gather3A_1095] in [0] : vector<16xf32>, vector<16xi32> -> vector<16xf32>
        %mul3A_1097 = arith.constant 16 : i32
        %mul3A_1098 = arith.muli %scan3A_946, %mul3A_1097 : i32
        %add3A_1099 = arith.constant 3 : i32
        %add3A_1100 = arith.addi %mul3A_1098, %add3A_1099 : i32
        %get3A_1101 = arith.constant 0 : i32
        %get3A_1102 = arith.index_cast %get3A_1101 : i32 to index
        %get3A_1103 = arith.index_cast %add3A_1100 : i32 to index
        %get3A_1104 = arith.constant 0 : index
        %get3A_1105 = tpu.vector_load %arg15[%get3A_1102, %get3A_1103, %get3A_1104] {strides = array<i32>} : memref<2x200x64xf32, #tpu.memory_space<vmem>>, vector<1x1x16xf32>,
        %get3A_1106 = vector.shape_cast %get3A_1105 : vector<1x1x16xf32> to vector<16xf32>
        %mul3A_1107 = arith.mulf %get3A_1106, %gather3A_1096 : vector<16xf32>
        %add3A_1108 = arith.addf %add3A_1066, %mul3A_1107 : vector<16xf32>
        %get3A_1109 = arith.constant 0 : i32
        %get3A_1110 = arith.index_cast %get3A_1109 : i32 to index
        %get3A_1111 = arith.index_cast %add3A_1100 : i32 to index
        %get3A_1112 = arith.constant 16 : index
        %get3A_1113 = tpu.vector_load %arg15[%get3A_1110, %get3A_1111, %get3A_1112] {strides = array<i32>} : memref<2x200x64xf32, #tpu.memory_space<vmem>>, vector<1x1x16xf32>,
        %get3A_1114 = vector.shape_cast %get3A_1113 : vector<1x1x16xf32> to vector<16xf32>
        %mul3A_1115 = arith.mulf %get3A_1114, %gather3A_1096 : vector<16xf32>
        %add3A_1116 = arith.addf %add3A_1074, %mul3A_1115 : vector<16xf32>
        %get3A_1117 = arith.constant 0 : i32
        %get3A_1118 = arith.index_cast %get3A_1117 : i32 to index
        %get3A_1119 = arith.index_cast %add3A_1100 : i32 to index
        %get3A_1120 = arith.constant 32 : index
        %get3A_1121 = tpu.vector_load %arg15[%get3A_1118, %get3A_1119, %get3A_1120] {strides = array<i32>} : memref<2x200x64xf32, #tpu.memory_space<vmem>>, vector<1x1x16xf32>,
        %get3A_1122 = vector.shape_cast %get3A_1121 : vector<1x1x16xf32> to vector<16xf32>
        %mul3A_1123 = arith.mulf %get3A_1122, %gather3A_1096 : vector<16xf32>
        %add3A_1124 = arith.addf %add3A_1082, %mul3A_1123 : vector<16xf32>
        %get3A_1125 = arith.constant 0 : i32
        %get3A_1126 = arith.index_cast %get3A_1125 : i32 to index
        %get3A_1127 = arith.index_cast %add3A_1100 : i32 to index
        %get3A_1128 = arith.constant 48 : index
        %get3A_1129 = tpu.vector_load %arg15[%get3A_1126, %get3A_1127, %get3A_1128] {strides = array<i32>} : memref<2x200x64xf32, #tpu.memory_space<vmem>>, vector<1x1x16xf32>,
        %get3A_1130 = vector.shape_cast %get3A_1129 : vector<1x1x16xf32> to vector<16xf32>
        %mul3A_1131 = arith.mulf %get3A_1130, %gather3A_1096 : vector<16xf32>
        %add3A_1132 = arith.addf %add3A_1090, %mul3A_1131 : vector<16xf32>
        %add3A_1133 = arith.constant 4 : i32
        %add3A_1134 = vector.broadcast %add3A_1133 : i32 to vector<16xi32>
        %add3A_1135 = arith.addi %mul3A_957, %add3A_1134 : vector<16xi32>
        %reshape3A_1136 = vector.shape_cast %add3A_1135 : vector<16xi32> to vector<16x1xi32>
        %gather3A_1137 = vector.shape_cast %reshape3A_1136 : vector<16x1xi32> to vector<16xi32>
        %gather3A_1138 = tpu.dynamic_gather %get3A_963[%gather3A_1137] in [0] : vector<16xf32>, vector<16xi32> -> vector<16xf32>
        %mul3A_1139 = arith.constant 16 : i32
        %mul3A_1140 = arith.muli %scan3A_946, %mul3A_1139 : i32
        %add3A_1141 = arith.constant 4 : i32
        %add3A_1142 = arith.addi %mul3A_1140, %add3A_1141 : i32
        %get3A_1143 = arith.constant 0 : i32
        %get3A_1144 = arith.index_cast %get3A_1143 : i32 to index
        %get3A_1145 = arith.index_cast %add3A_1142 : i32 to index
        %get3A_1146 = arith.constant 0 : index
        %get3A_1147 = tpu.vector_load %arg15[%get3A_1144, %get3A_1145, %get3A_1146] {strides = array<i32>} : memref<2x200x64xf32, #tpu.memory_space<vmem>>, vector<1x1x16xf32>,
        %get3A_1148 = vector.shape_cast %get3A_1147 : vector<1x1x16xf32> to vector<16xf32>
        %mul3A_1149 = arith.mulf %get3A_1148, %gather3A_1138 : vector<16xf32>
        %add3A_1150 = arith.addf %add3A_1108, %mul3A_1149 : vector<16xf32>
        %get3A_1151 = arith.constant 0 : i32
        %get3A_1152 = arith.index_cast %get3A_1151 : i32 to index
        %get3A_1153 = arith.index_cast %add3A_1142 : i32 to index
        %get3A_1154 = arith.constant 16 : index
        %get3A_1155 = tpu.vector_load %arg15[%get3A_1152, %get3A_1153, %get3A_1154] {strides = array<i32>} : memref<2x200x64xf32, #tpu.memory_space<vmem>>, vector<1x1x16xf32>,
        %get3A_1156 = vector.shape_cast %get3A_1155 : vector<1x1x16xf32> to vector<16xf32>
        %mul3A_1157 = arith.mulf %get3A_1156, %gather3A_1138 : vector<16xf32>
        %add3A_1158 = arith.addf %add3A_1116, %mul3A_1157 : vector<16xf32>
        %get3A_1159 = arith.constant 0 : i32
        %get3A_1160 = arith.index_cast %get3A_1159 : i32 to index
        %get3A_1161 = arith.index_cast %add3A_1142 : i32 to index
        %get3A_1162 = arith.constant 32 : index
        %get3A_1163 = tpu.vector_load %arg15[%get3A_1160, %get3A_1161, %get3A_1162] {strides = array<i32>} : memref<2x200x64xf32, #tpu.memory_space<vmem>>, vector<1x1x16xf32>,
        %get3A_1164 = vector.shape_cast %get3A_1163 : vector<1x1x16xf32> to vector<16xf32>
        %mul3A_1165 = arith.mulf %get3A_1164, %gather3A_1138 : vector<16xf32>
        %add3A_1166 = arith.addf %add3A_1124, %mul3A_1165 : vector<16xf32>
        %get3A_1167 = arith.constant 0 : i32
        %get3A_1168 = arith.index_cast %get3A_1167 : i32 to index
        %get3A_1169 = arith.index_cast %add3A_1142 : i32 to index
        %get3A_1170 = arith.constant 48 : index
        %get3A_1171 = tpu.vector_load %arg15[%get3A_1168, %get3A_1169, %get3A_1170] {strides = array<i32>} : memref<2x200x64xf32, #tpu.memory_space<vmem>>, vector<1x1x16xf32>,
        %get3A_1172 = vector.shape_cast %get3A_1171 : vector<1x1x16xf32> to vector<16xf32>
        %mul3A_1173 = arith.mulf %get3A_1172, %gather3A_1138 : vector<16xf32>
        %add3A_1174 = arith.addf %add3A_1132, %mul3A_1173 : vector<16xf32>
        %add3A_1175 = arith.constant 5 : i32
        %add3A_1176 = vector.broadcast %add3A_1175 : i32 to vector<16xi32>
        %add3A_1177 = arith.addi %mul3A_957, %add3A_1176 : vector<16xi32>
        %reshape3A_1178 = vector.shape_cast %add3A_1177 : vector<16xi32> to vector<16x1xi32>
        %gather3A_1179 = vector.shape_cast %reshape3A_1178 : vector<16x1xi32> to vector<16xi32>
        %gather3A_1180 = tpu.dynamic_gather %get3A_963[%gather3A_1179] in [0] : vector<16xf32>, vector<16xi32> -> vector<16xf32>
        %mul3A_1181 = arith.constant 16 : i32
        %mul3A_1182 = arith.muli %scan3A_946, %mul3A_1181 : i32
        %add3A_1183 = arith.constant 5 : i32
        %add3A_1184 = arith.addi %mul3A_1182, %add3A_1183 : i32
        %get3A_1185 = arith.constant 0 : i32
        %get3A_1186 = arith.index_cast %get3A_1185 : i32 to index
        %get3A_1187 = arith.index_cast %add3A_1184 : i32 to index
        %get3A_1188 = arith.constant 0 : index
        %get3A_1189 = tpu.vector_load %arg15[%get3A_1186, %get3A_1187, %get3A_1188] {strides = array<i32>} : memref<2x200x64xf32, #tpu.memory_space<vmem>>, vector<1x1x16xf32>,
        %get3A_1190 = vector.shape_cast %get3A_1189 : vector<1x1x16xf32> to vector<16xf32>
        %mul3A_1191 = arith.mulf %get3A_1190, %gather3A_1180 : vector<16xf32>
        %add3A_1192 = arith.addf %add3A_1150, %mul3A_1191 : vector<16xf32>
        %get3A_1193 = arith.constant 0 : i32
        %get3A_1194 = arith.index_cast %get3A_1193 : i32 to index
        %get3A_1195 = arith.index_cast %add3A_1184 : i32 to index
        %get3A_1196 = arith.constant 16 : index
        %get3A_1197 = tpu.vector_load %arg15[%get3A_1194, %get3A_1195, %get3A_1196] {strides = array<i32>} : memref<2x200x64xf32, #tpu.memory_space<vmem>>, vector<1x1x16xf32>,
        %get3A_1198 = vector.shape_cast %get3A_1197 : vector<1x1x16xf32> to vector<16xf32>
        %mul3A_1199 = arith.mulf %get3A_1198, %gather3A_1180 : vector<16xf32>
        %add3A_1200 = arith.addf %add3A_1158, %mul3A_1199 : vector<16xf32>
        %get3A_1201 = arith.constant 0 : i32
        %get3A_1202 = arith.index_cast %get3A_1201 : i32 to index
        %get3A_1203 = arith.index_cast %add3A_1184 : i32 to index
        %get3A_1204 = arith.constant 32 : index
        %get3A_1205 = tpu.vector_load %arg15[%get3A_1202, %get3A_1203, %get3A_1204] {strides = array<i32>} : memref<2x200x64xf32, #tpu.memory_space<vmem>>, vector<1x1x16xf32>,
        %get3A_1206 = vector.shape_cast %get3A_1205 : vector<1x1x16xf32> to vector<16xf32>
        %mul3A_1207 = arith.mulf %get3A_1206, %gather3A_1180 : vector<16xf32>
        %add3A_1208 = arith.addf %add3A_1166, %mul3A_1207 : vector<16xf32>
        %get3A_1209 = arith.constant 0 : i32
        %get3A_1210 = arith.index_cast %get3A_1209 : i32 to index
        %get3A_1211 = arith.index_cast %add3A_1184 : i32 to index
        %get3A_1212 = arith.constant 48 : index
        %get3A_1213 = tpu.vector_load %arg15[%get3A_1210, %get3A_1211, %get3A_1212] {strides = array<i32>} : memref<2x200x64xf32, #tpu.memory_space<vmem>>, vector<1x1x16xf32>,
        %get3A_1214 = vector.shape_cast %get3A_1213 : vector<1x1x16xf32> to vector<16xf32>
        %mul3A_1215 = arith.mulf %get3A_1214, %gather3A_1180 : vector<16xf32>
        %add3A_1216 = arith.addf %add3A_1174, %mul3A_1215 : vector<16xf32>
        %add3A_1217 = arith.constant 6 : i32
        %add3A_1218 = vector.broadcast %add3A_1217 : i32 to vector<16xi32>
        %add3A_1219 = arith.addi %mul3A_957, %add3A_1218 : vector<16xi32>
        %reshape3A_1220 = vector.shape_cast %add3A_1219 : vector<16xi32> to vector<16x1xi32>
        %gather3A_1221 = vector.shape_cast %reshape3A_1220 : vector<16x1xi32> to vector<16xi32>
        %gather3A_1222 = tpu.dynamic_gather %get3A_963[%gather3A_1221] in [0] : vector<16xf32>, vector<16xi32> -> vector<16xf32>
        %mul3A_1223 = arith.constant 16 : i32
        %mul3A_1224 = arith.muli %scan3A_946, %mul3A_1223 : i32
        %add3A_1225 = arith.constant 6 : i32
        %add3A_1226 = arith.addi %mul3A_1224, %add3A_1225 : i32
        %get3A_1227 = arith.constant 0 : i32
        %get3A_1228 = arith.index_cast %get3A_1227 : i32 to index
        %get3A_1229 = arith.index_cast %add3A_1226 : i32 to index
        %get3A_1230 = arith.constant 0 : index
        %get3A_1231 = tpu.vector_load %arg15[%get3A_1228, %get3A_1229, %get3A_1230] {strides = array<i32>} : memref<2x200x64xf32, #tpu.memory_space<vmem>>, vector<1x1x16xf32>,
        %get3A_1232 = vector.shape_cast %get3A_1231 : vector<1x1x16xf32> to vector<16xf32>
        %mul3A_1233 = arith.mulf %get3A_1232, %gather3A_1222 : vector<16xf32>
        %add3A_1234 = arith.addf %add3A_1192, %mul3A_1233 : vector<16xf32>
        %get3A_1235 = arith.constant 0 : i32
        %get3A_1236 = arith.index_cast %get3A_1235 : i32 to index
        %get3A_1237 = arith.index_cast %add3A_1226 : i32 to index
        %get3A_1238 = arith.constant 16 : index
        %get3A_1239 = tpu.vector_load %arg15[%get3A_1236, %get3A_1237, %get3A_1238] {strides = array<i32>} : memref<2x200x64xf32, #tpu.memory_space<vmem>>, vector<1x1x16xf32>,
        %get3A_1240 = vector.shape_cast %get3A_1239 : vector<1x1x16xf32> to vector<16xf32>
        %mul3A_1241 = arith.mulf %get3A_1240, %gather3A_1222 : vector<16xf32>
        %add3A_1242 = arith.addf %add3A_1200, %mul3A_1241 : vector<16xf32>
        %get3A_1243 = arith.constant 0 : i32
        %get3A_1244 = arith.index_cast %get3A_1243 : i32 to index
        %get3A_1245 = arith.index_cast %add3A_1226 : i32 to index
        %get3A_1246 = arith.constant 32 : index
        %get3A_1247 = tpu.vector_load %arg15[%get3A_1244, %get3A_1245, %get3A_1246] {strides = array<i32>} : memref<2x200x64xf32, #tpu.memory_space<vmem>>, vector<1x1x16xf32>,
        %get3A_1248 = vector.shape_cast %get3A_1247 : vector<1x1x16xf32> to vector<16xf32>
        %mul3A_1249 = arith.mulf %get3A_1248, %gather3A_1222 : vector<16xf32>
        %add3A_1250 = arith.addf %add3A_1208, %mul3A_1249 : vector<16xf32>
        %get3A_1251 = arith.constant 0 : i32
        %get3A_1252 = arith.index_cast %get3A_1251 : i32 to index
        %get3A_1253 = arith.index_cast %add3A_1226 : i32 to index
        %get3A_1254 = arith.constant 48 : index
        %get3A_1255 = tpu.vector_load %arg15[%get3A_1252, %get3A_1253, %get3A_1254] {strides = array<i32>} : memref<2x200x64xf32, #tpu.memory_space<vmem>>, vector<1x1x16xf32>,
        %get3A_1256 = vector.shape_cast %get3A_1255 : vector<1x1x16xf32> to vector<16xf32>
        %mul3A_1257 = arith.mulf %get3A_1256, %gather3A_1222 : vector<16xf32>
        %add3A_1258 = arith.addf %add3A_1216, %mul3A_1257 : vector<16xf32>
        %add3A_1259 = arith.constant 7 : i32
        %add3A_1260 = vector.broadcast %add3A_1259 : i32 to vector<16xi32>
        %add3A_1261 = arith.addi %mul3A_957, %add3A_1260 : vector<16xi32>
        %reshape3A_1262 = vector.shape_cast %add3A_1261 : vector<16xi32> to vector<16x1xi32>
        %gather3A_1263 = vector.shape_cast %reshape3A_1262 : vector<16x1xi32> to vector<16xi32>
        %gather3A_1264 = tpu.dynamic_gather %get3A_963[%gather3A_1263] in [0] : vector<16xf32>, vector<16xi32> -> vector<16xf32>
        %mul3A_1265 = arith.constant 16 : i32
        %mul3A_1266 = arith.muli %scan3A_946, %mul3A_1265 : i32
        %add3A_1267 = arith.constant 7 : i32
        %add3A_1268 = arith.addi %mul3A_1266, %add3A_1267 : i32
        %get3A_1269 = arith.constant 0 : i32
        %get3A_1270 = arith.index_cast %get3A_1269 : i32 to index
        %get3A_1271 = arith.index_cast %add3A_1268 : i32 to index
        %get3A_1272 = arith.constant 0 : index
        %get3A_1273 = tpu.vector_load %arg15[%get3A_1270, %get3A_1271, %get3A_1272] {strides = array<i32>} : memref<2x200x64xf32, #tpu.memory_space<vmem>>, vector<1x1x16xf32>,
        %get3A_1274 = vector.shape_cast %get3A_1273 : vector<1x1x16xf32> to vector<16xf32>
        %mul3A_1275 = arith.mulf %get3A_1274, %gather3A_1264 : vector<16xf32>
        %add3A_1276 = arith.addf %add3A_1234, %mul3A_1275 : vector<16xf32>
        %get3A_1277 = arith.constant 0 : i32
        %get3A_1278 = arith.index_cast %get3A_1277 : i32 to index
        %get3A_1279 = arith.index_cast %add3A_1268 : i32 to index
        %get3A_1280 = arith.constant 16 : index
        %get3A_1281 = tpu.vector_load %arg15[%get3A_1278, %get3A_1279, %get3A_1280] {strides = array<i32>} : memref<2x200x64xf32, #tpu.memory_space<vmem>>, vector<1x1x16xf32>,
        %get3A_1282 = vector.shape_cast %get3A_1281 : vector<1x1x16xf32> to vector<16xf32>
        %mul3A_1283 = arith.mulf %get3A_1282, %gather3A_1264 : vector<16xf32>
        %add3A_1284 = arith.addf %add3A_1242, %mul3A_1283 : vector<16xf32>
        %get3A_1285 = arith.constant 0 : i32
        %get3A_1286 = arith.index_cast %get3A_1285 : i32 to index
        %get3A_1287 = arith.index_cast %add3A_1268 : i32 to index
        %get3A_1288 = arith.constant 32 : index
        %get3A_1289 = tpu.vector_load %arg15[%get3A_1286, %get3A_1287, %get3A_1288] {strides = array<i32>} : memref<2x200x64xf32, #tpu.memory_space<vmem>>, vector<1x1x16xf32>,
        %get3A_1290 = vector.shape_cast %get3A_1289 : vector<1x1x16xf32> to vector<16xf32>
        %mul3A_1291 = arith.mulf %get3A_1290, %gather3A_1264 : vector<16xf32>
        %add3A_1292 = arith.addf %add3A_1250, %mul3A_1291 : vector<16xf32>
        %get3A_1293 = arith.constant 0 : i32
        %get3A_1294 = arith.index_cast %get3A_1293 : i32 to index
        %get3A_1295 = arith.index_cast %add3A_1268 : i32 to index
        %get3A_1296 = arith.constant 48 : index
        %get3A_1297 = tpu.vector_load %arg15[%get3A_1294, %get3A_1295, %get3A_1296] {strides = array<i32>} : memref<2x200x64xf32, #tpu.memory_space<vmem>>, vector<1x1x16xf32>,
        %get3A_1298 = vector.shape_cast %get3A_1297 : vector<1x1x16xf32> to vector<16xf32>
        %mul3A_1299 = arith.mulf %get3A_1298, %gather3A_1264 : vector<16xf32>
        %add3A_1300 = arith.addf %add3A_1258, %mul3A_1299 : vector<16xf32>
        %add3A_1301 = arith.constant 8 : i32
        %add3A_1302 = vector.broadcast %add3A_1301 : i32 to vector<16xi32>
        %add3A_1303 = arith.addi %mul3A_957, %add3A_1302 : vector<16xi32>
        %reshape3A_1304 = vector.shape_cast %add3A_1303 : vector<16xi32> to vector<16x1xi32>
        %gather3A_1305 = vector.shape_cast %reshape3A_1304 : vector<16x1xi32> to vector<16xi32>
        %gather3A_1306 = tpu.dynamic_gather %get3A_963[%gather3A_1305] in [0] : vector<16xf32>, vector<16xi32> -> vector<16xf32>
        %mul3A_1307 = arith.constant 16 : i32
        %mul3A_1308 = arith.muli %scan3A_946, %mul3A_1307 : i32
        %add3A_1309 = arith.constant 8 : i32
        %add3A_1310 = arith.addi %mul3A_1308, %add3A_1309 : i32
        %get3A_1311 = arith.constant 0 : i32
        %get3A_1312 = arith.index_cast %get3A_1311 : i32 to index
        %get3A_1313 = arith.index_cast %add3A_1310 : i32 to index
        %get3A_1314 = arith.constant 0 : index
        %get3A_1315 = tpu.vector_load %arg15[%get3A_1312, %get3A_1313, %get3A_1314] {strides = array<i32>} : memref<2x200x64xf32, #tpu.memory_space<vmem>>, vector<1x1x16xf32>,
        %get3A_1316 = vector.shape_cast %get3A_1315 : vector<1x1x16xf32> to vector<16xf32>
        %mul3A_1317 = arith.mulf %get3A_1316, %gather3A_1306 : vector<16xf32>
        %add3A_1318 = arith.addf %add3A_1276, %mul3A_1317 : vector<16xf32>
        %get3A_1319 = arith.constant 0 : i32
        %get3A_1320 = arith.index_cast %get3A_1319 : i32 to index
        %get3A_1321 = arith.index_cast %add3A_1310 : i32 to index
        %get3A_1322 = arith.constant 16 : index
        %get3A_1323 = tpu.vector_load %arg15[%get3A_1320, %get3A_1321, %get3A_1322] {strides = array<i32>} : memref<2x200x64xf32, #tpu.memory_space<vmem>>, vector<1x1x16xf32>,
        %get3A_1324 = vector.shape_cast %get3A_1323 : vector<1x1x16xf32> to vector<16xf32>
        %mul3A_1325 = arith.mulf %get3A_1324, %gather3A_1306 : vector<16xf32>
        %add3A_1326 = arith.addf %add3A_1284, %mul3A_1325 : vector<16xf32>
        %get3A_1327 = arith.constant 0 : i32
        %get3A_1328 = arith.index_cast %get3A_1327 : i32 to index
        %get3A_1329 = arith.index_cast %add3A_1310 : i32 to index
        %get3A_1330 = arith.constant 32 : index
        %get3A_1331 = tpu.vector_load %arg15[%get3A_1328, %get3A_1329, %get3A_1330] {strides = array<i32>} : memref<2x200x64xf32, #tpu.memory_space<vmem>>, vector<1x1x16xf32>,
        %get3A_1332 = vector.shape_cast %get3A_1331 : vector<1x1x16xf32> to vector<16xf32>
        %mul3A_1333 = arith.mulf %get3A_1332, %gather3A_1306 : vector<16xf32>
        %add3A_1334 = arith.addf %add3A_1292, %mul3A_1333 : vector<16xf32>
        %get3A_1335 = arith.constant 0 : i32
        %get3A_1336 = arith.index_cast %get3A_1335 : i32 to index
        %get3A_1337 = arith.index_cast %add3A_1310 : i32 to index
        %get3A_1338 = arith.constant 48 : index
        %get3A_1339 = tpu.vector_load %arg15[%get3A_1336, %get3A_1337, %get3A_1338] {strides = array<i32>} : memref<2x200x64xf32, #tpu.memory_space<vmem>>, vector<1x1x16xf32>,
        %get3A_1340 = vector.shape_cast %get3A_1339 : vector<1x1x16xf32> to vector<16xf32>
        %mul3A_1341 = arith.mulf %get3A_1340, %gather3A_1306 : vector<16xf32>
        %add3A_1342 = arith.addf %add3A_1300, %mul3A_1341 : vector<16xf32>
        %add3A_1343 = arith.constant 9 : i32
        %add3A_1344 = vector.broadcast %add3A_1343 : i32 to vector<16xi32>
        %add3A_1345 = arith.addi %mul3A_957, %add3A_1344 : vector<16xi32>
        %reshape3A_1346 = vector.shape_cast %add3A_1345 : vector<16xi32> to vector<16x1xi32>
        %gather3A_1347 = vector.shape_cast %reshape3A_1346 : vector<16x1xi32> to vector<16xi32>
        %gather3A_1348 = tpu.dynamic_gather %get3A_963[%gather3A_1347] in [0] : vector<16xf32>, vector<16xi32> -> vector<16xf32>
        %mul3A_1349 = arith.constant 16 : i32
        %mul3A_1350 = arith.muli %scan3A_946, %mul3A_1349 : i32
        %add3A_1351 = arith.constant 9 : i32
        %add3A_1352 = arith.addi %mul3A_1350, %add3A_1351 : i32
        %get3A_1353 = arith.constant 0 : i32
        %get3A_1354 = arith.index_cast %get3A_1353 : i32 to index
        %get3A_1355 = arith.index_cast %add3A_1352 : i32 to index
        %get3A_1356 = arith.constant 0 : index
        %get3A_1357 = tpu.vector_load %arg15[%get3A_1354, %get3A_1355, %get3A_1356] {strides = array<i32>} : memref<2x200x64xf32, #tpu.memory_space<vmem>>, vector<1x1x16xf32>,
        %get3A_1358 = vector.shape_cast %get3A_1357 : vector<1x1x16xf32> to vector<16xf32>
        %mul3A_1359 = arith.mulf %get3A_1358, %gather3A_1348 : vector<16xf32>
        %add3A_1360 = arith.addf %add3A_1318, %mul3A_1359 : vector<16xf32>
        %get3A_1361 = arith.constant 0 : i32
        %get3A_1362 = arith.index_cast %get3A_1361 : i32 to index
        %get3A_1363 = arith.index_cast %add3A_1352 : i32 to index
        %get3A_1364 = arith.constant 16 : index
        %get3A_1365 = tpu.vector_load %arg15[%get3A_1362, %get3A_1363, %get3A_1364] {strides = array<i32>} : memref<2x200x64xf32, #tpu.memory_space<vmem>>, vector<1x1x16xf32>,
        %get3A_1366 = vector.shape_cast %get3A_1365 : vector<1x1x16xf32> to vector<16xf32>
        %mul3A_1367 = arith.mulf %get3A_1366, %gather3A_1348 : vector<16xf32>
        %add3A_1368 = arith.addf %add3A_1326, %mul3A_1367 : vector<16xf32>
        %get3A_1369 = arith.constant 0 : i32
        %get3A_1370 = arith.index_cast %get3A_1369 : i32 to index
        %get3A_1371 = arith.index_cast %add3A_1352 : i32 to index
        %get3A_1372 = arith.constant 32 : index
        %get3A_1373 = tpu.vector_load %arg15[%get3A_1370, %get3A_1371, %get3A_1372] {strides = array<i32>} : memref<2x200x64xf32, #tpu.memory_space<vmem>>, vector<1x1x16xf32>,
        %get3A_1374 = vector.shape_cast %get3A_1373 : vector<1x1x16xf32> to vector<16xf32>
        %mul3A_1375 = arith.mulf %get3A_1374, %gather3A_1348 : vector<16xf32>
        %add3A_1376 = arith.addf %add3A_1334, %mul3A_1375 : vector<16xf32>
        %get3A_1377 = arith.constant 0 : i32
        %get3A_1378 = arith.index_cast %get3A_1377 : i32 to index
        %get3A_1379 = arith.index_cast %add3A_1352 : i32 to index
        %get3A_1380 = arith.constant 48 : index
        %get3A_1381 = tpu.vector_load %arg15[%get3A_1378, %get3A_1379, %get3A_1380] {strides = array<i32>} : memref<2x200x64xf32, #tpu.memory_space<vmem>>, vector<1x1x16xf32>,
        %get3A_1382 = vector.shape_cast %get3A_1381 : vector<1x1x16xf32> to vector<16xf32>
        %mul3A_1383 = arith.mulf %get3A_1382, %gather3A_1348 : vector<16xf32>
        %add3A_1384 = arith.addf %add3A_1342, %mul3A_1383 : vector<16xf32>
        %add3A_1385 = arith.constant 10 : i32
        %add3A_1386 = vector.broadcast %add3A_1385 : i32 to vector<16xi32>
        %add3A_1387 = arith.addi %mul3A_957, %add3A_1386 : vector<16xi32>
        %reshape3A_1388 = vector.shape_cast %add3A_1387 : vector<16xi32> to vector<16x1xi32>
        %gather3A_1389 = vector.shape_cast %reshape3A_1388 : vector<16x1xi32> to vector<16xi32>
        %gather3A_1390 = tpu.dynamic_gather %get3A_963[%gather3A_1389] in [0] : vector<16xf32>, vector<16xi32> -> vector<16xf32>
        %mul3A_1391 = arith.constant 16 : i32
        %mul3A_1392 = arith.muli %scan3A_946, %mul3A_1391 : i32
        %add3A_1393 = arith.constant 10 : i32
        %add3A_1394 = arith.addi %mul3A_1392, %add3A_1393 : i32
        %get3A_1395 = arith.constant 0 : i32
        %get3A_1396 = arith.index_cast %get3A_1395 : i32 to index
        %get3A_1397 = arith.index_cast %add3A_1394 : i32 to index
        %get3A_1398 = arith.constant 0 : index
        %get3A_1399 = tpu.vector_load %arg15[%get3A_1396, %get3A_1397, %get3A_1398] {strides = array<i32>} : memref<2x200x64xf32, #tpu.memory_space<vmem>>, vector<1x1x16xf32>,
        %get3A_1400 = vector.shape_cast %get3A_1399 : vector<1x1x16xf32> to vector<16xf32>
        %mul3A_1401 = arith.mulf %get3A_1400, %gather3A_1390 : vector<16xf32>
        %add3A_1402 = arith.addf %add3A_1360, %mul3A_1401 : vector<16xf32>
        %get3A_1403 = arith.constant 0 : i32
        %get3A_1404 = arith.index_cast %get3A_1403 : i32 to index
        %get3A_1405 = arith.index_cast %add3A_1394 : i32 to index
        %get3A_1406 = arith.constant 16 : index
        %get3A_1407 = tpu.vector_load %arg15[%get3A_1404, %get3A_1405, %get3A_1406] {strides = array<i32>} : memref<2x200x64xf32, #tpu.memory_space<vmem>>, vector<1x1x16xf32>,
        %get3A_1408 = vector.shape_cast %get3A_1407 : vector<1x1x16xf32> to vector<16xf32>
        %mul3A_1409 = arith.mulf %get3A_1408, %gather3A_1390 : vector<16xf32>
        %add3A_1410 = arith.addf %add3A_1368, %mul3A_1409 : vector<16xf32>
        %get3A_1411 = arith.constant 0 : i32
        %get3A_1412 = arith.index_cast %get3A_1411 : i32 to index
        %get3A_1413 = arith.index_cast %add3A_1394 : i32 to index
        %get3A_1414 = arith.constant 32 : index
        %get3A_1415 = tpu.vector_load %arg15[%get3A_1412, %get3A_1413, %get3A_1414] {strides = array<i32>} : memref<2x200x64xf32, #tpu.memory_space<vmem>>, vector<1x1x16xf32>,
        %get3A_1416 = vector.shape_cast %get3A_1415 : vector<1x1x16xf32> to vector<16xf32>
        %mul3A_1417 = arith.mulf %get3A_1416, %gather3A_1390 : vector<16xf32>
        %add3A_1418 = arith.addf %add3A_1376, %mul3A_1417 : vector<16xf32>
        %get3A_1419 = arith.constant 0 : i32
        %get3A_1420 = arith.index_cast %get3A_1419 : i32 to index
        %get3A_1421 = arith.index_cast %add3A_1394 : i32 to index
        %get3A_1422 = arith.constant 48 : index
        %get3A_1423 = tpu.vector_load %arg15[%get3A_1420, %get3A_1421, %get3A_1422] {strides = array<i32>} : memref<2x200x64xf32, #tpu.memory_space<vmem>>, vector<1x1x16xf32>,
        %get3A_1424 = vector.shape_cast %get3A_1423 : vector<1x1x16xf32> to vector<16xf32>
        %mul3A_1425 = arith.mulf %get3A_1424, %gather3A_1390 : vector<16xf32>
        %add3A_1426 = arith.addf %add3A_1384, %mul3A_1425 : vector<16xf32>
        %add3A_1427 = arith.constant 11 : i32
        %add3A_1428 = vector.broadcast %add3A_1427 : i32 to vector<16xi32>
        %add3A_1429 = arith.addi %mul3A_957, %add3A_1428 : vector<16xi32>
        %reshape3A_1430 = vector.shape_cast %add3A_1429 : vector<16xi32> to vector<16x1xi32>
        %gather3A_1431 = vector.shape_cast %reshape3A_1430 : vector<16x1xi32> to vector<16xi32>
        %gather3A_1432 = tpu.dynamic_gather %get3A_963[%gather3A_1431] in [0] : vector<16xf32>, vector<16xi32> -> vector<16xf32>
        %mul3A_1433 = arith.constant 16 : i32
        %mul3A_1434 = arith.muli %scan3A_946, %mul3A_1433 : i32
        %add3A_1435 = arith.constant 11 : i32
        %add3A_1436 = arith.addi %mul3A_1434, %add3A_1435 : i32
        %get3A_1437 = arith.constant 0 : i32
        %get3A_1438 = arith.index_cast %get3A_1437 : i32 to index
        %get3A_1439 = arith.index_cast %add3A_1436 : i32 to index
        %get3A_1440 = arith.constant 0 : index
        %get3A_1441 = tpu.vector_load %arg15[%get3A_1438, %get3A_1439, %get3A_1440] {strides = array<i32>} : memref<2x200x64xf32, #tpu.memory_space<vmem>>, vector<1x1x16xf32>,
        %get3A_1442 = vector.shape_cast %get3A_1441 : vector<1x1x16xf32> to vector<16xf32>
        %mul3A_1443 = arith.mulf %get3A_1442, %gather3A_1432 : vector<16xf32>
        %add3A_1444 = arith.addf %add3A_1402, %mul3A_1443 : vector<16xf32>
        %get3A_1445 = arith.constant 0 : i32
        %get3A_1446 = arith.index_cast %get3A_1445 : i32 to index
        %get3A_1447 = arith.index_cast %add3A_1436 : i32 to index
        %get3A_1448 = arith.constant 16 : index
        %get3A_1449 = tpu.vector_load %arg15[%get3A_1446, %get3A_1447, %get3A_1448] {strides = array<i32>} : memref<2x200x64xf32, #tpu.memory_space<vmem>>, vector<1x1x16xf32>,
        %get3A_1450 = vector.shape_cast %get3A_1449 : vector<1x1x16xf32> to vector<16xf32>
        %mul3A_1451 = arith.mulf %get3A_1450, %gather3A_1432 : vector<16xf32>
        %add3A_1452 = arith.addf %add3A_1410, %mul3A_1451 : vector<16xf32>
        %get3A_1453 = arith.constant 0 : i32
        %get3A_1454 = arith.index_cast %get3A_1453 : i32 to index
        %get3A_1455 = arith.index_cast %add3A_1436 : i32 to index
        %get3A_1456 = arith.constant 32 : index
        %get3A_1457 = tpu.vector_load %arg15[%get3A_1454, %get3A_1455, %get3A_1456] {strides = array<i32>} : memref<2x200x64xf32, #tpu.memory_space<vmem>>, vector<1x1x16xf32>,
        %get3A_1458 = vector.shape_cast %get3A_1457 : vector<1x1x16xf32> to vector<16xf32>
        %mul3A_1459 = arith.mulf %get3A_1458, %gather3A_1432 : vector<16xf32>
        %add3A_1460 = arith.addf %add3A_1418, %mul3A_1459 : vector<16xf32>
        %get3A_1461 = arith.constant 0 : i32
        %get3A_1462 = arith.index_cast %get3A_1461 : i32 to index
        %get3A_1463 = arith.index_cast %add3A_1436 : i32 to index
        %get3A_1464 = arith.constant 48 : index
        %get3A_1465 = tpu.vector_load %arg15[%get3A_1462, %get3A_1463, %get3A_1464] {strides = array<i32>} : memref<2x200x64xf32, #tpu.memory_space<vmem>>, vector<1x1x16xf32>,
        %get3A_1466 = vector.shape_cast %get3A_1465 : vector<1x1x16xf32> to vector<16xf32>
        %mul3A_1467 = arith.mulf %get3A_1466, %gather3A_1432 : vector<16xf32>
        %add3A_1468 = arith.addf %add3A_1426, %mul3A_1467 : vector<16xf32>
        %add3A_1469 = arith.constant 12 : i32
        %add3A_1470 = vector.broadcast %add3A_1469 : i32 to vector<16xi32>
        %add3A_1471 = arith.addi %mul3A_957, %add3A_1470 : vector<16xi32>
        %reshape3A_1472 = vector.shape_cast %add3A_1471 : vector<16xi32> to vector<16x1xi32>
        %gather3A_1473 = vector.shape_cast %reshape3A_1472 : vector<16x1xi32> to vector<16xi32>
        %gather3A_1474 = tpu.dynamic_gather %get3A_963[%gather3A_1473] in [0] : vector<16xf32>, vector<16xi32> -> vector<16xf32>
        %mul3A_1475 = arith.constant 16 : i32
        %mul3A_1476 = arith.muli %scan3A_946, %mul3A_1475 : i32
        %add3A_1477 = arith.constant 12 : i32
        %add3A_1478 = arith.addi %mul3A_1476, %add3A_1477 : i32
        %get3A_1479 = arith.constant 0 : i32
        %get3A_1480 = arith.index_cast %get3A_1479 : i32 to index
        %get3A_1481 = arith.index_cast %add3A_1478 : i32 to index
        %get3A_1482 = arith.constant 0 : index
        %get3A_1483 = tpu.vector_load %arg15[%get3A_1480, %get3A_1481, %get3A_1482] {strides = array<i32>} : memref<2x200x64xf32, #tpu.memory_space<vmem>>, vector<1x1x16xf32>,
        %get3A_1484 = vector.shape_cast %get3A_1483 : vector<1x1x16xf32> to vector<16xf32>
        %mul3A_1485 = arith.mulf %get3A_1484, %gather3A_1474 : vector<16xf32>
        %add3A_1486 = arith.addf %add3A_1444, %mul3A_1485 : vector<16xf32>
        %get3A_1487 = arith.constant 0 : i32
        %get3A_1488 = arith.index_cast %get3A_1487 : i32 to index
        %get3A_1489 = arith.index_cast %add3A_1478 : i32 to index
        %get3A_1490 = arith.constant 16 : index
        %get3A_1491 = tpu.vector_load %arg15[%get3A_1488, %get3A_1489, %get3A_1490] {strides = array<i32>} : memref<2x200x64xf32, #tpu.memory_space<vmem>>, vector<1x1x16xf32>,
        %get3A_1492 = vector.shape_cast %get3A_1491 : vector<1x1x16xf32> to vector<16xf32>
        %mul3A_1493 = arith.mulf %get3A_1492, %gather3A_1474 : vector<16xf32>
        %add3A_1494 = arith.addf %add3A_1452, %mul3A_1493 : vector<16xf32>
        %get3A_1495 = arith.constant 0 : i32
        %get3A_1496 = arith.index_cast %get3A_1495 : i32 to index
        %get3A_1497 = arith.index_cast %add3A_1478 : i32 to index
        %get3A_1498 = arith.constant 32 : index
        %get3A_1499 = tpu.vector_load %arg15[%get3A_1496, %get3A_1497, %get3A_1498] {strides = array<i32>} : memref<2x200x64xf32, #tpu.memory_space<vmem>>, vector<1x1x16xf32>,
        %get3A_1500 = vector.shape_cast %get3A_1499 : vector<1x1x16xf32> to vector<16xf32>
        %mul3A_1501 = arith.mulf %get3A_1500, %gather3A_1474 : vector<16xf32>
        %add3A_1502 = arith.addf %add3A_1460, %mul3A_1501 : vector<16xf32>
        %get3A_1503 = arith.constant 0 : i32
        %get3A_1504 = arith.index_cast %get3A_1503 : i32 to index
        %get3A_1505 = arith.index_cast %add3A_1478 : i32 to index
        %get3A_1506 = arith.constant 48 : index
        %get3A_1507 = tpu.vector_load %arg15[%get3A_1504, %get3A_1505, %get3A_1506] {strides = array<i32>} : memref<2x200x64xf32, #tpu.memory_space<vmem>>, vector<1x1x16xf32>,
        %get3A_1508 = vector.shape_cast %get3A_1507 : vector<1x1x16xf32> to vector<16xf32>
        %mul3A_1509 = arith.mulf %get3A_1508, %gather3A_1474 : vector<16xf32>
        %add3A_1510 = arith.addf %add3A_1468, %mul3A_1509 : vector<16xf32>
        %add3A_1511 = arith.constant 13 : i32
        %add3A_1512 = vector.broadcast %add3A_1511 : i32 to vector<16xi32>
        %add3A_1513 = arith.addi %mul3A_957, %add3A_1512 : vector<16xi32>
        %reshape3A_1514 = vector.shape_cast %add3A_1513 : vector<16xi32> to vector<16x1xi32>
        %gather3A_1515 = vector.shape_cast %reshape3A_1514 : vector<16x1xi32> to vector<16xi32>
        %gather3A_1516 = tpu.dynamic_gather %get3A_963[%gather3A_1515] in [0] : vector<16xf32>, vector<16xi32> -> vector<16xf32>
        %mul3A_1517 = arith.constant 16 : i32
        %mul3A_1518 = arith.muli %scan3A_946, %mul3A_1517 : i32
        %add3A_1519 = arith.constant 13 : i32
        %add3A_1520 = arith.addi %mul3A_1518, %add3A_1519 : i32
        %get3A_1521 = arith.constant 0 : i32
        %get3A_1522 = arith.index_cast %get3A_1521 : i32 to index
        %get3A_1523 = arith.index_cast %add3A_1520 : i32 to index
        %get3A_1524 = arith.constant 0 : index
        %get3A_1525 = tpu.vector_load %arg15[%get3A_1522, %get3A_1523, %get3A_1524] {strides = array<i32>} : memref<2x200x64xf32, #tpu.memory_space<vmem>>, vector<1x1x16xf32>,
        %get3A_1526 = vector.shape_cast %get3A_1525 : vector<1x1x16xf32> to vector<16xf32>
        %mul3A_1527 = arith.mulf %get3A_1526, %gather3A_1516 : vector<16xf32>
        %add3A_1528 = arith.addf %add3A_1486, %mul3A_1527 : vector<16xf32>
        %get3A_1529 = arith.constant 0 : i32
        %get3A_1530 = arith.index_cast %get3A_1529 : i32 to index
        %get3A_1531 = arith.index_cast %add3A_1520 : i32 to index
        %get3A_1532 = arith.constant 16 : index
        %get3A_1533 = tpu.vector_load %arg15[%get3A_1530, %get3A_1531, %get3A_1532] {strides = array<i32>} : memref<2x200x64xf32, #tpu.memory_space<vmem>>, vector<1x1x16xf32>,
        %get3A_1534 = vector.shape_cast %get3A_1533 : vector<1x1x16xf32> to vector<16xf32>
        %mul3A_1535 = arith.mulf %get3A_1534, %gather3A_1516 : vector<16xf32>
        %add3A_1536 = arith.addf %add3A_1494, %mul3A_1535 : vector<16xf32>
        %get3A_1537 = arith.constant 0 : i32
        %get3A_1538 = arith.index_cast %get3A_1537 : i32 to index
        %get3A_1539 = arith.index_cast %add3A_1520 : i32 to index
        %get3A_1540 = arith.constant 32 : index
        %get3A_1541 = tpu.vector_load %arg15[%get3A_1538, %get3A_1539, %get3A_1540] {strides = array<i32>} : memref<2x200x64xf32, #tpu.memory_space<vmem>>, vector<1x1x16xf32>,
        %get3A_1542 = vector.shape_cast %get3A_1541 : vector<1x1x16xf32> to vector<16xf32>
        %mul3A_1543 = arith.mulf %get3A_1542, %gather3A_1516 : vector<16xf32>
        %add3A_1544 = arith.addf %add3A_1502, %mul3A_1543 : vector<16xf32>
        %get3A_1545 = arith.constant 0 : i32
        %get3A_1546 = arith.index_cast %get3A_1545 : i32 to index
        %get3A_1547 = arith.index_cast %add3A_1520 : i32 to index
        %get3A_1548 = arith.constant 48 : index
        %get3A_1549 = tpu.vector_load %arg15[%get3A_1546, %get3A_1547, %get3A_1548] {strides = array<i32>} : memref<2x200x64xf32, #tpu.memory_space<vmem>>, vector<1x1x16xf32>,
        %get3A_1550 = vector.shape_cast %get3A_1549 : vector<1x1x16xf32> to vector<16xf32>
        %mul3A_1551 = arith.mulf %get3A_1550, %gather3A_1516 : vector<16xf32>
        %add3A_1552 = arith.addf %add3A_1510, %mul3A_1551 : vector<16xf32>
        %add3A_1553 = arith.constant 14 : i32
        %add3A_1554 = vector.broadcast %add3A_1553 : i32 to vector<16xi32>
        %add3A_1555 = arith.addi %mul3A_957, %add3A_1554 : vector<16xi32>
        %reshape3A_1556 = vector.shape_cast %add3A_1555 : vector<16xi32> to vector<16x1xi32>
        %gather3A_1557 = vector.shape_cast %reshape3A_1556 : vector<16x1xi32> to vector<16xi32>
        %gather3A_1558 = tpu.dynamic_gather %get3A_963[%gather3A_1557] in [0] : vector<16xf32>, vector<16xi32> -> vector<16xf32>
        %mul3A_1559 = arith.constant 16 : i32
        %mul3A_1560 = arith.muli %scan3A_946, %mul3A_1559 : i32
        %add3A_1561 = arith.constant 14 : i32
        %add3A_1562 = arith.addi %mul3A_1560, %add3A_1561 : i32
        %get3A_1563 = arith.constant 0 : i32
        %get3A_1564 = arith.index_cast %get3A_1563 : i32 to index
        %get3A_1565 = arith.index_cast %add3A_1562 : i32 to index
        %get3A_1566 = arith.constant 0 : index
        %get3A_1567 = tpu.vector_load %arg15[%get3A_1564, %get3A_1565, %get3A_1566] {strides = array<i32>} : memref<2x200x64xf32, #tpu.memory_space<vmem>>, vector<1x1x16xf32>,
        %get3A_1568 = vector.shape_cast %get3A_1567 : vector<1x1x16xf32> to vector<16xf32>
        %mul3A_1569 = arith.mulf %get3A_1568, %gather3A_1558 : vector<16xf32>
        %add3A_1570 = arith.addf %add3A_1528, %mul3A_1569 : vector<16xf32>
        %get3A_1571 = arith.constant 0 : i32
        %get3A_1572 = arith.index_cast %get3A_1571 : i32 to index
        %get3A_1573 = arith.index_cast %add3A_1562 : i32 to index
        %get3A_1574 = arith.constant 16 : index
        %get3A_1575 = tpu.vector_load %arg15[%get3A_1572, %get3A_1573, %get3A_1574] {strides = array<i32>} : memref<2x200x64xf32, #tpu.memory_space<vmem>>, vector<1x1x16xf32>,
        %get3A_1576 = vector.shape_cast %get3A_1575 : vector<1x1x16xf32> to vector<16xf32>
        %mul3A_1577 = arith.mulf %get3A_1576, %gather3A_1558 : vector<16xf32>
        %add3A_1578 = arith.addf %add3A_1536, %mul3A_1577 : vector<16xf32>
        %get3A_1579 = arith.constant 0 : i32
        %get3A_1580 = arith.index_cast %get3A_1579 : i32 to index
        %get3A_1581 = arith.index_cast %add3A_1562 : i32 to index
        %get3A_1582 = arith.constant 32 : index
        %get3A_1583 = tpu.vector_load %arg15[%get3A_1580, %get3A_1581, %get3A_1582] {strides = array<i32>} : memref<2x200x64xf32, #tpu.memory_space<vmem>>, vector<1x1x16xf32>,
        %get3A_1584 = vector.shape_cast %get3A_1583 : vector<1x1x16xf32> to vector<16xf32>
        %mul3A_1585 = arith.mulf %get3A_1584, %gather3A_1558 : vector<16xf32>
        %add3A_1586 = arith.addf %add3A_1544, %mul3A_1585 : vector<16xf32>
        %get3A_1587 = arith.constant 0 : i32
        %get3A_1588 = arith.index_cast %get3A_1587 : i32 to index
        %get3A_1589 = arith.index_cast %add3A_1562 : i32 to index
        %get3A_1590 = arith.constant 48 : index
        %get3A_1591 = tpu.vector_load %arg15[%get3A_1588, %get3A_1589, %get3A_1590] {strides = array<i32>} : memref<2x200x64xf32, #tpu.memory_space<vmem>>, vector<1x1x16xf32>,
        %get3A_1592 = vector.shape_cast %get3A_1591 : vector<1x1x16xf32> to vector<16xf32>
        %mul3A_1593 = arith.mulf %get3A_1592, %gather3A_1558 : vector<16xf32>
        %add3A_1594 = arith.addf %add3A_1552, %mul3A_1593 : vector<16xf32>
        %add3A_1595 = arith.constant 15 : i32
        %add3A_1596 = vector.broadcast %add3A_1595 : i32 to vector<16xi32>
        %add3A_1597 = arith.addi %mul3A_957, %add3A_1596 : vector<16xi32>
        %reshape3A_1598 = vector.shape_cast %add3A_1597 : vector<16xi32> to vector<16x1xi32>
        %gather3A_1599 = vector.shape_cast %reshape3A_1598 : vector<16x1xi32> to vector<16xi32>
        %gather3A_1600 = tpu.dynamic_gather %get3A_963[%gather3A_1599] in [0] : vector<16xf32>, vector<16xi32> -> vector<16xf32>
        %mul3A_1601 = arith.constant 16 : i32
        %mul3A_1602 = arith.muli %scan3A_946, %mul3A_1601 : i32
        %add3A_1603 = arith.constant 15 : i32
        %add3A_1604 = arith.addi %mul3A_1602, %add3A_1603 : i32
        %get3A_1605 = arith.constant 0 : i32
        %get3A_1606 = arith.index_cast %get3A_1605 : i32 to index
        %get3A_1607 = arith.index_cast %add3A_1604 : i32 to index
        %get3A_1608 = arith.constant 0 : index
        %get3A_1609 = tpu.vector_load %arg15[%get3A_1606, %get3A_1607, %get3A_1608] {strides = array<i32>} : memref<2x200x64xf32, #tpu.memory_space<vmem>>, vector<1x1x16xf32>,
        %get3A_1610 = vector.shape_cast %get3A_1609 : vector<1x1x16xf32> to vector<16xf32>
        %mul3A_1611 = arith.mulf %get3A_1610, %gather3A_1600 : vector<16xf32>
        %add3A_1612 = arith.addf %add3A_1570, %mul3A_1611 : vector<16xf32>
        %get3A_1613 = arith.constant 0 : i32
        %get3A_1614 = arith.index_cast %get3A_1613 : i32 to index
        %get3A_1615 = arith.index_cast %add3A_1604 : i32 to index
        %get3A_1616 = arith.constant 16 : index
        %get3A_1617 = tpu.vector_load %arg15[%get3A_1614, %get3A_1615, %get3A_1616] {strides = array<i32>} : memref<2x200x64xf32, #tpu.memory_space<vmem>>, vector<1x1x16xf32>,
        %get3A_1618 = vector.shape_cast %get3A_1617 : vector<1x1x16xf32> to vector<16xf32>
        %mul3A_1619 = arith.mulf %get3A_1618, %gather3A_1600 : vector<16xf32>
        %add3A_1620 = arith.addf %add3A_1578, %mul3A_1619 : vector<16xf32>
        %get3A_1621 = arith.constant 0 : i32
        %get3A_1622 = arith.index_cast %get3A_1621 : i32 to index
        %get3A_1623 = arith.index_cast %add3A_1604 : i32 to index
        %get3A_1624 = arith.constant 32 : index
        %get3A_1625 = tpu.vector_load %arg15[%get3A_1622, %get3A_1623, %get3A_1624] {strides = array<i32>} : memref<2x200x64xf32, #tpu.memory_space<vmem>>, vector<1x1x16xf32>,
        %get3A_1626 = vector.shape_cast %get3A_1625 : vector<1x1x16xf32> to vector<16xf32>
        %mul3A_1627 = arith.mulf %get3A_1626, %gather3A_1600 : vector<16xf32>
        %add3A_1628 = arith.addf %add3A_1586, %mul3A_1627 : vector<16xf32>
        %get3A_1629 = arith.constant 0 : i32
        %get3A_1630 = arith.index_cast %get3A_1629 : i32 to index
        %get3A_1631 = arith.index_cast %add3A_1604 : i32 to index
        %get3A_1632 = arith.constant 48 : index
        %get3A_1633 = tpu.vector_load %arg15[%get3A_1630, %get3A_1631, %get3A_1632] {strides = array<i32>} : memref<2x200x64xf32, #tpu.memory_space<vmem>>, vector<1x1x16xf32>,
        %get3A_1634 = vector.shape_cast %get3A_1633 : vector<1x1x16xf32> to vector<16xf32>
        %mul3A_1635 = arith.mulf %get3A_1634, %gather3A_1600 : vector<16xf32>
        %add3A_1636 = arith.addf %add3A_1594, %mul3A_1635 : vector<16xf32>
        scf.yield %add3A_1612, %add3A_1620, %add3A_1628, %add3A_1636, %add3A_964 : vector<16xf32>, vector<16xf32>, vector<16xf32>, vector<16xf32>, vector<16xf32>
      }
      %scan3A_95 = arith.constant 12 : i32
      %get3A = arith.constant 0 : index
      %get3A_96 = tpu.vector_load %arg14[%get3A] {strides = array<i32>} : memref<16xi32, #tpu.memory_space<vmem>>, vector<16xi32>,
      %get3A_97 = vector.shape_cast %get3A_96 : vector<16xi32> to vector<16xi32>
      %mul3A_98 = arith.constant 0 : i32
      %mul3A_99 = vector.broadcast %mul3A_98 : i32 to vector<16xi32>
      %mul3A_100 = arith.muli %get3A_97, %mul3A_99 : vector<16xi32>
      %get3A_101 = arith.index_cast %add3A_66 : i32 to index
      %get3A_102 = arith.constant 192 : index
      %get3A_103 = tpu.vector_load %arg13[%get3A_101, %get3A_102] {strides = array<i32>} : memref<128x208xf32, #tpu.memory_space<vmem>>, vector<1x16xf32>,
      %get3A_104 = vector.shape_cast %get3A_103 : vector<1x16xf32> to vector<16xf32>
      %add3A_105 = arith.addf %scan3A_94#4, %get3A_104 : vector<16xf32>
      %add3A_106 = arith.constant 0 : i32
      %add3A_107 = vector.broadcast %add3A_106 : i32 to vector<16xi32>
      %add3A_108 = arith.addi %mul3A_100, %add3A_107 : vector<16xi32>
      %reshape3A = vector.shape_cast %add3A_108 : vector<16xi32> to vector<16x1xi32>
      %gather3A = vector.shape_cast %reshape3A : vector<16x1xi32> to vector<16xi32>
      %gather3A_109 = tpu.dynamic_gather %get3A_104[%gather3A] in [0] : vector<16xf32>, vector<16xi32> -> vector<16xf32>
      %get3A_110 = arith.constant 0 : i32
      %get3A_111 = arith.constant 192 : i32
      %get3A_112 = arith.index_cast %get3A_110 : i32 to index
      %get3A_113 = arith.index_cast %get3A_111 : i32 to index
      %get3A_114 = arith.constant 0 : index
      %get3A_115 = tpu.vector_load %arg15[%get3A_112, %get3A_113, %get3A_114] {strides = array<i32>} : memref<2x200x64xf32, #tpu.memory_space<vmem>>, vector<1x1x16xf32>,
      %get3A_116 = vector.shape_cast %get3A_115 : vector<1x1x16xf32> to vector<16xf32>
      %mul3A_117 = arith.mulf %get3A_116, %gather3A_109 : vector<16xf32>
      %add3A_118 = arith.addf %scan3A_94#0, %mul3A_117 : vector<16xf32>
      %get3A_119 = arith.constant 0 : i32
      %get3A_120 = arith.constant 192 : i32
      %get3A_121 = arith.index_cast %get3A_119 : i32 to index
      %get3A_122 = arith.index_cast %get3A_120 : i32 to index
      %get3A_123 = arith.constant 16 : index
      %get3A_124 = tpu.vector_load %arg15[%get3A_121, %get3A_122, %get3A_123] {strides = array<i32>} : memref<2x200x64xf32, #tpu.memory_space<vmem>>, vector<1x1x16xf32>,
      %get3A_125 = vector.shape_cast %get3A_124 : vector<1x1x16xf32> to vector<16xf32>
      %mul3A_126 = arith.mulf %get3A_125, %gather3A_109 : vector<16xf32>
      %add3A_127 = arith.addf %scan3A_94#1, %mul3A_126 : vector<16xf32>
      %get3A_128 = arith.constant 0 : i32
      %get3A_129 = arith.constant 192 : i32
      %get3A_130 = arith.index_cast %get3A_128 : i32 to index
      %get3A_131 = arith.index_cast %get3A_129 : i32 to index
      %get3A_132 = arith.constant 32 : index
      %get3A_133 = tpu.vector_load %arg15[%get3A_130, %get3A_131, %get3A_132] {strides = array<i32>} : memref<2x200x64xf32, #tpu.memory_space<vmem>>, vector<1x1x16xf32>,
      %get3A_134 = vector.shape_cast %get3A_133 : vector<1x1x16xf32> to vector<16xf32>
      %mul3A_135 = arith.mulf %get3A_134, %gather3A_109 : vector<16xf32>
      %add3A_136 = arith.addf %scan3A_94#2, %mul3A_135 : vector<16xf32>
      %get3A_137 = arith.constant 0 : i32
      %get3A_138 = arith.constant 192 : i32
      %get3A_139 = arith.index_cast %get3A_137 : i32 to index
      %get3A_140 = arith.index_cast %get3A_138 : i32 to index
      %get3A_141 = arith.constant 48 : index
      %get3A_142 = tpu.vector_load %arg15[%get3A_139, %get3A_140, %get3A_141] {strides = array<i32>} : memref<2x200x64xf32, #tpu.memory_space<vmem>>, vector<1x1x16xf32>,
      %get3A_143 = vector.shape_cast %get3A_142 : vector<1x1x16xf32> to vector<16xf32>
      %mul3A_144 = arith.mulf %get3A_143, %gather3A_109 : vector<16xf32>
      %add3A_145 = arith.addf %scan3A_94#3, %mul3A_144 : vector<16xf32>
      %add3A_146 = arith.constant 1 : i32
      %add3A_147 = vector.broadcast %add3A_146 : i32 to vector<16xi32>
      %add3A_148 = arith.addi %mul3A_100, %add3A_147 : vector<16xi32>
      %reshape3A_149 = vector.shape_cast %add3A_148 : vector<16xi32> to vector<16x1xi32>
      %gather3A_150 = vector.shape_cast %reshape3A_149 : vector<16x1xi32> to vector<16xi32>
      %gather3A_151 = tpu.dynamic_gather %get3A_104[%gather3A_150] in [0] : vector<16xf32>, vector<16xi32> -> vector<16xf32>
      %get3A_152 = arith.constant 0 : i32
      %get3A_153 = arith.constant 193 : i32
      %get3A_154 = arith.index_cast %get3A_152 : i32 to index
      %get3A_155 = arith.index_cast %get3A_153 : i32 to index
      %get3A_156 = arith.constant 0 : index
      %get3A_157 = tpu.vector_load %arg15[%get3A_154, %get3A_155, %get3A_156] {strides = array<i32>} : memref<2x200x64xf32, #tpu.memory_space<vmem>>, vector<1x1x16xf32>,
      %get3A_158 = vector.shape_cast %get3A_157 : vector<1x1x16xf32> to vector<16xf32>
      %mul3A_159 = arith.mulf %get3A_158, %gather3A_151 : vector<16xf32>
      %add3A_160 = arith.addf %add3A_118, %mul3A_159 : vector<16xf32>
      %get3A_161 = arith.constant 0 : i32
      %get3A_162 = arith.constant 193 : i32
      %get3A_163 = arith.index_cast %get3A_161 : i32 to index
      %get3A_164 = arith.index_cast %get3A_162 : i32 to index
      %get3A_165 = arith.constant 16 : index
      %get3A_166 = tpu.vector_load %arg15[%get3A_163, %get3A_164, %get3A_165] {strides = array<i32>} : memref<2x200x64xf32, #tpu.memory_space<vmem>>, vector<1x1x16xf32>,
      %get3A_167 = vector.shape_cast %get3A_166 : vector<1x1x16xf32> to vector<16xf32>
      %mul3A_168 = arith.mulf %get3A_167, %gather3A_151 : vector<16xf32>
      %add3A_169 = arith.addf %add3A_127, %mul3A_168 : vector<16xf32>
      %get3A_170 = arith.constant 0 : i32
      %get3A_171 = arith.constant 193 : i32
      %get3A_172 = arith.index_cast %get3A_170 : i32 to index
      %get3A_173 = arith.index_cast %get3A_171 : i32 to index
      %get3A_174 = arith.constant 32 : index
      %get3A_175 = tpu.vector_load %arg15[%get3A_172, %get3A_173, %get3A_174] {strides = array<i32>} : memref<2x200x64xf32, #tpu.memory_space<vmem>>, vector<1x1x16xf32>,
      %get3A_176 = vector.shape_cast %get3A_175 : vector<1x1x16xf32> to vector<16xf32>
      %mul3A_177 = arith.mulf %get3A_176, %gather3A_151 : vector<16xf32>
      %add3A_178 = arith.addf %add3A_136, %mul3A_177 : vector<16xf32>
      %get3A_179 = arith.constant 0 : i32
      %get3A_180 = arith.constant 193 : i32
      %get3A_181 = arith.index_cast %get3A_179 : i32 to index
      %get3A_182 = arith.index_cast %get3A_180 : i32 to index
      %get3A_183 = arith.constant 48 : index
      %get3A_184 = tpu.vector_load %arg15[%get3A_181, %get3A_182, %get3A_183] {strides = array<i32>} : memref<2x200x64xf32, #tpu.memory_space<vmem>>, vector<1x1x16xf32>,
      %get3A_185 = vector.shape_cast %get3A_184 : vector<1x1x16xf32> to vector<16xf32>
      %mul3A_186 = arith.mulf %get3A_185, %gather3A_151 : vector<16xf32>
      %add3A_187 = arith.addf %add3A_145, %mul3A_186 : vector<16xf32>
      %add3A_188 = arith.constant 2 : i32
      %add3A_189 = vector.broadcast %add3A_188 : i32 to vector<16xi32>
      %add3A_190 = arith.addi %mul3A_100, %add3A_189 : vector<16xi32>
      %reshape3A_191 = vector.shape_cast %add3A_190 : vector<16xi32> to vector<16x1xi32>
      %gather3A_192 = vector.shape_cast %reshape3A_191 : vector<16x1xi32> to vector<16xi32>
      %gather3A_193 = tpu.dynamic_gather %get3A_104[%gather3A_192] in [0] : vector<16xf32>, vector<16xi32> -> vector<16xf32>
      %get3A_194 = arith.constant 0 : i32
      %get3A_195 = arith.constant 194 : i32
      %get3A_196 = arith.index_cast %get3A_194 : i32 to index
      %get3A_197 = arith.index_cast %get3A_195 : i32 to index
      %get3A_198 = arith.constant 0 : index
      %get3A_199 = tpu.vector_load %arg15[%get3A_196, %get3A_197, %get3A_198] {strides = array<i32>} : memref<2x200x64xf32, #tpu.memory_space<vmem>>, vector<1x1x16xf32>,
      %get3A_200 = vector.shape_cast %get3A_199 : vector<1x1x16xf32> to vector<16xf32>
      %mul3A_201 = arith.mulf %get3A_200, %gather3A_193 : vector<16xf32>
      %add3A_202 = arith.addf %add3A_160, %mul3A_201 : vector<16xf32>
      %get3A_203 = arith.constant 0 : i32
      %get3A_204 = arith.constant 194 : i32
      %get3A_205 = arith.index_cast %get3A_203 : i32 to index
      %get3A_206 = arith.index_cast %get3A_204 : i32 to index
      %get3A_207 = arith.constant 16 : index
      %get3A_208 = tpu.vector_load %arg15[%get3A_205, %get3A_206, %get3A_207] {strides = array<i32>} : memref<2x200x64xf32, #tpu.memory_space<vmem>>, vector<1x1x16xf32>,
      %get3A_209 = vector.shape_cast %get3A_208 : vector<1x1x16xf32> to vector<16xf32>
      %mul3A_210 = arith.mulf %get3A_209, %gather3A_193 : vector<16xf32>
      %add3A_211 = arith.addf %add3A_169, %mul3A_210 : vector<16xf32>
      %get3A_212 = arith.constant 0 : i32
      %get3A_213 = arith.constant 194 : i32
      %get3A_214 = arith.index_cast %get3A_212 : i32 to index
      %get3A_215 = arith.index_cast %get3A_213 : i32 to index
      %get3A_216 = arith.constant 32 : index
      %get3A_217 = tpu.vector_load %arg15[%get3A_214, %get3A_215, %get3A_216] {strides = array<i32>} : memref<2x200x64xf32, #tpu.memory_space<vmem>>, vector<1x1x16xf32>,
      %get3A_218 = vector.shape_cast %get3A_217 : vector<1x1x16xf32> to vector<16xf32>
      %mul3A_219 = arith.mulf %get3A_218, %gather3A_193 : vector<16xf32>
      %add3A_220 = arith.addf %add3A_178, %mul3A_219 : vector<16xf32>
      %get3A_221 = arith.constant 0 : i32
      %get3A_222 = arith.constant 194 : i32
      %get3A_223 = arith.index_cast %get3A_221 : i32 to index
      %get3A_224 = arith.index_cast %get3A_222 : i32 to index
      %get3A_225 = arith.constant 48 : index
      %get3A_226 = tpu.vector_load %arg15[%get3A_223, %get3A_224, %get3A_225] {strides = array<i32>} : memref<2x200x64xf32, #tpu.memory_space<vmem>>, vector<1x1x16xf32>,
      %get3A_227 = vector.shape_cast %get3A_226 : vector<1x1x16xf32> to vector<16xf32>
      %mul3A_228 = arith.mulf %get3A_227, %gather3A_193 : vector<16xf32>
      %add3A_229 = arith.addf %add3A_187, %mul3A_228 : vector<16xf32>
      %add3A_230 = arith.constant 3 : i32
      %add3A_231 = vector.broadcast %add3A_230 : i32 to vector<16xi32>
      %add3A_232 = arith.addi %mul3A_100, %add3A_231 : vector<16xi32>
      %reshape3A_233 = vector.shape_cast %add3A_232 : vector<16xi32> to vector<16x1xi32>
      %gather3A_234 = vector.shape_cast %reshape3A_233 : vector<16x1xi32> to vector<16xi32>
      %gather3A_235 = tpu.dynamic_gather %get3A_104[%gather3A_234] in [0] : vector<16xf32>, vector<16xi32> -> vector<16xf32>
      %get3A_236 = arith.constant 0 : i32
      %get3A_237 = arith.constant 195 : i32
      %get3A_238 = arith.index_cast %get3A_236 : i32 to index
      %get3A_239 = arith.index_cast %get3A_237 : i32 to index
      %get3A_240 = arith.constant 0 : index
      %get3A_241 = tpu.vector_load %arg15[%get3A_238, %get3A_239, %get3A_240] {strides = array<i32>} : memref<2x200x64xf32, #tpu.memory_space<vmem>>, vector<1x1x16xf32>,
      %get3A_242 = vector.shape_cast %get3A_241 : vector<1x1x16xf32> to vector<16xf32>
      %mul3A_243 = arith.mulf %get3A_242, %gather3A_235 : vector<16xf32>
      %add3A_244 = arith.addf %add3A_202, %mul3A_243 : vector<16xf32>
      %get3A_245 = arith.constant 0 : i32
      %get3A_246 = arith.constant 195 : i32
      %get3A_247 = arith.index_cast %get3A_245 : i32 to index
      %get3A_248 = arith.index_cast %get3A_246 : i32 to index
      %get3A_249 = arith.constant 16 : index
      %get3A_250 = tpu.vector_load %arg15[%get3A_247, %get3A_248, %get3A_249] {strides = array<i32>} : memref<2x200x64xf32, #tpu.memory_space<vmem>>, vector<1x1x16xf32>,
      %get3A_251 = vector.shape_cast %get3A_250 : vector<1x1x16xf32> to vector<16xf32>
      %mul3A_252 = arith.mulf %get3A_251, %gather3A_235 : vector<16xf32>
      %add3A_253 = arith.addf %add3A_211, %mul3A_252 : vector<16xf32>
      %get3A_254 = arith.constant 0 : i32
      %get3A_255 = arith.constant 195 : i32
      %get3A_256 = arith.index_cast %get3A_254 : i32 to index
      %get3A_257 = arith.index_cast %get3A_255 : i32 to index
      %get3A_258 = arith.constant 32 : index
      %get3A_259 = tpu.vector_load %arg15[%get3A_256, %get3A_257, %get3A_258] {strides = array<i32>} : memref<2x200x64xf32, #tpu.memory_space<vmem>>, vector<1x1x16xf32>,
      %get3A_260 = vector.shape_cast %get3A_259 : vector<1x1x16xf32> to vector<16xf32>
      %mul3A_261 = arith.mulf %get3A_260, %gather3A_235 : vector<16xf32>
      %add3A_262 = arith.addf %add3A_220, %mul3A_261 : vector<16xf32>
      %get3A_263 = arith.constant 0 : i32
      %get3A_264 = arith.constant 195 : i32
      %get3A_265 = arith.index_cast %get3A_263 : i32 to index
      %get3A_266 = arith.index_cast %get3A_264 : i32 to index
      %get3A_267 = arith.constant 48 : index
      %get3A_268 = tpu.vector_load %arg15[%get3A_265, %get3A_266, %get3A_267] {strides = array<i32>} : memref<2x200x64xf32, #tpu.memory_space<vmem>>, vector<1x1x16xf32>,
      %get3A_269 = vector.shape_cast %get3A_268 : vector<1x1x16xf32> to vector<16xf32>
      %mul3A_270 = arith.mulf %get3A_269, %gather3A_235 : vector<16xf32>
      %add3A_271 = arith.addf %add3A_229, %mul3A_270 : vector<16xf32>
      %add3A_272 = arith.constant 4 : i32
      %add3A_273 = vector.broadcast %add3A_272 : i32 to vector<16xi32>
      %add3A_274 = arith.addi %mul3A_100, %add3A_273 : vector<16xi32>
      %reshape3A_275 = vector.shape_cast %add3A_274 : vector<16xi32> to vector<16x1xi32>
      %gather3A_276 = vector.shape_cast %reshape3A_275 : vector<16x1xi32> to vector<16xi32>
      %gather3A_277 = tpu.dynamic_gather %get3A_104[%gather3A_276] in [0] : vector<16xf32>, vector<16xi32> -> vector<16xf32>
      %get3A_278 = arith.constant 0 : i32
      %get3A_279 = arith.constant 196 : i32
      %get3A_280 = arith.index_cast %get3A_278 : i32 to index
      %get3A_281 = arith.index_cast %get3A_279 : i32 to index
      %get3A_282 = arith.constant 0 : index
      %get3A_283 = tpu.vector_load %arg15[%get3A_280, %get3A_281, %get3A_282] {strides = array<i32>} : memref<2x200x64xf32, #tpu.memory_space<vmem>>, vector<1x1x16xf32>,
      %get3A_284 = vector.shape_cast %get3A_283 : vector<1x1x16xf32> to vector<16xf32>
      %mul3A_285 = arith.mulf %get3A_284, %gather3A_277 : vector<16xf32>
      %add3A_286 = arith.addf %add3A_244, %mul3A_285 : vector<16xf32>
      %get3A_287 = arith.constant 0 : i32
      %get3A_288 = arith.constant 196 : i32
      %get3A_289 = arith.index_cast %get3A_287 : i32 to index
      %get3A_290 = arith.index_cast %get3A_288 : i32 to index
      %get3A_291 = arith.constant 16 : index
      %get3A_292 = tpu.vector_load %arg15[%get3A_289, %get3A_290, %get3A_291] {strides = array<i32>} : memref<2x200x64xf32, #tpu.memory_space<vmem>>, vector<1x1x16xf32>,
      %get3A_293 = vector.shape_cast %get3A_292 : vector<1x1x16xf32> to vector<16xf32>
      %mul3A_294 = arith.mulf %get3A_293, %gather3A_277 : vector<16xf32>
      %add3A_295 = arith.addf %add3A_253, %mul3A_294 : vector<16xf32>
      %get3A_296 = arith.constant 0 : i32
      %get3A_297 = arith.constant 196 : i32
      %get3A_298 = arith.index_cast %get3A_296 : i32 to index
      %get3A_299 = arith.index_cast %get3A_297 : i32 to index
      %get3A_300 = arith.constant 32 : index
      %get3A_301 = tpu.vector_load %arg15[%get3A_298, %get3A_299, %get3A_300] {strides = array<i32>} : memref<2x200x64xf32, #tpu.memory_space<vmem>>, vector<1x1x16xf32>,
      %get3A_302 = vector.shape_cast %get3A_301 : vector<1x1x16xf32> to vector<16xf32>
      %mul3A_303 = arith.mulf %get3A_302, %gather3A_277 : vector<16xf32>
      %add3A_304 = arith.addf %add3A_262, %mul3A_303 : vector<16xf32>
      %get3A_305 = arith.constant 0 : i32
      %get3A_306 = arith.constant 196 : i32
      %get3A_307 = arith.index_cast %get3A_305 : i32 to index
      %get3A_308 = arith.index_cast %get3A_306 : i32 to index
      %get3A_309 = arith.constant 48 : index
      %get3A_310 = tpu.vector_load %arg15[%get3A_307, %get3A_308, %get3A_309] {strides = array<i32>} : memref<2x200x64xf32, #tpu.memory_space<vmem>>, vector<1x1x16xf32>,
      %get3A_311 = vector.shape_cast %get3A_310 : vector<1x1x16xf32> to vector<16xf32>
      %mul3A_312 = arith.mulf %get3A_311, %gather3A_277 : vector<16xf32>
      %add3A_313 = arith.addf %add3A_271, %mul3A_312 : vector<16xf32>
      %add3A_314 = arith.constant 5 : i32
      %add3A_315 = vector.broadcast %add3A_314 : i32 to vector<16xi32>
      %add3A_316 = arith.addi %mul3A_100, %add3A_315 : vector<16xi32>
      %reshape3A_317 = vector.shape_cast %add3A_316 : vector<16xi32> to vector<16x1xi32>
      %gather3A_318 = vector.shape_cast %reshape3A_317 : vector<16x1xi32> to vector<16xi32>
      %gather3A_319 = tpu.dynamic_gather %get3A_104[%gather3A_318] in [0] : vector<16xf32>, vector<16xi32> -> vector<16xf32>
      %get3A_320 = arith.constant 0 : i32
      %get3A_321 = arith.constant 197 : i32
      %get3A_322 = arith.index_cast %get3A_320 : i32 to index
      %get3A_323 = arith.index_cast %get3A_321 : i32 to index
      %get3A_324 = arith.constant 0 : index
      %get3A_325 = tpu.vector_load %arg15[%get3A_322, %get3A_323, %get3A_324] {strides = array<i32>} : memref<2x200x64xf32, #tpu.memory_space<vmem>>, vector<1x1x16xf32>,
      %get3A_326 = vector.shape_cast %get3A_325 : vector<1x1x16xf32> to vector<16xf32>
      %mul3A_327 = arith.mulf %get3A_326, %gather3A_319 : vector<16xf32>
      %add3A_328 = arith.addf %add3A_286, %mul3A_327 : vector<16xf32>
      %get3A_329 = arith.constant 0 : i32
      %get3A_330 = arith.constant 197 : i32
      %get3A_331 = arith.index_cast %get3A_329 : i32 to index
      %get3A_332 = arith.index_cast %get3A_330 : i32 to index
      %get3A_333 = arith.constant 16 : index
      %get3A_334 = tpu.vector_load %arg15[%get3A_331, %get3A_332, %get3A_333] {strides = array<i32>} : memref<2x200x64xf32, #tpu.memory_space<vmem>>, vector<1x1x16xf32>,
      %get3A_335 = vector.shape_cast %get3A_334 : vector<1x1x16xf32> to vector<16xf32>
      %mul3A_336 = arith.mulf %get3A_335, %gather3A_319 : vector<16xf32>
      %add3A_337 = arith.addf %add3A_295, %mul3A_336 : vector<16xf32>
      %get3A_338 = arith.constant 0 : i32
      %get3A_339 = arith.constant 197 : i32
      %get3A_340 = arith.index_cast %get3A_338 : i32 to index
      %get3A_341 = arith.index_cast %get3A_339 : i32 to index
      %get3A_342 = arith.constant 32 : index
      %get3A_343 = tpu.vector_load %arg15[%get3A_340, %get3A_341, %get3A_342] {strides = array<i32>} : memref<2x200x64xf32, #tpu.memory_space<vmem>>, vector<1x1x16xf32>,
      %get3A_344 = vector.shape_cast %get3A_343 : vector<1x1x16xf32> to vector<16xf32>
      %mul3A_345 = arith.mulf %get3A_344, %gather3A_319 : vector<16xf32>
      %add3A_346 = arith.addf %add3A_304, %mul3A_345 : vector<16xf32>
      %get3A_347 = arith.constant 0 : i32
      %get3A_348 = arith.constant 197 : i32
      %get3A_349 = arith.index_cast %get3A_347 : i32 to index
      %get3A_350 = arith.index_cast %get3A_348 : i32 to index
      %get3A_351 = arith.constant 48 : index
      %get3A_352 = tpu.vector_load %arg15[%get3A_349, %get3A_350, %get3A_351] {strides = array<i32>} : memref<2x200x64xf32, #tpu.memory_space<vmem>>, vector<1x1x16xf32>,
      %get3A_353 = vector.shape_cast %get3A_352 : vector<1x1x16xf32> to vector<16xf32>
      %mul3A_354 = arith.mulf %get3A_353, %gather3A_319 : vector<16xf32>
      %add3A_355 = arith.addf %add3A_313, %mul3A_354 : vector<16xf32>
      %add3A_356 = arith.constant 6 : i32
      %add3A_357 = vector.broadcast %add3A_356 : i32 to vector<16xi32>
      %add3A_358 = arith.addi %mul3A_100, %add3A_357 : vector<16xi32>
      %reshape3A_359 = vector.shape_cast %add3A_358 : vector<16xi32> to vector<16x1xi32>
      %gather3A_360 = vector.shape_cast %reshape3A_359 : vector<16x1xi32> to vector<16xi32>
      %gather3A_361 = tpu.dynamic_gather %get3A_104[%gather3A_360] in [0] : vector<16xf32>, vector<16xi32> -> vector<16xf32>
      %get3A_362 = arith.constant 0 : i32
      %get3A_363 = arith.constant 198 : i32
      %get3A_364 = arith.index_cast %get3A_362 : i32 to index
      %get3A_365 = arith.index_cast %get3A_363 : i32 to index
      %get3A_366 = arith.constant 0 : index
      %get3A_367 = tpu.vector_load %arg15[%get3A_364, %get3A_365, %get3A_366] {strides = array<i32>} : memref<2x200x64xf32, #tpu.memory_space<vmem>>, vector<1x1x16xf32>,
      %get3A_368 = vector.shape_cast %get3A_367 : vector<1x1x16xf32> to vector<16xf32>
      %mul3A_369 = arith.mulf %get3A_368, %gather3A_361 : vector<16xf32>
      %add3A_370 = arith.addf %add3A_328, %mul3A_369 : vector<16xf32>
      %get3A_371 = arith.constant 0 : i32
      %get3A_372 = arith.constant 198 : i32
      %get3A_373 = arith.index_cast %get3A_371 : i32 to index
      %get3A_374 = arith.index_cast %get3A_372 : i32 to index
      %get3A_375 = arith.constant 16 : index
      %get3A_376 = tpu.vector_load %arg15[%get3A_373, %get3A_374, %get3A_375] {strides = array<i32>} : memref<2x200x64xf32, #tpu.memory_space<vmem>>, vector<1x1x16xf32>,
      %get3A_377 = vector.shape_cast %get3A_376 : vector<1x1x16xf32> to vector<16xf32>
      %mul3A_378 = arith.mulf %get3A_377, %gather3A_361 : vector<16xf32>
      %add3A_379 = arith.addf %add3A_337, %mul3A_378 : vector<16xf32>
      %get3A_380 = arith.constant 0 : i32
      %get3A_381 = arith.constant 198 : i32
      %get3A_382 = arith.index_cast %get3A_380 : i32 to index
      %get3A_383 = arith.index_cast %get3A_381 : i32 to index
      %get3A_384 = arith.constant 32 : index
      %get3A_385 = tpu.vector_load %arg15[%get3A_382, %get3A_383, %get3A_384] {strides = array<i32>} : memref<2x200x64xf32, #tpu.memory_space<vmem>>, vector<1x1x16xf32>,
      %get3A_386 = vector.shape_cast %get3A_385 : vector<1x1x16xf32> to vector<16xf32>
      %mul3A_387 = arith.mulf %get3A_386, %gather3A_361 : vector<16xf32>
      %add3A_388 = arith.addf %add3A_346, %mul3A_387 : vector<16xf32>
      %get3A_389 = arith.constant 0 : i32
      %get3A_390 = arith.constant 198 : i32
      %get3A_391 = arith.index_cast %get3A_389 : i32 to index
      %get3A_392 = arith.index_cast %get3A_390 : i32 to index
      %get3A_393 = arith.constant 48 : index
      %get3A_394 = tpu.vector_load %arg15[%get3A_391, %get3A_392, %get3A_393] {strides = array<i32>} : memref<2x200x64xf32, #tpu.memory_space<vmem>>, vector<1x1x16xf32>,
      %get3A_395 = vector.shape_cast %get3A_394 : vector<1x1x16xf32> to vector<16xf32>
      %mul3A_396 = arith.mulf %get3A_395, %gather3A_361 : vector<16xf32>
      %add3A_397 = arith.addf %add3A_355, %mul3A_396 : vector<16xf32>
      %add3A_398 = arith.constant 7 : i32
      %add3A_399 = vector.broadcast %add3A_398 : i32 to vector<16xi32>
      %add3A_400 = arith.addi %mul3A_100, %add3A_399 : vector<16xi32>
      %reshape3A_401 = vector.shape_cast %add3A_400 : vector<16xi32> to vector<16x1xi32>
      %gather3A_402 = vector.shape_cast %reshape3A_401 : vector<16x1xi32> to vector<16xi32>
      %gather3A_403 = tpu.dynamic_gather %get3A_104[%gather3A_402] in [0] : vector<16xf32>, vector<16xi32> -> vector<16xf32>
      %get3A_404 = arith.constant 0 : i32
      %get3A_405 = arith.constant 199 : i32
      %get3A_406 = arith.index_cast %get3A_404 : i32 to index
      %get3A_407 = arith.index_cast %get3A_405 : i32 to index
      %get3A_408 = arith.constant 0 : index
      %get3A_409 = tpu.vector_load %arg15[%get3A_406, %get3A_407, %get3A_408] {strides = array<i32>} : memref<2x200x64xf32, #tpu.memory_space<vmem>>, vector<1x1x16xf32>,
      %get3A_410 = vector.shape_cast %get3A_409 : vector<1x1x16xf32> to vector<16xf32>
      %mul3A_411 = arith.mulf %get3A_410, %gather3A_403 : vector<16xf32>
      %add3A_412 = arith.addf %add3A_370, %mul3A_411 : vector<16xf32>
      %get3A_413 = arith.constant 0 : i32
      %get3A_414 = arith.constant 199 : i32
      %get3A_415 = arith.index_cast %get3A_413 : i32 to index
      %get3A_416 = arith.index_cast %get3A_414 : i32 to index
      %get3A_417 = arith.constant 16 : index
      %get3A_418 = tpu.vector_load %arg15[%get3A_415, %get3A_416, %get3A_417] {strides = array<i32>} : memref<2x200x64xf32, #tpu.memory_space<vmem>>, vector<1x1x16xf32>,
      %get3A_419 = vector.shape_cast %get3A_418 : vector<1x1x16xf32> to vector<16xf32>
      %mul3A_420 = arith.mulf %get3A_419, %gather3A_403 : vector<16xf32>
      %add3A_421 = arith.addf %add3A_379, %mul3A_420 : vector<16xf32>
      %get3A_422 = arith.constant 0 : i32
      %get3A_423 = arith.constant 199 : i32
      %get3A_424 = arith.index_cast %get3A_422 : i32 to index
      %get3A_425 = arith.index_cast %get3A_423 : i32 to index
      %get3A_426 = arith.constant 32 : index
      %get3A_427 = tpu.vector_load %arg15[%get3A_424, %get3A_425, %get3A_426] {strides = array<i32>} : memref<2x200x64xf32, #tpu.memory_space<vmem>>, vector<1x1x16xf32>,
      %get3A_428 = vector.shape_cast %get3A_427 : vector<1x1x16xf32> to vector<16xf32>
      %mul3A_429 = arith.mulf %get3A_428, %gather3A_403 : vector<16xf32>
      %add3A_430 = arith.addf %add3A_388, %mul3A_429 : vector<16xf32>
      %get3A_431 = arith.constant 0 : i32
      %get3A_432 = arith.constant 199 : i32
      %get3A_433 = arith.index_cast %get3A_431 : i32 to index
      %get3A_434 = arith.index_cast %get3A_432 : i32 to index
      %get3A_435 = arith.constant 48 : index
      %get3A_436 = tpu.vector_load %arg15[%get3A_433, %get3A_434, %get3A_435] {strides = array<i32>} : memref<2x200x64xf32, #tpu.memory_space<vmem>>, vector<1x1x16xf32>,
      %get3A_437 = vector.shape_cast %get3A_436 : vector<1x1x16xf32> to vector<16xf32>
      %mul3A_438 = arith.mulf %get3A_437, %gather3A_403 : vector<16xf32>
      %add3A_439 = arith.addf %add3A_397, %mul3A_438 : vector<16xf32>
      %xor3A = arith.constant 8 : i32
      %xor3A_440 = vector.broadcast %xor3A : i32 to vector<16xi32>
      %xor3A_441 = arith.xori %get3A_97, %xor3A_440 : vector<16xi32>
      %reshape3A_442 = vector.shape_cast %xor3A_441 : vector<16xi32> to vector<16x1xi32>
      %gather3A_443 = vector.shape_cast %reshape3A_442 : vector<16x1xi32> to vector<16xi32>
      %gather3A_444 = tpu.dynamic_gather %add3A_105[%gather3A_443] in [0] : vector<16xf32>, vector<16xi32> -> vector<16xf32>
      %add3A_445 = arith.addf %add3A_105, %gather3A_444 : vector<16xf32>
      %xor3A_446 = arith.constant 4 : i32
      %xor3A_447 = vector.broadcast %xor3A_446 : i32 to vector<16xi32>
      %xor3A_448 = arith.xori %get3A_97, %xor3A_447 : vector<16xi32>
      %reshape3A_449 = vector.shape_cast %xor3A_448 : vector<16xi32> to vector<16x1xi32>
      %gather3A_450 = vector.shape_cast %reshape3A_449 : vector<16x1xi32> to vector<16xi32>
      %gather3A_451 = tpu.dynamic_gather %add3A_445[%gather3A_450] in [0] : vector<16xf32>, vector<16xi32> -> vector<16xf32>
      %add3A_452 = arith.addf %add3A_445, %gather3A_451 : vector<16xf32>
      %xor3A_453 = arith.constant 2 : i32
      %xor3A_454 = vector.broadcast %xor3A_453 : i32 to vector<16xi32>
      %xor3A_455 = arith.xori %get3A_97, %xor3A_454 : vector<16xi32>
      %reshape3A_456 = vector.shape_cast %xor3A_455 : vector<16xi32> to vector<16x1xi32>
      %gather3A_457 = vector.shape_cast %reshape3A_456 : vector<16x1xi32> to vector<16xi32>
      %gather3A_458 = tpu.dynamic_gather %add3A_452[%gather3A_457] in [0] : vector<16xf32>, vector<16xi32> -> vector<16xf32>
      %add3A_459 = arith.addf %add3A_452, %gather3A_458 : vector<16xf32>
      %xor3A_460 = arith.constant 1 : i32
      %xor3A_461 = vector.broadcast %xor3A_460 : i32 to vector<16xi32>
      %xor3A_462 = arith.xori %get3A_97, %xor3A_461 : vector<16xi32>
      %reshape3A_463 = vector.shape_cast %xor3A_462 : vector<16xi32> to vector<16x1xi32>
      %gather3A_464 = vector.shape_cast %reshape3A_463 : vector<16x1xi32> to vector<16xi32>
      %gather3A_465 = tpu.dynamic_gather %add3A_459[%gather3A_464] in [0] : vector<16xf32>, vector<16xi32> -> vector<16xf32>
      %add3A_466 = arith.addf %add3A_459, %gather3A_465 : vector<16xf32>
      %add3A_467 = arith.constant 9.99999993E-9 : f32
      %add3A_468 = vector.broadcast %add3A_467 : f32 to vector<16xf32>
      %add3A_469 = arith.addf %add3A_466, %add3A_468 : vector<16xf32>
      %div3A = arith.constant 1.000000e+00 : f32
      %div3A_470 = vector.broadcast %div3A : f32 to vector<16xf32>
      %div3A_471 = arith.divf %div3A_470, %add3A_469 : vector<16xf32>
      %mul3A_472 = arith.mulf %add3A_412, %div3A_471 : vector<16xf32>
      %swap3A = arith.index_cast %add3A_66 : i32 to index
      %swap3A_473 = arith.constant 0 : index
      %swap3A_474 = tpu.vector_load %arg16[%swap3A, %swap3A_473] {strides = array<i32>} : memref<128x64xf32, #tpu.memory_space<vmem>>, vector<1x16xf32>,
      %swap3A_475 = vector.shape_cast %swap3A_474 : vector<1x16xf32> to vector<16xf32>
      %swap3A_476 = vector.shape_cast %mul3A_472 : vector<16xf32> to vector<1x16xf32>
      tpu.vector_store %arg16[%swap3A, %swap3A_473], %swap3A_476 {strides = array<i32>} : memref<128x64xf32, #tpu.memory_space<vmem>>, vector<1x16xf32>,
      %mul3A_477 = arith.mulf %add3A_421, %div3A_471 : vector<16xf32>
      %swap3A_478 = arith.index_cast %add3A_66 : i32 to index
      %swap3A_479 = arith.constant 16 : index
      %swap3A_480 = tpu.vector_load %arg16[%swap3A_478, %swap3A_479] {strides = array<i32>} : memref<128x64xf32, #tpu.memory_space<vmem>>, vector<1x16xf32>,
      %swap3A_481 = vector.shape_cast %swap3A_480 : vector<1x16xf32> to vector<16xf32>
      %swap3A_482 = vector.shape_cast %mul3A_477 : vector<16xf32> to vector<1x16xf32>
      tpu.vector_store %arg16[%swap3A_478, %swap3A_479], %swap3A_482 {strides = array<i32>} : memref<128x64xf32, #tpu.memory_space<vmem>>, vector<1x16xf32>,
      %mul3A_483 = arith.mulf %add3A_430, %div3A_471 : vector<16xf32>
      %swap3A_484 = arith.index_cast %add3A_66 : i32 to index
      %swap3A_485 = arith.constant 32 : index
      %swap3A_486 = tpu.vector_load %arg16[%swap3A_484, %swap3A_485] {strides = array<i32>} : memref<128x64xf32, #tpu.memory_space<vmem>>, vector<1x16xf32>,
      %swap3A_487 = vector.shape_cast %swap3A_486 : vector<1x16xf32> to vector<16xf32>
      %swap3A_488 = vector.shape_cast %mul3A_483 : vector<16xf32> to vector<1x16xf32>
      tpu.vector_store %arg16[%swap3A_484, %swap3A_485], %swap3A_488 {strides = array<i32>} : memref<128x64xf32, #tpu.memory_space<vmem>>, vector<1x16xf32>,
      %mul3A_489 = arith.mulf %add3A_439, %div3A_471 : vector<16xf32>
      %swap3A_490 = arith.index_cast %add3A_66 : i32 to index
      %swap3A_491 = arith.constant 48 : index
      %swap3A_492 = tpu.vector_load %arg16[%swap3A_490, %swap3A_491] {strides = array<i32>} : memref<128x64xf32, #tpu.memory_space<vmem>>, vector<1x16xf32>,
      %swap3A_493 = vector.shape_cast %swap3A_492 : vector<1x16xf32> to vector<16xf32>
      %swap3A_494 = vector.shape_cast %mul3A_489 : vector<16xf32> to vector<1x16xf32>
      tpu.vector_store %arg16[%swap3A_490, %swap3A_491], %swap3A_494 {strides = array<i32>} : memref<128x64xf32, #tpu.memory_space<vmem>>, vector<1x16xf32>,
      %add3A_495 = arith.constant 2 : i32
      %add3A_496 = arith.addi %add3A_66, %add3A_495 : i32
      %lt3A = arith.constant 128 : i32
      %lt3A_497 = arith.cmpi slt, %add3A_496, %lt3A : i32
      %convert_element_type3A = arith.extui %lt3A_497 : i1 to i32
      %cond3A = arith.constant 0 : i32
      %cond3A_498 = arith.cmpi ne, %convert_element_type3A, %cond3A : i32
      scf.if %cond3A_498 {
        %add3A_946 = arith.constant 2 : i32
        %add3A_947 = arith.addi %add3A_66, %add3A_946 : i32
        %dma_start3A_948 = arith.constant 0 : i32
        %dma_start3A_949 = arith.constant 0 : i32
        %dma_start3A_950 = arith.constant 0 : i32
        %dma_start3A_951 = tpu.memref_slice %arg15[%dma_start3A_948, %dma_start3A_949, %dma_start3A_950] : memref<2x200x64xf32, #tpu.memory_space<vmem>> -> memref<1x128x64xf32, #tpu.memory_space<vmem>>
        %dma_start3A_952 = tpu.memref_squeeze %dma_start3A_951 : memref<1x128x64xf32, #tpu.memory_space<vmem>> -> memref<128x64xf32, #tpu.memory_space<vmem>>
        %dma_start3A_953 = arith.constant 0 : i32
        %dma_start3A_954 = tpu.memref_slice %arg12[%add3A_947, %dma_start3A_953] : memref<128x200xi32, #tpu.memory_space<vmem>> -> memref<1x128xi32, #tpu.memory_space<vmem>>
        %dma_start3A_955 = tpu.memref_squeeze %dma_start3A_954 : memref<1x128xi32, #tpu.memory_space<vmem>> -> memref<128xi32, #tpu.memory_space<vmem>>
        %dma_start3A_956 = arith.constant 0 : i32
        %dma_start3A_957 = arith.constant 0 : i32
        %dma_start3A_958 = tpu.memref_slice %arg7[%dma_start3A_956, %dma_start3A_957] : memref<1000000x64xf32, #tpu.memory_space<hbm>> -> memref<1000000x64xf32, #tpu.memory_space<hbm>>
        tpu.enqueue_indirect_dma source(%dma_start3A_958 : memref<1000000x64xf32, #tpu.memory_space<hbm>>) target(%dma_start3A_952 : memref<128x64xf32, #tpu.memory_space<vmem>>) offsets(%dma_start3A_955 : memref<128xi32, #tpu.memory_space<vmem>>) semaphore(%arg18 : memref<!tpu.dma_semaphore, #tpu.memory_space<semaphore_mem>>)
        %dma_start3A_959 = arith.constant 0 : i32
        %dma_start3A_960 = arith.constant 128 : i32
        %dma_start3A_961 = arith.constant 0 : i32
        %dma_start3A_962 = tpu.memref_slice %arg15[%dma_start3A_959, %dma_start3A_960, %dma_start3A_961] : memref<2x200x64xf32, #tpu.memory_space<vmem>> -> memref<1x72x64xf32, #tpu.memory_space<vmem>>
        %dma_start3A_963 = tpu.memref_squeeze %dma_start3A_962 : memref<1x72x64xf32, #tpu.memory_space<vmem>> -> memref<72x64xf32, #tpu.memory_space<vmem>>
        %dma_start3A_964 = arith.constant 128 : i32
        %dma_start3A_965 = tpu.memref_slice %arg12[%add3A_947, %dma_start3A_964] : memref<128x200xi32, #tpu.memory_space<vmem>> -> memref<1x72xi32, #tpu.memory_space<vmem>>
        %dma_start3A_966 = tpu.memref_squeeze %dma_start3A_965 : memref<1x72xi32, #tpu.memory_space<vmem>> -> memref<72xi32, #tpu.memory_space<vmem>>
        %dma_start3A_967 = arith.constant 0 : i32
        %dma_start3A_968 = arith.constant 0 : i32
        %dma_start3A_969 = tpu.memref_slice %arg7[%dma_start3A_967, %dma_start3A_968] : memref<1000000x64xf32, #tpu.memory_space<hbm>> -> memref<1000000x64xf32, #tpu.memory_space<hbm>>
        tpu.enqueue_indirect_dma source(%dma_start3A_969 : memref<1000000x64xf32, #tpu.memory_space<hbm>>) target(%dma_start3A_963 : memref<72x64xf32, #tpu.memory_space<vmem>>) offsets(%dma_start3A_966 : memref<72xi32, #tpu.memory_space<vmem>>) semaphore(%arg18 : memref<!tpu.dma_semaphore, #tpu.memory_space<semaphore_mem>>)
      } else {
      }
      %mul3A_499 = arith.constant 2 : i32
      %mul3A_500 = arith.muli %mul3A_499, %scan3A_61 : i32
      %add3A_501 = arith.constant 1 : i32
      %add3A_502 = arith.addi %mul3A_500, %add3A_501 : i32
      %dma_wait3A_503 = arith.constant 1 : i32
      %dma_wait3A_504 = arith.constant 0 : i32
      %dma_wait3A_505 = arith.constant 0 : i32
      %dma_wait3A_506 = tpu.memref_slice %arg15[%dma_wait3A_503, %dma_wait3A_504, %dma_wait3A_505] : memref<2x200x64xf32, #tpu.memory_space<vmem>> -> memref<1x128x64xf32, #tpu.memory_space<vmem>>
      %dma_wait3A_507 = tpu.memref_squeeze %dma_wait3A_506 : memref<1x128x64xf32, #tpu.memory_space<vmem>> -> memref<128x64xf32, #tpu.memory_space<vmem>>
      %dma_wait3A_508 = arith.constant 0 : i32
      %dma_wait3A_509 = tpu.memref_slice %arg12[%add3A_502, %dma_wait3A_508] : memref<128x200xi32, #tpu.memory_space<vmem>> -> memref<1x128xi32, #tpu.memory_space<vmem>>
      %dma_wait3A_510 = tpu.memref_squeeze %dma_wait3A_509 : memref<1x128xi32, #tpu.memory_space<vmem>> -> memref<128xi32, #tpu.memory_space<vmem>>
      %dma_wait3A_511 = arith.constant 0 : i32
      %dma_wait3A_512 = arith.constant 0 : i32
      %dma_wait3A_513 = tpu.memref_slice %arg7[%dma_wait3A_511, %dma_wait3A_512] : memref<1000000x64xf32, #tpu.memory_space<hbm>> -> memref<1000000x64xf32, #tpu.memory_space<hbm>>
      tpu.wait_indirect_dma semaphore(%arg19 : memref<!tpu.dma_semaphore, #tpu.memory_space<semaphore_mem>>) src(%dma_wait3A_513 : memref<1000000x64xf32, #tpu.memory_space<hbm>>) dst(%dma_wait3A_507 : memref<128x64xf32, #tpu.memory_space<vmem>>)
      %dma_wait3A_514 = arith.constant 1 : i32
      %dma_wait3A_515 = arith.constant 128 : i32
      %dma_wait3A_516 = arith.constant 0 : i32
      %dma_wait3A_517 = tpu.memref_slice %arg15[%dma_wait3A_514, %dma_wait3A_515, %dma_wait3A_516] : memref<2x200x64xf32, #tpu.memory_space<vmem>> -> memref<1x72x64xf32, #tpu.memory_space<vmem>>
      %dma_wait3A_518 = tpu.memref_squeeze %dma_wait3A_517 : memref<1x72x64xf32, #tpu.memory_space<vmem>> -> memref<72x64xf32, #tpu.memory_space<vmem>>
      %dma_wait3A_519 = arith.constant 128 : i32
      %dma_wait3A_520 = tpu.memref_slice %arg12[%add3A_502, %dma_wait3A_519] : memref<128x200xi32, #tpu.memory_space<vmem>> -> memref<1x72xi32, #tpu.memory_space<vmem>>
      %dma_wait3A_521 = tpu.memref_squeeze %dma_wait3A_520 : memref<1x72xi32, #tpu.memory_space<vmem>> -> memref<72xi32, #tpu.memory_space<vmem>>
      %dma_wait3A_522 = arith.constant 0 : i32
      %dma_wait3A_523 = arith.constant 0 : i32
      %dma_wait3A_524 = tpu.memref_slice %arg7[%dma_wait3A_522, %dma_wait3A_523] : memref<1000000x64xf32, #tpu.memory_space<hbm>> -> memref<1000000x64xf32, #tpu.memory_space<hbm>>
      tpu.wait_indirect_dma semaphore(%arg19 : memref<!tpu.dma_semaphore, #tpu.memory_space<semaphore_mem>>) src(%dma_wait3A_524 : memref<1000000x64xf32, #tpu.memory_space<hbm>>) dst(%dma_wait3A_518 : memref<72x64xf32, #tpu.memory_space<vmem>>)
      %broadcast_in_dim3A_525 = arith.constant 0.000000e+00 : f32
      %broadcast_in_dim3A_526 = vector.broadcast %broadcast_in_dim3A_525 : f32 to vector<16xf32>
      %scan3A_527 = arith.constant 0 : i32
      %scan3A_528 = arith.constant 12 : i32
      %scan3A_529 = arith.addi %scan3A_527, %scan3A_528 : i32
      %scan3A_530 = arith.constant 1 : i32
      %scan3A_531:5 = scf.for %scan3A_946 = %scan3A_527 to %scan3A_529 step %scan3A_530 iter_args(%scan3A_947 = %broadcast_in_dim3A_526, %scan3A_948 = %broadcast_in_dim3A_526, %scan3A_949 = %broadcast_in_dim3A_526, %scan3A_950 = %broadcast_in_dim3A_526, %scan3A_951 = %broadcast_in_dim3A_526) -> (vector<16xf32>, vector<16xf32>, vector<16xf32>, vector<16xf32>, vector<16xf32>)  : i32 {
        %get3A_952 = arith.constant 0 : index
        %get3A_953 = tpu.vector_load %arg14[%get3A_952] {strides = array<i32>} : memref<16xi32, #tpu.memory_space<vmem>>, vector<16xi32>,
        %get3A_954 = vector.shape_cast %get3A_953 : vector<16xi32> to vector<16xi32>
        %mul3A_955 = arith.constant 0 : i32
        %mul3A_956 = vector.broadcast %mul3A_955 : i32 to vector<16xi32>
        %mul3A_957 = arith.muli %get3A_954, %mul3A_956 : vector<16xi32>
        %mul3A_958 = arith.constant 16 : i32
        %mul3A_959 = arith.muli %scan3A_946, %mul3A_958 : i32
        %get3A_960 = arith.index_cast %add3A_502 : i32 to index
        %get3A_961 = arith.index_cast %mul3A_959 : i32 to index
        %get3A_962 = tpu.vector_load %arg13[%get3A_960, %get3A_961] {strides = array<i32>} : memref<128x208xf32, #tpu.memory_space<vmem>>, vector<1x16xf32>,
        %get3A_963 = vector.shape_cast %get3A_962 : vector<1x16xf32> to vector<16xf32>
        %add3A_964 = arith.addf %scan3A_951, %get3A_963 : vector<16xf32>
        %add3A_965 = arith.constant 0 : i32
        %add3A_966 = vector.broadcast %add3A_965 : i32 to vector<16xi32>
        %add3A_967 = arith.addi %mul3A_957, %add3A_966 : vector<16xi32>
        %reshape3A_968 = vector.shape_cast %add3A_967 : vector<16xi32> to vector<16x1xi32>
        %gather3A_969 = vector.shape_cast %reshape3A_968 : vector<16x1xi32> to vector<16xi32>
        %gather3A_970 = tpu.dynamic_gather %get3A_963[%gather3A_969] in [0] : vector<16xf32>, vector<16xi32> -> vector<16xf32>
        %mul3A_971 = arith.constant 16 : i32
        %mul3A_972 = arith.muli %scan3A_946, %mul3A_971 : i32
        %add3A_973 = arith.constant 0 : i32
        %add3A_974 = arith.addi %mul3A_972, %add3A_973 : i32
        %get3A_975 = arith.constant 1 : i32
        %get3A_976 = arith.index_cast %get3A_975 : i32 to index
        %get3A_977 = arith.index_cast %add3A_974 : i32 to index
        %get3A_978 = arith.constant 0 : index
        %get3A_979 = tpu.vector_load %arg15[%get3A_976, %get3A_977, %get3A_978] {strides = array<i32>} : memref<2x200x64xf32, #tpu.memory_space<vmem>>, vector<1x1x16xf32>,
        %get3A_980 = vector.shape_cast %get3A_979 : vector<1x1x16xf32> to vector<16xf32>
        %mul3A_981 = arith.mulf %get3A_980, %gather3A_970 : vector<16xf32>
        %add3A_982 = arith.addf %scan3A_947, %mul3A_981 : vector<16xf32>
        %get3A_983 = arith.constant 1 : i32
        %get3A_984 = arith.index_cast %get3A_983 : i32 to index
        %get3A_985 = arith.index_cast %add3A_974 : i32 to index
        %get3A_986 = arith.constant 16 : index
        %get3A_987 = tpu.vector_load %arg15[%get3A_984, %get3A_985, %get3A_986] {strides = array<i32>} : memref<2x200x64xf32, #tpu.memory_space<vmem>>, vector<1x1x16xf32>,
        %get3A_988 = vector.shape_cast %get3A_987 : vector<1x1x16xf32> to vector<16xf32>
        %mul3A_989 = arith.mulf %get3A_988, %gather3A_970 : vector<16xf32>
        %add3A_990 = arith.addf %scan3A_948, %mul3A_989 : vector<16xf32>
        %get3A_991 = arith.constant 1 : i32
        %get3A_992 = arith.index_cast %get3A_991 : i32 to index
        %get3A_993 = arith.index_cast %add3A_974 : i32 to index
        %get3A_994 = arith.constant 32 : index
        %get3A_995 = tpu.vector_load %arg15[%get3A_992, %get3A_993, %get3A_994] {strides = array<i32>} : memref<2x200x64xf32, #tpu.memory_space<vmem>>, vector<1x1x16xf32>,
        %get3A_996 = vector.shape_cast %get3A_995 : vector<1x1x16xf32> to vector<16xf32>
        %mul3A_997 = arith.mulf %get3A_996, %gather3A_970 : vector<16xf32>
        %add3A_998 = arith.addf %scan3A_949, %mul3A_997 : vector<16xf32>
        %get3A_999 = arith.constant 1 : i32
        %get3A_1000 = arith.index_cast %get3A_999 : i32 to index
        %get3A_1001 = arith.index_cast %add3A_974 : i32 to index
        %get3A_1002 = arith.constant 48 : index
        %get3A_1003 = tpu.vector_load %arg15[%get3A_1000, %get3A_1001, %get3A_1002] {strides = array<i32>} : memref<2x200x64xf32, #tpu.memory_space<vmem>>, vector<1x1x16xf32>,
        %get3A_1004 = vector.shape_cast %get3A_1003 : vector<1x1x16xf32> to vector<16xf32>
        %mul3A_1005 = arith.mulf %get3A_1004, %gather3A_970 : vector<16xf32>
        %add3A_1006 = arith.addf %scan3A_950, %mul3A_1005 : vector<16xf32>
        %add3A_1007 = arith.constant 1 : i32
        %add3A_1008 = vector.broadcast %add3A_1007 : i32 to vector<16xi32>
        %add3A_1009 = arith.addi %mul3A_957, %add3A_1008 : vector<16xi32>
        %reshape3A_1010 = vector.shape_cast %add3A_1009 : vector<16xi32> to vector<16x1xi32>
        %gather3A_1011 = vector.shape_cast %reshape3A_1010 : vector<16x1xi32> to vector<16xi32>
        %gather3A_1012 = tpu.dynamic_gather %get3A_963[%gather3A_1011] in [0] : vector<16xf32>, vector<16xi32> -> vector<16xf32>
        %mul3A_1013 = arith.constant 16 : i32
        %mul3A_1014 = arith.muli %scan3A_946, %mul3A_1013 : i32
        %add3A_1015 = arith.constant 1 : i32
        %add3A_1016 = arith.addi %mul3A_1014, %add3A_1015 : i32
        %get3A_1017 = arith.constant 1 : i32
        %get3A_1018 = arith.index_cast %get3A_1017 : i32 to index
        %get3A_1019 = arith.index_cast %add3A_1016 : i32 to index
        %get3A_1020 = arith.constant 0 : index
        %get3A_1021 = tpu.vector_load %arg15[%get3A_1018, %get3A_1019, %get3A_1020] {strides = array<i32>} : memref<2x200x64xf32, #tpu.memory_space<vmem>>, vector<1x1x16xf32>,
        %get3A_1022 = vector.shape_cast %get3A_1021 : vector<1x1x16xf32> to vector<16xf32>
        %mul3A_1023 = arith.mulf %get3A_1022, %gather3A_1012 : vector<16xf32>
        %add3A_1024 = arith.addf %add3A_982, %mul3A_1023 : vector<16xf32>
        %get3A_1025 = arith.constant 1 : i32
        %get3A_1026 = arith.index_cast %get3A_1025 : i32 to index
        %get3A_1027 = arith.index_cast %add3A_1016 : i32 to index
        %get3A_1028 = arith.constant 16 : index
        %get3A_1029 = tpu.vector_load %arg15[%get3A_1026, %get3A_1027, %get3A_1028] {strides = array<i32>} : memref<2x200x64xf32, #tpu.memory_space<vmem>>, vector<1x1x16xf32>,
        %get3A_1030 = vector.shape_cast %get3A_1029 : vector<1x1x16xf32> to vector<16xf32>
        %mul3A_1031 = arith.mulf %get3A_1030, %gather3A_1012 : vector<16xf32>
        %add3A_1032 = arith.addf %add3A_990, %mul3A_1031 : vector<16xf32>
        %get3A_1033 = arith.constant 1 : i32
        %get3A_1034 = arith.index_cast %get3A_1033 : i32 to index
        %get3A_1035 = arith.index_cast %add3A_1016 : i32 to index
        %get3A_1036 = arith.constant 32 : index
        %get3A_1037 = tpu.vector_load %arg15[%get3A_1034, %get3A_1035, %get3A_1036] {strides = array<i32>} : memref<2x200x64xf32, #tpu.memory_space<vmem>>, vector<1x1x16xf32>,
        %get3A_1038 = vector.shape_cast %get3A_1037 : vector<1x1x16xf32> to vector<16xf32>
        %mul3A_1039 = arith.mulf %get3A_1038, %gather3A_1012 : vector<16xf32>
        %add3A_1040 = arith.addf %add3A_998, %mul3A_1039 : vector<16xf32>
        %get3A_1041 = arith.constant 1 : i32
        %get3A_1042 = arith.index_cast %get3A_1041 : i32 to index
        %get3A_1043 = arith.index_cast %add3A_1016 : i32 to index
        %get3A_1044 = arith.constant 48 : index
        %get3A_1045 = tpu.vector_load %arg15[%get3A_1042, %get3A_1043, %get3A_1044] {strides = array<i32>} : memref<2x200x64xf32, #tpu.memory_space<vmem>>, vector<1x1x16xf32>,
        %get3A_1046 = vector.shape_cast %get3A_1045 : vector<1x1x16xf32> to vector<16xf32>
        %mul3A_1047 = arith.mulf %get3A_1046, %gather3A_1012 : vector<16xf32>
        %add3A_1048 = arith.addf %add3A_1006, %mul3A_1047 : vector<16xf32>
        %add3A_1049 = arith.constant 2 : i32
        %add3A_1050 = vector.broadcast %add3A_1049 : i32 to vector<16xi32>
        %add3A_1051 = arith.addi %mul3A_957, %add3A_1050 : vector<16xi32>
        %reshape3A_1052 = vector.shape_cast %add3A_1051 : vector<16xi32> to vector<16x1xi32>
        %gather3A_1053 = vector.shape_cast %reshape3A_1052 : vector<16x1xi32> to vector<16xi32>
        %gather3A_1054 = tpu.dynamic_gather %get3A_963[%gather3A_1053] in [0] : vector<16xf32>, vector<16xi32> -> vector<16xf32>
        %mul3A_1055 = arith.constant 16 : i32
        %mul3A_1056 = arith.muli %scan3A_946, %mul3A_1055 : i32
        %add3A_1057 = arith.constant 2 : i32
        %add3A_1058 = arith.addi %mul3A_1056, %add3A_1057 : i32
        %get3A_1059 = arith.constant 1 : i32
        %get3A_1060 = arith.index_cast %get3A_1059 : i32 to index
        %get3A_1061 = arith.index_cast %add3A_1058 : i32 to index
        %get3A_1062 = arith.constant 0 : index
        %get3A_1063 = tpu.vector_load %arg15[%get3A_1060, %get3A_1061, %get3A_1062] {strides = array<i32>} : memref<2x200x64xf32, #tpu.memory_space<vmem>>, vector<1x1x16xf32>,
        %get3A_1064 = vector.shape_cast %get3A_1063 : vector<1x1x16xf32> to vector<16xf32>
        %mul3A_1065 = arith.mulf %get3A_1064, %gather3A_1054 : vector<16xf32>
        %add3A_1066 = arith.addf %add3A_1024, %mul3A_1065 : vector<16xf32>
        %get3A_1067 = arith.constant 1 : i32
        %get3A_1068 = arith.index_cast %get3A_1067 : i32 to index
        %get3A_1069 = arith.index_cast %add3A_1058 : i32 to index
        %get3A_1070 = arith.constant 16 : index
        %get3A_1071 = tpu.vector_load %arg15[%get3A_1068, %get3A_1069, %get3A_1070] {strides = array<i32>} : memref<2x200x64xf32, #tpu.memory_space<vmem>>, vector<1x1x16xf32>,
        %get3A_1072 = vector.shape_cast %get3A_1071 : vector<1x1x16xf32> to vector<16xf32>
        %mul3A_1073 = arith.mulf %get3A_1072, %gather3A_1054 : vector<16xf32>
        %add3A_1074 = arith.addf %add3A_1032, %mul3A_1073 : vector<16xf32>
        %get3A_1075 = arith.constant 1 : i32
        %get3A_1076 = arith.index_cast %get3A_1075 : i32 to index
        %get3A_1077 = arith.index_cast %add3A_1058 : i32 to index
        %get3A_1078 = arith.constant 32 : index
        %get3A_1079 = tpu.vector_load %arg15[%get3A_1076, %get3A_1077, %get3A_1078] {strides = array<i32>} : memref<2x200x64xf32, #tpu.memory_space<vmem>>, vector<1x1x16xf32>,
        %get3A_1080 = vector.shape_cast %get3A_1079 : vector<1x1x16xf32> to vector<16xf32>
        %mul3A_1081 = arith.mulf %get3A_1080, %gather3A_1054 : vector<16xf32>
        %add3A_1082 = arith.addf %add3A_1040, %mul3A_1081 : vector<16xf32>
        %get3A_1083 = arith.constant 1 : i32
        %get3A_1084 = arith.index_cast %get3A_1083 : i32 to index
        %get3A_1085 = arith.index_cast %add3A_1058 : i32 to index
        %get3A_1086 = arith.constant 48 : index
        %get3A_1087 = tpu.vector_load %arg15[%get3A_1084, %get3A_1085, %get3A_1086] {strides = array<i32>} : memref<2x200x64xf32, #tpu.memory_space<vmem>>, vector<1x1x16xf32>,
        %get3A_1088 = vector.shape_cast %get3A_1087 : vector<1x1x16xf32> to vector<16xf32>
        %mul3A_1089 = arith.mulf %get3A_1088, %gather3A_1054 : vector<16xf32>
        %add3A_1090 = arith.addf %add3A_1048, %mul3A_1089 : vector<16xf32>
        %add3A_1091 = arith.constant 3 : i32
        %add3A_1092 = vector.broadcast %add3A_1091 : i32 to vector<16xi32>
        %add3A_1093 = arith.addi %mul3A_957, %add3A_1092 : vector<16xi32>
        %reshape3A_1094 = vector.shape_cast %add3A_1093 : vector<16xi32> to vector<16x1xi32>
        %gather3A_1095 = vector.shape_cast %reshape3A_1094 : vector<16x1xi32> to vector<16xi32>
        %gather3A_1096 = tpu.dynamic_gather %get3A_963[%gather3A_1095] in [0] : vector<16xf32>, vector<16xi32> -> vector<16xf32>
        %mul3A_1097 = arith.constant 16 : i32
        %mul3A_1098 = arith.muli %scan3A_946, %mul3A_1097 : i32
        %add3A_1099 = arith.constant 3 : i32
        %add3A_1100 = arith.addi %mul3A_1098, %add3A_1099 : i32
        %get3A_1101 = arith.constant 1 : i32
        %get3A_1102 = arith.index_cast %get3A_1101 : i32 to index
        %get3A_1103 = arith.index_cast %add3A_1100 : i32 to index
        %get3A_1104 = arith.constant 0 : index
        %get3A_1105 = tpu.vector_load %arg15[%get3A_1102, %get3A_1103, %get3A_1104] {strides = array<i32>} : memref<2x200x64xf32, #tpu.memory_space<vmem>>, vector<1x1x16xf32>,
        %get3A_1106 = vector.shape_cast %get3A_1105 : vector<1x1x16xf32> to vector<16xf32>
        %mul3A_1107 = arith.mulf %get3A_1106, %gather3A_1096 : vector<16xf32>
        %add3A_1108 = arith.addf %add3A_1066, %mul3A_1107 : vector<16xf32>
        %get3A_1109 = arith.constant 1 : i32
        %get3A_1110 = arith.index_cast %get3A_1109 : i32 to index
        %get3A_1111 = arith.index_cast %add3A_1100 : i32 to index
        %get3A_1112 = arith.constant 16 : index
        %get3A_1113 = tpu.vector_load %arg15[%get3A_1110, %get3A_1111, %get3A_1112] {strides = array<i32>} : memref<2x200x64xf32, #tpu.memory_space<vmem>>, vector<1x1x16xf32>,
        %get3A_1114 = vector.shape_cast %get3A_1113 : vector<1x1x16xf32> to vector<16xf32>
        %mul3A_1115 = arith.mulf %get3A_1114, %gather3A_1096 : vector<16xf32>
        %add3A_1116 = arith.addf %add3A_1074, %mul3A_1115 : vector<16xf32>
        %get3A_1117 = arith.constant 1 : i32
        %get3A_1118 = arith.index_cast %get3A_1117 : i32 to index
        %get3A_1119 = arith.index_cast %add3A_1100 : i32 to index
        %get3A_1120 = arith.constant 32 : index
        %get3A_1121 = tpu.vector_load %arg15[%get3A_1118, %get3A_1119, %get3A_1120] {strides = array<i32>} : memref<2x200x64xf32, #tpu.memory_space<vmem>>, vector<1x1x16xf32>,
        %get3A_1122 = vector.shape_cast %get3A_1121 : vector<1x1x16xf32> to vector<16xf32>
        %mul3A_1123 = arith.mulf %get3A_1122, %gather3A_1096 : vector<16xf32>
        %add3A_1124 = arith.addf %add3A_1082, %mul3A_1123 : vector<16xf32>
        %get3A_1125 = arith.constant 1 : i32
        %get3A_1126 = arith.index_cast %get3A_1125 : i32 to index
        %get3A_1127 = arith.index_cast %add3A_1100 : i32 to index
        %get3A_1128 = arith.constant 48 : index
        %get3A_1129 = tpu.vector_load %arg15[%get3A_1126, %get3A_1127, %get3A_1128] {strides = array<i32>} : memref<2x200x64xf32, #tpu.memory_space<vmem>>, vector<1x1x16xf32>,
        %get3A_1130 = vector.shape_cast %get3A_1129 : vector<1x1x16xf32> to vector<16xf32>
        %mul3A_1131 = arith.mulf %get3A_1130, %gather3A_1096 : vector<16xf32>
        %add3A_1132 = arith.addf %add3A_1090, %mul3A_1131 : vector<16xf32>
        %add3A_1133 = arith.constant 4 : i32
        %add3A_1134 = vector.broadcast %add3A_1133 : i32 to vector<16xi32>
        %add3A_1135 = arith.addi %mul3A_957, %add3A_1134 : vector<16xi32>
        %reshape3A_1136 = vector.shape_cast %add3A_1135 : vector<16xi32> to vector<16x1xi32>
        %gather3A_1137 = vector.shape_cast %reshape3A_1136 : vector<16x1xi32> to vector<16xi32>
        %gather3A_1138 = tpu.dynamic_gather %get3A_963[%gather3A_1137] in [0] : vector<16xf32>, vector<16xi32> -> vector<16xf32>
        %mul3A_1139 = arith.constant 16 : i32
        %mul3A_1140 = arith.muli %scan3A_946, %mul3A_1139 : i32
        %add3A_1141 = arith.constant 4 : i32
        %add3A_1142 = arith.addi %mul3A_1140, %add3A_1141 : i32
        %get3A_1143 = arith.constant 1 : i32
        %get3A_1144 = arith.index_cast %get3A_1143 : i32 to index
        %get3A_1145 = arith.index_cast %add3A_1142 : i32 to index
        %get3A_1146 = arith.constant 0 : index
        %get3A_1147 = tpu.vector_load %arg15[%get3A_1144, %get3A_1145, %get3A_1146] {strides = array<i32>} : memref<2x200x64xf32, #tpu.memory_space<vmem>>, vector<1x1x16xf32>,
        %get3A_1148 = vector.shape_cast %get3A_1147 : vector<1x1x16xf32> to vector<16xf32>
        %mul3A_1149 = arith.mulf %get3A_1148, %gather3A_1138 : vector<16xf32>
        %add3A_1150 = arith.addf %add3A_1108, %mul3A_1149 : vector<16xf32>
        %get3A_1151 = arith.constant 1 : i32
        %get3A_1152 = arith.index_cast %get3A_1151 : i32 to index
        %get3A_1153 = arith.index_cast %add3A_1142 : i32 to index
        %get3A_1154 = arith.constant 16 : index
        %get3A_1155 = tpu.vector_load %arg15[%get3A_1152, %get3A_1153, %get3A_1154] {strides = array<i32>} : memref<2x200x64xf32, #tpu.memory_space<vmem>>, vector<1x1x16xf32>,
        %get3A_1156 = vector.shape_cast %get3A_1155 : vector<1x1x16xf32> to vector<16xf32>
        %mul3A_1157 = arith.mulf %get3A_1156, %gather3A_1138 : vector<16xf32>
        %add3A_1158 = arith.addf %add3A_1116, %mul3A_1157 : vector<16xf32>
        %get3A_1159 = arith.constant 1 : i32
        %get3A_1160 = arith.index_cast %get3A_1159 : i32 to index
        %get3A_1161 = arith.index_cast %add3A_1142 : i32 to index
        %get3A_1162 = arith.constant 32 : index
        %get3A_1163 = tpu.vector_load %arg15[%get3A_1160, %get3A_1161, %get3A_1162] {strides = array<i32>} : memref<2x200x64xf32, #tpu.memory_space<vmem>>, vector<1x1x16xf32>,
        %get3A_1164 = vector.shape_cast %get3A_1163 : vector<1x1x16xf32> to vector<16xf32>
        %mul3A_1165 = arith.mulf %get3A_1164, %gather3A_1138 : vector<16xf32>
        %add3A_1166 = arith.addf %add3A_1124, %mul3A_1165 : vector<16xf32>
        %get3A_1167 = arith.constant 1 : i32
        %get3A_1168 = arith.index_cast %get3A_1167 : i32 to index
        %get3A_1169 = arith.index_cast %add3A_1142 : i32 to index
        %get3A_1170 = arith.constant 48 : index
        %get3A_1171 = tpu.vector_load %arg15[%get3A_1168, %get3A_1169, %get3A_1170] {strides = array<i32>} : memref<2x200x64xf32, #tpu.memory_space<vmem>>, vector<1x1x16xf32>,
        %get3A_1172 = vector.shape_cast %get3A_1171 : vector<1x1x16xf32> to vector<16xf32>
        %mul3A_1173 = arith.mulf %get3A_1172, %gather3A_1138 : vector<16xf32>
        %add3A_1174 = arith.addf %add3A_1132, %mul3A_1173 : vector<16xf32>
        %add3A_1175 = arith.constant 5 : i32
        %add3A_1176 = vector.broadcast %add3A_1175 : i32 to vector<16xi32>
        %add3A_1177 = arith.addi %mul3A_957, %add3A_1176 : vector<16xi32>
        %reshape3A_1178 = vector.shape_cast %add3A_1177 : vector<16xi32> to vector<16x1xi32>
        %gather3A_1179 = vector.shape_cast %reshape3A_1178 : vector<16x1xi32> to vector<16xi32>
        %gather3A_1180 = tpu.dynamic_gather %get3A_963[%gather3A_1179] in [0] : vector<16xf32>, vector<16xi32> -> vector<16xf32>
        %mul3A_1181 = arith.constant 16 : i32
        %mul3A_1182 = arith.muli %scan3A_946, %mul3A_1181 : i32
        %add3A_1183 = arith.constant 5 : i32
        %add3A_1184 = arith.addi %mul3A_1182, %add3A_1183 : i32
        %get3A_1185 = arith.constant 1 : i32
        %get3A_1186 = arith.index_cast %get3A_1185 : i32 to index
        %get3A_1187 = arith.index_cast %add3A_1184 : i32 to index
        %get3A_1188 = arith.constant 0 : index
        %get3A_1189 = tpu.vector_load %arg15[%get3A_1186, %get3A_1187, %get3A_1188] {strides = array<i32>} : memref<2x200x64xf32, #tpu.memory_space<vmem>>, vector<1x1x16xf32>,
        %get3A_1190 = vector.shape_cast %get3A_1189 : vector<1x1x16xf32> to vector<16xf32>
        %mul3A_1191 = arith.mulf %get3A_1190, %gather3A_1180 : vector<16xf32>
        %add3A_1192 = arith.addf %add3A_1150, %mul3A_1191 : vector<16xf32>
        %get3A_1193 = arith.constant 1 : i32
        %get3A_1194 = arith.index_cast %get3A_1193 : i32 to index
        %get3A_1195 = arith.index_cast %add3A_1184 : i32 to index
        %get3A_1196 = arith.constant 16 : index
        %get3A_1197 = tpu.vector_load %arg15[%get3A_1194, %get3A_1195, %get3A_1196] {strides = array<i32>} : memref<2x200x64xf32, #tpu.memory_space<vmem>>, vector<1x1x16xf32>,
        %get3A_1198 = vector.shape_cast %get3A_1197 : vector<1x1x16xf32> to vector<16xf32>
        %mul3A_1199 = arith.mulf %get3A_1198, %gather3A_1180 : vector<16xf32>
        %add3A_1200 = arith.addf %add3A_1158, %mul3A_1199 : vector<16xf32>
        %get3A_1201 = arith.constant 1 : i32
        %get3A_1202 = arith.index_cast %get3A_1201 : i32 to index
        %get3A_1203 = arith.index_cast %add3A_1184 : i32 to index
        %get3A_1204 = arith.constant 32 : index
        %get3A_1205 = tpu.vector_load %arg15[%get3A_1202, %get3A_1203, %get3A_1204] {strides = array<i32>} : memref<2x200x64xf32, #tpu.memory_space<vmem>>, vector<1x1x16xf32>,
        %get3A_1206 = vector.shape_cast %get3A_1205 : vector<1x1x16xf32> to vector<16xf32>
        %mul3A_1207 = arith.mulf %get3A_1206, %gather3A_1180 : vector<16xf32>
        %add3A_1208 = arith.addf %add3A_1166, %mul3A_1207 : vector<16xf32>
        %get3A_1209 = arith.constant 1 : i32
        %get3A_1210 = arith.index_cast %get3A_1209 : i32 to index
        %get3A_1211 = arith.index_cast %add3A_1184 : i32 to index
        %get3A_1212 = arith.constant 48 : index
        %get3A_1213 = tpu.vector_load %arg15[%get3A_1210, %get3A_1211, %get3A_1212] {strides = array<i32>} : memref<2x200x64xf32, #tpu.memory_space<vmem>>, vector<1x1x16xf32>,
        %get3A_1214 = vector.shape_cast %get3A_1213 : vector<1x1x16xf32> to vector<16xf32>
        %mul3A_1215 = arith.mulf %get3A_1214, %gather3A_1180 : vector<16xf32>
        %add3A_1216 = arith.addf %add3A_1174, %mul3A_1215 : vector<16xf32>
        %add3A_1217 = arith.constant 6 : i32
        %add3A_1218 = vector.broadcast %add3A_1217 : i32 to vector<16xi32>
        %add3A_1219 = arith.addi %mul3A_957, %add3A_1218 : vector<16xi32>
        %reshape3A_1220 = vector.shape_cast %add3A_1219 : vector<16xi32> to vector<16x1xi32>
        %gather3A_1221 = vector.shape_cast %reshape3A_1220 : vector<16x1xi32> to vector<16xi32>
        %gather3A_1222 = tpu.dynamic_gather %get3A_963[%gather3A_1221] in [0] : vector<16xf32>, vector<16xi32> -> vector<16xf32>
        %mul3A_1223 = arith.constant 16 : i32
        %mul3A_1224 = arith.muli %scan3A_946, %mul3A_1223 : i32
        %add3A_1225 = arith.constant 6 : i32
        %add3A_1226 = arith.addi %mul3A_1224, %add3A_1225 : i32
        %get3A_1227 = arith.constant 1 : i32
        %get3A_1228 = arith.index_cast %get3A_1227 : i32 to index
        %get3A_1229 = arith.index_cast %add3A_1226 : i32 to index
        %get3A_1230 = arith.constant 0 : index
        %get3A_1231 = tpu.vector_load %arg15[%get3A_1228, %get3A_1229, %get3A_1230] {strides = array<i32>} : memref<2x200x64xf32, #tpu.memory_space<vmem>>, vector<1x1x16xf32>,
        %get3A_1232 = vector.shape_cast %get3A_1231 : vector<1x1x16xf32> to vector<16xf32>
        %mul3A_1233 = arith.mulf %get3A_1232, %gather3A_1222 : vector<16xf32>
        %add3A_1234 = arith.addf %add3A_1192, %mul3A_1233 : vector<16xf32>
        %get3A_1235 = arith.constant 1 : i32
        %get3A_1236 = arith.index_cast %get3A_1235 : i32 to index
        %get3A_1237 = arith.index_cast %add3A_1226 : i32 to index
        %get3A_1238 = arith.constant 16 : index
        %get3A_1239 = tpu.vector_load %arg15[%get3A_1236, %get3A_1237, %get3A_1238] {strides = array<i32>} : memref<2x200x64xf32, #tpu.memory_space<vmem>>, vector<1x1x16xf32>,
        %get3A_1240 = vector.shape_cast %get3A_1239 : vector<1x1x16xf32> to vector<16xf32>
        %mul3A_1241 = arith.mulf %get3A_1240, %gather3A_1222 : vector<16xf32>
        %add3A_1242 = arith.addf %add3A_1200, %mul3A_1241 : vector<16xf32>
        %get3A_1243 = arith.constant 1 : i32
        %get3A_1244 = arith.index_cast %get3A_1243 : i32 to index
        %get3A_1245 = arith.index_cast %add3A_1226 : i32 to index
        %get3A_1246 = arith.constant 32 : index
        %get3A_1247 = tpu.vector_load %arg15[%get3A_1244, %get3A_1245, %get3A_1246] {strides = array<i32>} : memref<2x200x64xf32, #tpu.memory_space<vmem>>, vector<1x1x16xf32>,
        %get3A_1248 = vector.shape_cast %get3A_1247 : vector<1x1x16xf32> to vector<16xf32>
        %mul3A_1249 = arith.mulf %get3A_1248, %gather3A_1222 : vector<16xf32>
        %add3A_1250 = arith.addf %add3A_1208, %mul3A_1249 : vector<16xf32>
        %get3A_1251 = arith.constant 1 : i32
        %get3A_1252 = arith.index_cast %get3A_1251 : i32 to index
        %get3A_1253 = arith.index_cast %add3A_1226 : i32 to index
        %get3A_1254 = arith.constant 48 : index
        %get3A_1255 = tpu.vector_load %arg15[%get3A_1252, %get3A_1253, %get3A_1254] {strides = array<i32>} : memref<2x200x64xf32, #tpu.memory_space<vmem>>, vector<1x1x16xf32>,
        %get3A_1256 = vector.shape_cast %get3A_1255 : vector<1x1x16xf32> to vector<16xf32>
        %mul3A_1257 = arith.mulf %get3A_1256, %gather3A_1222 : vector<16xf32>
        %add3A_1258 = arith.addf %add3A_1216, %mul3A_1257 : vector<16xf32>
        %add3A_1259 = arith.constant 7 : i32
        %add3A_1260 = vector.broadcast %add3A_1259 : i32 to vector<16xi32>
        %add3A_1261 = arith.addi %mul3A_957, %add3A_1260 : vector<16xi32>
        %reshape3A_1262 = vector.shape_cast %add3A_1261 : vector<16xi32> to vector<16x1xi32>
        %gather3A_1263 = vector.shape_cast %reshape3A_1262 : vector<16x1xi32> to vector<16xi32>
        %gather3A_1264 = tpu.dynamic_gather %get3A_963[%gather3A_1263] in [0] : vector<16xf32>, vector<16xi32> -> vector<16xf32>
        %mul3A_1265 = arith.constant 16 : i32
        %mul3A_1266 = arith.muli %scan3A_946, %mul3A_1265 : i32
        %add3A_1267 = arith.constant 7 : i32
        %add3A_1268 = arith.addi %mul3A_1266, %add3A_1267 : i32
        %get3A_1269 = arith.constant 1 : i32
        %get3A_1270 = arith.index_cast %get3A_1269 : i32 to index
        %get3A_1271 = arith.index_cast %add3A_1268 : i32 to index
        %get3A_1272 = arith.constant 0 : index
        %get3A_1273 = tpu.vector_load %arg15[%get3A_1270, %get3A_1271, %get3A_1272] {strides = array<i32>} : memref<2x200x64xf32, #tpu.memory_space<vmem>>, vector<1x1x16xf32>,
        %get3A_1274 = vector.shape_cast %get3A_1273 : vector<1x1x16xf32> to vector<16xf32>
        %mul3A_1275 = arith.mulf %get3A_1274, %gather3A_1264 : vector<16xf32>
        %add3A_1276 = arith.addf %add3A_1234, %mul3A_1275 : vector<16xf32>
        %get3A_1277 = arith.constant 1 : i32
        %get3A_1278 = arith.index_cast %get3A_1277 : i32 to index
        %get3A_1279 = arith.index_cast %add3A_1268 : i32 to index
        %get3A_1280 = arith.constant 16 : index
        %get3A_1281 = tpu.vector_load %arg15[%get3A_1278, %get3A_1279, %get3A_1280] {strides = array<i32>} : memref<2x200x64xf32, #tpu.memory_space<vmem>>, vector<1x1x16xf32>,
        %get3A_1282 = vector.shape_cast %get3A_1281 : vector<1x1x16xf32> to vector<16xf32>
        %mul3A_1283 = arith.mulf %get3A_1282, %gather3A_1264 : vector<16xf32>
        %add3A_1284 = arith.addf %add3A_1242, %mul3A_1283 : vector<16xf32>
        %get3A_1285 = arith.constant 1 : i32
        %get3A_1286 = arith.index_cast %get3A_1285 : i32 to index
        %get3A_1287 = arith.index_cast %add3A_1268 : i32 to index
        %get3A_1288 = arith.constant 32 : index
        %get3A_1289 = tpu.vector_load %arg15[%get3A_1286, %get3A_1287, %get3A_1288] {strides = array<i32>} : memref<2x200x64xf32, #tpu.memory_space<vmem>>, vector<1x1x16xf32>,
        %get3A_1290 = vector.shape_cast %get3A_1289 : vector<1x1x16xf32> to vector<16xf32>
        %mul3A_1291 = arith.mulf %get3A_1290, %gather3A_1264 : vector<16xf32>
        %add3A_1292 = arith.addf %add3A_1250, %mul3A_1291 : vector<16xf32>
        %get3A_1293 = arith.constant 1 : i32
        %get3A_1294 = arith.index_cast %get3A_1293 : i32 to index
        %get3A_1295 = arith.index_cast %add3A_1268 : i32 to index
        %get3A_1296 = arith.constant 48 : index
        %get3A_1297 = tpu.vector_load %arg15[%get3A_1294, %get3A_1295, %get3A_1296] {strides = array<i32>} : memref<2x200x64xf32, #tpu.memory_space<vmem>>, vector<1x1x16xf32>,
        %get3A_1298 = vector.shape_cast %get3A_1297 : vector<1x1x16xf32> to vector<16xf32>
        %mul3A_1299 = arith.mulf %get3A_1298, %gather3A_1264 : vector<16xf32>
        %add3A_1300 = arith.addf %add3A_1258, %mul3A_1299 : vector<16xf32>
        %add3A_1301 = arith.constant 8 : i32
        %add3A_1302 = vector.broadcast %add3A_1301 : i32 to vector<16xi32>
        %add3A_1303 = arith.addi %mul3A_957, %add3A_1302 : vector<16xi32>
        %reshape3A_1304 = vector.shape_cast %add3A_1303 : vector<16xi32> to vector<16x1xi32>
        %gather3A_1305 = vector.shape_cast %reshape3A_1304 : vector<16x1xi32> to vector<16xi32>
        %gather3A_1306 = tpu.dynamic_gather %get3A_963[%gather3A_1305] in [0] : vector<16xf32>, vector<16xi32> -> vector<16xf32>
        %mul3A_1307 = arith.constant 16 : i32
        %mul3A_1308 = arith.muli %scan3A_946, %mul3A_1307 : i32
        %add3A_1309 = arith.constant 8 : i32
        %add3A_1310 = arith.addi %mul3A_1308, %add3A_1309 : i32
        %get3A_1311 = arith.constant 1 : i32
        %get3A_1312 = arith.index_cast %get3A_1311 : i32 to index
        %get3A_1313 = arith.index_cast %add3A_1310 : i32 to index
        %get3A_1314 = arith.constant 0 : index
        %get3A_1315 = tpu.vector_load %arg15[%get3A_1312, %get3A_1313, %get3A_1314] {strides = array<i32>} : memref<2x200x64xf32, #tpu.memory_space<vmem>>, vector<1x1x16xf32>,
        %get3A_1316 = vector.shape_cast %get3A_1315 : vector<1x1x16xf32> to vector<16xf32>
        %mul3A_1317 = arith.mulf %get3A_1316, %gather3A_1306 : vector<16xf32>
        %add3A_1318 = arith.addf %add3A_1276, %mul3A_1317 : vector<16xf32>
        %get3A_1319 = arith.constant 1 : i32
        %get3A_1320 = arith.index_cast %get3A_1319 : i32 to index
        %get3A_1321 = arith.index_cast %add3A_1310 : i32 to index
        %get3A_1322 = arith.constant 16 : index
        %get3A_1323 = tpu.vector_load %arg15[%get3A_1320, %get3A_1321, %get3A_1322] {strides = array<i32>} : memref<2x200x64xf32, #tpu.memory_space<vmem>>, vector<1x1x16xf32>,
        %get3A_1324 = vector.shape_cast %get3A_1323 : vector<1x1x16xf32> to vector<16xf32>
        %mul3A_1325 = arith.mulf %get3A_1324, %gather3A_1306 : vector<16xf32>
        %add3A_1326 = arith.addf %add3A_1284, %mul3A_1325 : vector<16xf32>
        %get3A_1327 = arith.constant 1 : i32
        %get3A_1328 = arith.index_cast %get3A_1327 : i32 to index
        %get3A_1329 = arith.index_cast %add3A_1310 : i32 to index
        %get3A_1330 = arith.constant 32 : index
        %get3A_1331 = tpu.vector_load %arg15[%get3A_1328, %get3A_1329, %get3A_1330] {strides = array<i32>} : memref<2x200x64xf32, #tpu.memory_space<vmem>>, vector<1x1x16xf32>,
        %get3A_1332 = vector.shape_cast %get3A_1331 : vector<1x1x16xf32> to vector<16xf32>
        %mul3A_1333 = arith.mulf %get3A_1332, %gather3A_1306 : vector<16xf32>
        %add3A_1334 = arith.addf %add3A_1292, %mul3A_1333 : vector<16xf32>
        %get3A_1335 = arith.constant 1 : i32
        %get3A_1336 = arith.index_cast %get3A_1335 : i32 to index
        %get3A_1337 = arith.index_cast %add3A_1310 : i32 to index
        %get3A_1338 = arith.constant 48 : index
        %get3A_1339 = tpu.vector_load %arg15[%get3A_1336, %get3A_1337, %get3A_1338] {strides = array<i32>} : memref<2x200x64xf32, #tpu.memory_space<vmem>>, vector<1x1x16xf32>,
        %get3A_1340 = vector.shape_cast %get3A_1339 : vector<1x1x16xf32> to vector<16xf32>
        %mul3A_1341 = arith.mulf %get3A_1340, %gather3A_1306 : vector<16xf32>
        %add3A_1342 = arith.addf %add3A_1300, %mul3A_1341 : vector<16xf32>
        %add3A_1343 = arith.constant 9 : i32
        %add3A_1344 = vector.broadcast %add3A_1343 : i32 to vector<16xi32>
        %add3A_1345 = arith.addi %mul3A_957, %add3A_1344 : vector<16xi32>
        %reshape3A_1346 = vector.shape_cast %add3A_1345 : vector<16xi32> to vector<16x1xi32>
        %gather3A_1347 = vector.shape_cast %reshape3A_1346 : vector<16x1xi32> to vector<16xi32>
        %gather3A_1348 = tpu.dynamic_gather %get3A_963[%gather3A_1347] in [0] : vector<16xf32>, vector<16xi32> -> vector<16xf32>
        %mul3A_1349 = arith.constant 16 : i32
        %mul3A_1350 = arith.muli %scan3A_946, %mul3A_1349 : i32
        %add3A_1351 = arith.constant 9 : i32
        %add3A_1352 = arith.addi %mul3A_1350, %add3A_1351 : i32
        %get3A_1353 = arith.constant 1 : i32
        %get3A_1354 = arith.index_cast %get3A_1353 : i32 to index
        %get3A_1355 = arith.index_cast %add3A_1352 : i32 to index
        %get3A_1356 = arith.constant 0 : index
        %get3A_1357 = tpu.vector_load %arg15[%get3A_1354, %get3A_1355, %get3A_1356] {strides = array<i32>} : memref<2x200x64xf32, #tpu.memory_space<vmem>>, vector<1x1x16xf32>,
        %get3A_1358 = vector.shape_cast %get3A_1357 : vector<1x1x16xf32> to vector<16xf32>
        %mul3A_1359 = arith.mulf %get3A_1358, %gather3A_1348 : vector<16xf32>
        %add3A_1360 = arith.addf %add3A_1318, %mul3A_1359 : vector<16xf32>
        %get3A_1361 = arith.constant 1 : i32
        %get3A_1362 = arith.index_cast %get3A_1361 : i32 to index
        %get3A_1363 = arith.index_cast %add3A_1352 : i32 to index
        %get3A_1364 = arith.constant 16 : index
        %get3A_1365 = tpu.vector_load %arg15[%get3A_1362, %get3A_1363, %get3A_1364] {strides = array<i32>} : memref<2x200x64xf32, #tpu.memory_space<vmem>>, vector<1x1x16xf32>,
        %get3A_1366 = vector.shape_cast %get3A_1365 : vector<1x1x16xf32> to vector<16xf32>
        %mul3A_1367 = arith.mulf %get3A_1366, %gather3A_1348 : vector<16xf32>
        %add3A_1368 = arith.addf %add3A_1326, %mul3A_1367 : vector<16xf32>
        %get3A_1369 = arith.constant 1 : i32
        %get3A_1370 = arith.index_cast %get3A_1369 : i32 to index
        %get3A_1371 = arith.index_cast %add3A_1352 : i32 to index
        %get3A_1372 = arith.constant 32 : index
        %get3A_1373 = tpu.vector_load %arg15[%get3A_1370, %get3A_1371, %get3A_1372] {strides = array<i32>} : memref<2x200x64xf32, #tpu.memory_space<vmem>>, vector<1x1x16xf32>,
        %get3A_1374 = vector.shape_cast %get3A_1373 : vector<1x1x16xf32> to vector<16xf32>
        %mul3A_1375 = arith.mulf %get3A_1374, %gather3A_1348 : vector<16xf32>
        %add3A_1376 = arith.addf %add3A_1334, %mul3A_1375 : vector<16xf32>
        %get3A_1377 = arith.constant 1 : i32
        %get3A_1378 = arith.index_cast %get3A_1377 : i32 to index
        %get3A_1379 = arith.index_cast %add3A_1352 : i32 to index
        %get3A_1380 = arith.constant 48 : index
        %get3A_1381 = tpu.vector_load %arg15[%get3A_1378, %get3A_1379, %get3A_1380] {strides = array<i32>} : memref<2x200x64xf32, #tpu.memory_space<vmem>>, vector<1x1x16xf32>,
        %get3A_1382 = vector.shape_cast %get3A_1381 : vector<1x1x16xf32> to vector<16xf32>
        %mul3A_1383 = arith.mulf %get3A_1382, %gather3A_1348 : vector<16xf32>
        %add3A_1384 = arith.addf %add3A_1342, %mul3A_1383 : vector<16xf32>
        %add3A_1385 = arith.constant 10 : i32
        %add3A_1386 = vector.broadcast %add3A_1385 : i32 to vector<16xi32>
        %add3A_1387 = arith.addi %mul3A_957, %add3A_1386 : vector<16xi32>
        %reshape3A_1388 = vector.shape_cast %add3A_1387 : vector<16xi32> to vector<16x1xi32>
        %gather3A_1389 = vector.shape_cast %reshape3A_1388 : vector<16x1xi32> to vector<16xi32>
        %gather3A_1390 = tpu.dynamic_gather %get3A_963[%gather3A_1389] in [0] : vector<16xf32>, vector<16xi32> -> vector<16xf32>
        %mul3A_1391 = arith.constant 16 : i32
        %mul3A_1392 = arith.muli %scan3A_946, %mul3A_1391 : i32
        %add3A_1393 = arith.constant 10 : i32
        %add3A_1394 = arith.addi %mul3A_1392, %add3A_1393 : i32
        %get3A_1395 = arith.constant 1 : i32
        %get3A_1396 = arith.index_cast %get3A_1395 : i32 to index
        %get3A_1397 = arith.index_cast %add3A_1394 : i32 to index
        %get3A_1398 = arith.constant 0 : index
        %get3A_1399 = tpu.vector_load %arg15[%get3A_1396, %get3A_1397, %get3A_1398] {strides = array<i32>} : memref<2x200x64xf32, #tpu.memory_space<vmem>>, vector<1x1x16xf32>,
        %get3A_1400 = vector.shape_cast %get3A_1399 : vector<1x1x16xf32> to vector<16xf32>
        %mul3A_1401 = arith.mulf %get3A_1400, %gather3A_1390 : vector<16xf32>
        %add3A_1402 = arith.addf %add3A_1360, %mul3A_1401 : vector<16xf32>
        %get3A_1403 = arith.constant 1 : i32
        %get3A_1404 = arith.index_cast %get3A_1403 : i32 to index
        %get3A_1405 = arith.index_cast %add3A_1394 : i32 to index
        %get3A_1406 = arith.constant 16 : index
        %get3A_1407 = tpu.vector_load %arg15[%get3A_1404, %get3A_1405, %get3A_1406] {strides = array<i32>} : memref<2x200x64xf32, #tpu.memory_space<vmem>>, vector<1x1x16xf32>,
        %get3A_1408 = vector.shape_cast %get3A_1407 : vector<1x1x16xf32> to vector<16xf32>
        %mul3A_1409 = arith.mulf %get3A_1408, %gather3A_1390 : vector<16xf32>
        %add3A_1410 = arith.addf %add3A_1368, %mul3A_1409 : vector<16xf32>
        %get3A_1411 = arith.constant 1 : i32
        %get3A_1412 = arith.index_cast %get3A_1411 : i32 to index
        %get3A_1413 = arith.index_cast %add3A_1394 : i32 to index
        %get3A_1414 = arith.constant 32 : index
        %get3A_1415 = tpu.vector_load %arg15[%get3A_1412, %get3A_1413, %get3A_1414] {strides = array<i32>} : memref<2x200x64xf32, #tpu.memory_space<vmem>>, vector<1x1x16xf32>,
        %get3A_1416 = vector.shape_cast %get3A_1415 : vector<1x1x16xf32> to vector<16xf32>
        %mul3A_1417 = arith.mulf %get3A_1416, %gather3A_1390 : vector<16xf32>
        %add3A_1418 = arith.addf %add3A_1376, %mul3A_1417 : vector<16xf32>
        %get3A_1419 = arith.constant 1 : i32
        %get3A_1420 = arith.index_cast %get3A_1419 : i32 to index
        %get3A_1421 = arith.index_cast %add3A_1394 : i32 to index
        %get3A_1422 = arith.constant 48 : index
        %get3A_1423 = tpu.vector_load %arg15[%get3A_1420, %get3A_1421, %get3A_1422] {strides = array<i32>} : memref<2x200x64xf32, #tpu.memory_space<vmem>>, vector<1x1x16xf32>,
        %get3A_1424 = vector.shape_cast %get3A_1423 : vector<1x1x16xf32> to vector<16xf32>
        %mul3A_1425 = arith.mulf %get3A_1424, %gather3A_1390 : vector<16xf32>
        %add3A_1426 = arith.addf %add3A_1384, %mul3A_1425 : vector<16xf32>
        %add3A_1427 = arith.constant 11 : i32
        %add3A_1428 = vector.broadcast %add3A_1427 : i32 to vector<16xi32>
        %add3A_1429 = arith.addi %mul3A_957, %add3A_1428 : vector<16xi32>
        %reshape3A_1430 = vector.shape_cast %add3A_1429 : vector<16xi32> to vector<16x1xi32>
        %gather3A_1431 = vector.shape_cast %reshape3A_1430 : vector<16x1xi32> to vector<16xi32>
        %gather3A_1432 = tpu.dynamic_gather %get3A_963[%gather3A_1431] in [0] : vector<16xf32>, vector<16xi32> -> vector<16xf32>
        %mul3A_1433 = arith.constant 16 : i32
        %mul3A_1434 = arith.muli %scan3A_946, %mul3A_1433 : i32
        %add3A_1435 = arith.constant 11 : i32
        %add3A_1436 = arith.addi %mul3A_1434, %add3A_1435 : i32
        %get3A_1437 = arith.constant 1 : i32
        %get3A_1438 = arith.index_cast %get3A_1437 : i32 to index
        %get3A_1439 = arith.index_cast %add3A_1436 : i32 to index
        %get3A_1440 = arith.constant 0 : index
        %get3A_1441 = tpu.vector_load %arg15[%get3A_1438, %get3A_1439, %get3A_1440] {strides = array<i32>} : memref<2x200x64xf32, #tpu.memory_space<vmem>>, vector<1x1x16xf32>,
        %get3A_1442 = vector.shape_cast %get3A_1441 : vector<1x1x16xf32> to vector<16xf32>
        %mul3A_1443 = arith.mulf %get3A_1442, %gather3A_1432 : vector<16xf32>
        %add3A_1444 = arith.addf %add3A_1402, %mul3A_1443 : vector<16xf32>
        %get3A_1445 = arith.constant 1 : i32
        %get3A_1446 = arith.index_cast %get3A_1445 : i32 to index
        %get3A_1447 = arith.index_cast %add3A_1436 : i32 to index
        %get3A_1448 = arith.constant 16 : index
        %get3A_1449 = tpu.vector_load %arg15[%get3A_1446, %get3A_1447, %get3A_1448] {strides = array<i32>} : memref<2x200x64xf32, #tpu.memory_space<vmem>>, vector<1x1x16xf32>,
        %get3A_1450 = vector.shape_cast %get3A_1449 : vector<1x1x16xf32> to vector<16xf32>
        %mul3A_1451 = arith.mulf %get3A_1450, %gather3A_1432 : vector<16xf32>
        %add3A_1452 = arith.addf %add3A_1410, %mul3A_1451 : vector<16xf32>
        %get3A_1453 = arith.constant 1 : i32
        %get3A_1454 = arith.index_cast %get3A_1453 : i32 to index
        %get3A_1455 = arith.index_cast %add3A_1436 : i32 to index
        %get3A_1456 = arith.constant 32 : index
        %get3A_1457 = tpu.vector_load %arg15[%get3A_1454, %get3A_1455, %get3A_1456] {strides = array<i32>} : memref<2x200x64xf32, #tpu.memory_space<vmem>>, vector<1x1x16xf32>,
        %get3A_1458 = vector.shape_cast %get3A_1457 : vector<1x1x16xf32> to vector<16xf32>
        %mul3A_1459 = arith.mulf %get3A_1458, %gather3A_1432 : vector<16xf32>
        %add3A_1460 = arith.addf %add3A_1418, %mul3A_1459 : vector<16xf32>
        %get3A_1461 = arith.constant 1 : i32
        %get3A_1462 = arith.index_cast %get3A_1461 : i32 to index
        %get3A_1463 = arith.index_cast %add3A_1436 : i32 to index
        %get3A_1464 = arith.constant 48 : index
        %get3A_1465 = tpu.vector_load %arg15[%get3A_1462, %get3A_1463, %get3A_1464] {strides = array<i32>} : memref<2x200x64xf32, #tpu.memory_space<vmem>>, vector<1x1x16xf32>,
        %get3A_1466 = vector.shape_cast %get3A_1465 : vector<1x1x16xf32> to vector<16xf32>
        %mul3A_1467 = arith.mulf %get3A_1466, %gather3A_1432 : vector<16xf32>
        %add3A_1468 = arith.addf %add3A_1426, %mul3A_1467 : vector<16xf32>
        %add3A_1469 = arith.constant 12 : i32
        %add3A_1470 = vector.broadcast %add3A_1469 : i32 to vector<16xi32>
        %add3A_1471 = arith.addi %mul3A_957, %add3A_1470 : vector<16xi32>
        %reshape3A_1472 = vector.shape_cast %add3A_1471 : vector<16xi32> to vector<16x1xi32>
        %gather3A_1473 = vector.shape_cast %reshape3A_1472 : vector<16x1xi32> to vector<16xi32>
        %gather3A_1474 = tpu.dynamic_gather %get3A_963[%gather3A_1473] in [0] : vector<16xf32>, vector<16xi32> -> vector<16xf32>
        %mul3A_1475 = arith.constant 16 : i32
        %mul3A_1476 = arith.muli %scan3A_946, %mul3A_1475 : i32
        %add3A_1477 = arith.constant 12 : i32
        %add3A_1478 = arith.addi %mul3A_1476, %add3A_1477 : i32
        %get3A_1479 = arith.constant 1 : i32
        %get3A_1480 = arith.index_cast %get3A_1479 : i32 to index
        %get3A_1481 = arith.index_cast %add3A_1478 : i32 to index
        %get3A_1482 = arith.constant 0 : index
        %get3A_1483 = tpu.vector_load %arg15[%get3A_1480, %get3A_1481, %get3A_1482] {strides = array<i32>} : memref<2x200x64xf32, #tpu.memory_space<vmem>>, vector<1x1x16xf32>,
        %get3A_1484 = vector.shape_cast %get3A_1483 : vector<1x1x16xf32> to vector<16xf32>
        %mul3A_1485 = arith.mulf %get3A_1484, %gather3A_1474 : vector<16xf32>
        %add3A_1486 = arith.addf %add3A_1444, %mul3A_1485 : vector<16xf32>
        %get3A_1487 = arith.constant 1 : i32
        %get3A_1488 = arith.index_cast %get3A_1487 : i32 to index
        %get3A_1489 = arith.index_cast %add3A_1478 : i32 to index
        %get3A_1490 = arith.constant 16 : index
        %get3A_1491 = tpu.vector_load %arg15[%get3A_1488, %get3A_1489, %get3A_1490] {strides = array<i32>} : memref<2x200x64xf32, #tpu.memory_space<vmem>>, vector<1x1x16xf32>,
        %get3A_1492 = vector.shape_cast %get3A_1491 : vector<1x1x16xf32> to vector<16xf32>
        %mul3A_1493 = arith.mulf %get3A_1492, %gather3A_1474 : vector<16xf32>
        %add3A_1494 = arith.addf %add3A_1452, %mul3A_1493 : vector<16xf32>
        %get3A_1495 = arith.constant 1 : i32
        %get3A_1496 = arith.index_cast %get3A_1495 : i32 to index
        %get3A_1497 = arith.index_cast %add3A_1478 : i32 to index
        %get3A_1498 = arith.constant 32 : index
        %get3A_1499 = tpu.vector_load %arg15[%get3A_1496, %get3A_1497, %get3A_1498] {strides = array<i32>} : memref<2x200x64xf32, #tpu.memory_space<vmem>>, vector<1x1x16xf32>,
        %get3A_1500 = vector.shape_cast %get3A_1499 : vector<1x1x16xf32> to vector<16xf32>
        %mul3A_1501 = arith.mulf %get3A_1500, %gather3A_1474 : vector<16xf32>
        %add3A_1502 = arith.addf %add3A_1460, %mul3A_1501 : vector<16xf32>
        %get3A_1503 = arith.constant 1 : i32
        %get3A_1504 = arith.index_cast %get3A_1503 : i32 to index
        %get3A_1505 = arith.index_cast %add3A_1478 : i32 to index
        %get3A_1506 = arith.constant 48 : index
        %get3A_1507 = tpu.vector_load %arg15[%get3A_1504, %get3A_1505, %get3A_1506] {strides = array<i32>} : memref<2x200x64xf32, #tpu.memory_space<vmem>>, vector<1x1x16xf32>,
        %get3A_1508 = vector.shape_cast %get3A_1507 : vector<1x1x16xf32> to vector<16xf32>
        %mul3A_1509 = arith.mulf %get3A_1508, %gather3A_1474 : vector<16xf32>
        %add3A_1510 = arith.addf %add3A_1468, %mul3A_1509 : vector<16xf32>
        %add3A_1511 = arith.constant 13 : i32
        %add3A_1512 = vector.broadcast %add3A_1511 : i32 to vector<16xi32>
        %add3A_1513 = arith.addi %mul3A_957, %add3A_1512 : vector<16xi32>
        %reshape3A_1514 = vector.shape_cast %add3A_1513 : vector<16xi32> to vector<16x1xi32>
        %gather3A_1515 = vector.shape_cast %reshape3A_1514 : vector<16x1xi32> to vector<16xi32>
        %gather3A_1516 = tpu.dynamic_gather %get3A_963[%gather3A_1515] in [0] : vector<16xf32>, vector<16xi32> -> vector<16xf32>
        %mul3A_1517 = arith.constant 16 : i32
        %mul3A_1518 = arith.muli %scan3A_946, %mul3A_1517 : i32
        %add3A_1519 = arith.constant 13 : i32
        %add3A_1520 = arith.addi %mul3A_1518, %add3A_1519 : i32
        %get3A_1521 = arith.constant 1 : i32
        %get3A_1522 = arith.index_cast %get3A_1521 : i32 to index
        %get3A_1523 = arith.index_cast %add3A_1520 : i32 to index
        %get3A_1524 = arith.constant 0 : index
        %get3A_1525 = tpu.vector_load %arg15[%get3A_1522, %get3A_1523, %get3A_1524] {strides = array<i32>} : memref<2x200x64xf32, #tpu.memory_space<vmem>>, vector<1x1x16xf32>,
        %get3A_1526 = vector.shape_cast %get3A_1525 : vector<1x1x16xf32> to vector<16xf32>
        %mul3A_1527 = arith.mulf %get3A_1526, %gather3A_1516 : vector<16xf32>
        %add3A_1528 = arith.addf %add3A_1486, %mul3A_1527 : vector<16xf32>
        %get3A_1529 = arith.constant 1 : i32
        %get3A_1530 = arith.index_cast %get3A_1529 : i32 to index
        %get3A_1531 = arith.index_cast %add3A_1520 : i32 to index
        %get3A_1532 = arith.constant 16 : index
        %get3A_1533 = tpu.vector_load %arg15[%get3A_1530, %get3A_1531, %get3A_1532] {strides = array<i32>} : memref<2x200x64xf32, #tpu.memory_space<vmem>>, vector<1x1x16xf32>,
        %get3A_1534 = vector.shape_cast %get3A_1533 : vector<1x1x16xf32> to vector<16xf32>
        %mul3A_1535 = arith.mulf %get3A_1534, %gather3A_1516 : vector<16xf32>
        %add3A_1536 = arith.addf %add3A_1494, %mul3A_1535 : vector<16xf32>
        %get3A_1537 = arith.constant 1 : i32
        %get3A_1538 = arith.index_cast %get3A_1537 : i32 to index
        %get3A_1539 = arith.index_cast %add3A_1520 : i32 to index
        %get3A_1540 = arith.constant 32 : index
        %get3A_1541 = tpu.vector_load %arg15[%get3A_1538, %get3A_1539, %get3A_1540] {strides = array<i32>} : memref<2x200x64xf32, #tpu.memory_space<vmem>>, vector<1x1x16xf32>,
        %get3A_1542 = vector.shape_cast %get3A_1541 : vector<1x1x16xf32> to vector<16xf32>
        %mul3A_1543 = arith.mulf %get3A_1542, %gather3A_1516 : vector<16xf32>
        %add3A_1544 = arith.addf %add3A_1502, %mul3A_1543 : vector<16xf32>
        %get3A_1545 = arith.constant 1 : i32
        %get3A_1546 = arith.index_cast %get3A_1545 : i32 to index
        %get3A_1547 = arith.index_cast %add3A_1520 : i32 to index
        %get3A_1548 = arith.constant 48 : index
        %get3A_1549 = tpu.vector_load %arg15[%get3A_1546, %get3A_1547, %get3A_1548] {strides = array<i32>} : memref<2x200x64xf32, #tpu.memory_space<vmem>>, vector<1x1x16xf32>,
        %get3A_1550 = vector.shape_cast %get3A_1549 : vector<1x1x16xf32> to vector<16xf32>
        %mul3A_1551 = arith.mulf %get3A_1550, %gather3A_1516 : vector<16xf32>
        %add3A_1552 = arith.addf %add3A_1510, %mul3A_1551 : vector<16xf32>
        %add3A_1553 = arith.constant 14 : i32
        %add3A_1554 = vector.broadcast %add3A_1553 : i32 to vector<16xi32>
        %add3A_1555 = arith.addi %mul3A_957, %add3A_1554 : vector<16xi32>
        %reshape3A_1556 = vector.shape_cast %add3A_1555 : vector<16xi32> to vector<16x1xi32>
        %gather3A_1557 = vector.shape_cast %reshape3A_1556 : vector<16x1xi32> to vector<16xi32>
        %gather3A_1558 = tpu.dynamic_gather %get3A_963[%gather3A_1557] in [0] : vector<16xf32>, vector<16xi32> -> vector<16xf32>
        %mul3A_1559 = arith.constant 16 : i32
        %mul3A_1560 = arith.muli %scan3A_946, %mul3A_1559 : i32
        %add3A_1561 = arith.constant 14 : i32
        %add3A_1562 = arith.addi %mul3A_1560, %add3A_1561 : i32
        %get3A_1563 = arith.constant 1 : i32
        %get3A_1564 = arith.index_cast %get3A_1563 : i32 to index
        %get3A_1565 = arith.index_cast %add3A_1562 : i32 to index
        %get3A_1566 = arith.constant 0 : index
        %get3A_1567 = tpu.vector_load %arg15[%get3A_1564, %get3A_1565, %get3A_1566] {strides = array<i32>} : memref<2x200x64xf32, #tpu.memory_space<vmem>>, vector<1x1x16xf32>,
        %get3A_1568 = vector.shape_cast %get3A_1567 : vector<1x1x16xf32> to vector<16xf32>
        %mul3A_1569 = arith.mulf %get3A_1568, %gather3A_1558 : vector<16xf32>
        %add3A_1570 = arith.addf %add3A_1528, %mul3A_1569 : vector<16xf32>
        %get3A_1571 = arith.constant 1 : i32
        %get3A_1572 = arith.index_cast %get3A_1571 : i32 to index
        %get3A_1573 = arith.index_cast %add3A_1562 : i32 to index
        %get3A_1574 = arith.constant 16 : index
        %get3A_1575 = tpu.vector_load %arg15[%get3A_1572, %get3A_1573, %get3A_1574] {strides = array<i32>} : memref<2x200x64xf32, #tpu.memory_space<vmem>>, vector<1x1x16xf32>,
        %get3A_1576 = vector.shape_cast %get3A_1575 : vector<1x1x16xf32> to vector<16xf32>
        %mul3A_1577 = arith.mulf %get3A_1576, %gather3A_1558 : vector<16xf32>
        %add3A_1578 = arith.addf %add3A_1536, %mul3A_1577 : vector<16xf32>
        %get3A_1579 = arith.constant 1 : i32
        %get3A_1580 = arith.index_cast %get3A_1579 : i32 to index
        %get3A_1581 = arith.index_cast %add3A_1562 : i32 to index
        %get3A_1582 = arith.constant 32 : index
        %get3A_1583 = tpu.vector_load %arg15[%get3A_1580, %get3A_1581, %get3A_1582] {strides = array<i32>} : memref<2x200x64xf32, #tpu.memory_space<vmem>>, vector<1x1x16xf32>,
        %get3A_1584 = vector.shape_cast %get3A_1583 : vector<1x1x16xf32> to vector<16xf32>
        %mul3A_1585 = arith.mulf %get3A_1584, %gather3A_1558 : vector<16xf32>
        %add3A_1586 = arith.addf %add3A_1544, %mul3A_1585 : vector<16xf32>
        %get3A_1587 = arith.constant 1 : i32
        %get3A_1588 = arith.index_cast %get3A_1587 : i32 to index
        %get3A_1589 = arith.index_cast %add3A_1562 : i32 to index
        %get3A_1590 = arith.constant 48 : index
        %get3A_1591 = tpu.vector_load %arg15[%get3A_1588, %get3A_1589, %get3A_1590] {strides = array<i32>} : memref<2x200x64xf32, #tpu.memory_space<vmem>>, vector<1x1x16xf32>,
        %get3A_1592 = vector.shape_cast %get3A_1591 : vector<1x1x16xf32> to vector<16xf32>
        %mul3A_1593 = arith.mulf %get3A_1592, %gather3A_1558 : vector<16xf32>
        %add3A_1594 = arith.addf %add3A_1552, %mul3A_1593 : vector<16xf32>
        %add3A_1595 = arith.constant 15 : i32
        %add3A_1596 = vector.broadcast %add3A_1595 : i32 to vector<16xi32>
        %add3A_1597 = arith.addi %mul3A_957, %add3A_1596 : vector<16xi32>
        %reshape3A_1598 = vector.shape_cast %add3A_1597 : vector<16xi32> to vector<16x1xi32>
        %gather3A_1599 = vector.shape_cast %reshape3A_1598 : vector<16x1xi32> to vector<16xi32>
        %gather3A_1600 = tpu.dynamic_gather %get3A_963[%gather3A_1599] in [0] : vector<16xf32>, vector<16xi32> -> vector<16xf32>
        %mul3A_1601 = arith.constant 16 : i32
        %mul3A_1602 = arith.muli %scan3A_946, %mul3A_1601 : i32
        %add3A_1603 = arith.constant 15 : i32
        %add3A_1604 = arith.addi %mul3A_1602, %add3A_1603 : i32
        %get3A_1605 = arith.constant 1 : i32
        %get3A_1606 = arith.index_cast %get3A_1605 : i32 to index
        %get3A_1607 = arith.index_cast %add3A_1604 : i32 to index
        %get3A_1608 = arith.constant 0 : index
        %get3A_1609 = tpu.vector_load %arg15[%get3A_1606, %get3A_1607, %get3A_1608] {strides = array<i32>} : memref<2x200x64xf32, #tpu.memory_space<vmem>>, vector<1x1x16xf32>,
        %get3A_1610 = vector.shape_cast %get3A_1609 : vector<1x1x16xf32> to vector<16xf32>
        %mul3A_1611 = arith.mulf %get3A_1610, %gather3A_1600 : vector<16xf32>
        %add3A_1612 = arith.addf %add3A_1570, %mul3A_1611 : vector<16xf32>
        %get3A_1613 = arith.constant 1 : i32
        %get3A_1614 = arith.index_cast %get3A_1613 : i32 to index
        %get3A_1615 = arith.index_cast %add3A_1604 : i32 to index
        %get3A_1616 = arith.constant 16 : index
        %get3A_1617 = tpu.vector_load %arg15[%get3A_1614, %get3A_1615, %get3A_1616] {strides = array<i32>} : memref<2x200x64xf32, #tpu.memory_space<vmem>>, vector<1x1x16xf32>,
        %get3A_1618 = vector.shape_cast %get3A_1617 : vector<1x1x16xf32> to vector<16xf32>
        %mul3A_1619 = arith.mulf %get3A_1618, %gather3A_1600 : vector<16xf32>
        %add3A_1620 = arith.addf %add3A_1578, %mul3A_1619 : vector<16xf32>
        %get3A_1621 = arith.constant 1 : i32
        %get3A_1622 = arith.index_cast %get3A_1621 : i32 to index
        %get3A_1623 = arith.index_cast %add3A_1604 : i32 to index
        %get3A_1624 = arith.constant 32 : index
        %get3A_1625 = tpu.vector_load %arg15[%get3A_1622, %get3A_1623, %get3A_1624] {strides = array<i32>} : memref<2x200x64xf32, #tpu.memory_space<vmem>>, vector<1x1x16xf32>,
        %get3A_1626 = vector.shape_cast %get3A_1625 : vector<1x1x16xf32> to vector<16xf32>
        %mul3A_1627 = arith.mulf %get3A_1626, %gather3A_1600 : vector<16xf32>
        %add3A_1628 = arith.addf %add3A_1586, %mul3A_1627 : vector<16xf32>
        %get3A_1629 = arith.constant 1 : i32
        %get3A_1630 = arith.index_cast %get3A_1629 : i32 to index
        %get3A_1631 = arith.index_cast %add3A_1604 : i32 to index
        %get3A_1632 = arith.constant 48 : index
        %get3A_1633 = tpu.vector_load %arg15[%get3A_1630, %get3A_1631, %get3A_1632] {strides = array<i32>} : memref<2x200x64xf32, #tpu.memory_space<vmem>>, vector<1x1x16xf32>,
        %get3A_1634 = vector.shape_cast %get3A_1633 : vector<1x1x16xf32> to vector<16xf32>
        %mul3A_1635 = arith.mulf %get3A_1634, %gather3A_1600 : vector<16xf32>
        %add3A_1636 = arith.addf %add3A_1594, %mul3A_1635 : vector<16xf32>
        scf.yield %add3A_1612, %add3A_1620, %add3A_1628, %add3A_1636, %add3A_964 : vector<16xf32>, vector<16xf32>, vector<16xf32>, vector<16xf32>, vector<16xf32>
      }
      %scan3A_532 = arith.constant 12 : i32
      %get3A_533 = arith.constant 0 : index
      %get3A_534 = tpu.vector_load %arg14[%get3A_533] {strides = array<i32>} : memref<16xi32, #tpu.memory_space<vmem>>, vector<16xi32>,
      %get3A_535 = vector.shape_cast %get3A_534 : vector<16xi32> to vector<16xi32>
      %mul3A_536 = arith.constant 0 : i32
      %mul3A_537 = vector.broadcast %mul3A_536 : i32 to vector<16xi32>
      %mul3A_538 = arith.muli %get3A_535, %mul3A_537 : vector<16xi32>
      %get3A_539 = arith.index_cast %add3A_502 : i32 to index
      %get3A_540 = arith.constant 192 : index
      %get3A_541 = tpu.vector_load %arg13[%get3A_539, %get3A_540] {strides = array<i32>} : memref<128x208xf32, #tpu.memory_space<vmem>>, vector<1x16xf32>,
      %get3A_542 = vector.shape_cast %get3A_541 : vector<1x16xf32> to vector<16xf32>
      %add3A_543 = arith.addf %scan3A_531#4, %get3A_542 : vector<16xf32>
      %add3A_544 = arith.constant 0 : i32
      %add3A_545 = vector.broadcast %add3A_544 : i32 to vector<16xi32>
      %add3A_546 = arith.addi %mul3A_538, %add3A_545 : vector<16xi32>
      %reshape3A_547 = vector.shape_cast %add3A_546 : vector<16xi32> to vector<16x1xi32>
      %gather3A_548 = vector.shape_cast %reshape3A_547 : vector<16x1xi32> to vector<16xi32>
      %gather3A_549 = tpu.dynamic_gather %get3A_542[%gather3A_548] in [0] : vector<16xf32>, vector<16xi32> -> vector<16xf32>
      %get3A_550 = arith.constant 1 : i32
      %get3A_551 = arith.constant 192 : i32
      %get3A_552 = arith.index_cast %get3A_550 : i32 to index
      %get3A_553 = arith.index_cast %get3A_551 : i32 to index
      %get3A_554 = arith.constant 0 : index
      %get3A_555 = tpu.vector_load %arg15[%get3A_552, %get3A_553, %get3A_554] {strides = array<i32>} : memref<2x200x64xf32, #tpu.memory_space<vmem>>, vector<1x1x16xf32>,
      %get3A_556 = vector.shape_cast %get3A_555 : vector<1x1x16xf32> to vector<16xf32>
      %mul3A_557 = arith.mulf %get3A_556, %gather3A_549 : vector<16xf32>
      %add3A_558 = arith.addf %scan3A_531#0, %mul3A_557 : vector<16xf32>
      %get3A_559 = arith.constant 1 : i32
      %get3A_560 = arith.constant 192 : i32
      %get3A_561 = arith.index_cast %get3A_559 : i32 to index
      %get3A_562 = arith.index_cast %get3A_560 : i32 to index
      %get3A_563 = arith.constant 16 : index
      %get3A_564 = tpu.vector_load %arg15[%get3A_561, %get3A_562, %get3A_563] {strides = array<i32>} : memref<2x200x64xf32, #tpu.memory_space<vmem>>, vector<1x1x16xf32>,
      %get3A_565 = vector.shape_cast %get3A_564 : vector<1x1x16xf32> to vector<16xf32>
      %mul3A_566 = arith.mulf %get3A_565, %gather3A_549 : vector<16xf32>
      %add3A_567 = arith.addf %scan3A_531#1, %mul3A_566 : vector<16xf32>
      %get3A_568 = arith.constant 1 : i32
      %get3A_569 = arith.constant 192 : i32
      %get3A_570 = arith.index_cast %get3A_568 : i32 to index
      %get3A_571 = arith.index_cast %get3A_569 : i32 to index
      %get3A_572 = arith.constant 32 : index
      %get3A_573 = tpu.vector_load %arg15[%get3A_570, %get3A_571, %get3A_572] {strides = array<i32>} : memref<2x200x64xf32, #tpu.memory_space<vmem>>, vector<1x1x16xf32>,
      %get3A_574 = vector.shape_cast %get3A_573 : vector<1x1x16xf32> to vector<16xf32>
      %mul3A_575 = arith.mulf %get3A_574, %gather3A_549 : vector<16xf32>
      %add3A_576 = arith.addf %scan3A_531#2, %mul3A_575 : vector<16xf32>
      %get3A_577 = arith.constant 1 : i32
      %get3A_578 = arith.constant 192 : i32
      %get3A_579 = arith.index_cast %get3A_577 : i32 to index
      %get3A_580 = arith.index_cast %get3A_578 : i32 to index
      %get3A_581 = arith.constant 48 : index
      %get3A_582 = tpu.vector_load %arg15[%get3A_579, %get3A_580, %get3A_581] {strides = array<i32>} : memref<2x200x64xf32, #tpu.memory_space<vmem>>, vector<1x1x16xf32>,
      %get3A_583 = vector.shape_cast %get3A_582 : vector<1x1x16xf32> to vector<16xf32>
      %mul3A_584 = arith.mulf %get3A_583, %gather3A_549 : vector<16xf32>
      %add3A_585 = arith.addf %scan3A_531#3, %mul3A_584 : vector<16xf32>
      %add3A_586 = arith.constant 1 : i32
      %add3A_587 = vector.broadcast %add3A_586 : i32 to vector<16xi32>
      %add3A_588 = arith.addi %mul3A_538, %add3A_587 : vector<16xi32>
      %reshape3A_589 = vector.shape_cast %add3A_588 : vector<16xi32> to vector<16x1xi32>
      %gather3A_590 = vector.shape_cast %reshape3A_589 : vector<16x1xi32> to vector<16xi32>
      %gather3A_591 = tpu.dynamic_gather %get3A_542[%gather3A_590] in [0] : vector<16xf32>, vector<16xi32> -> vector<16xf32>
      %get3A_592 = arith.constant 1 : i32
      %get3A_593 = arith.constant 193 : i32
      %get3A_594 = arith.index_cast %get3A_592 : i32 to index
      %get3A_595 = arith.index_cast %get3A_593 : i32 to index
      %get3A_596 = arith.constant 0 : index
      %get3A_597 = tpu.vector_load %arg15[%get3A_594, %get3A_595, %get3A_596] {strides = array<i32>} : memref<2x200x64xf32, #tpu.memory_space<vmem>>, vector<1x1x16xf32>,
      %get3A_598 = vector.shape_cast %get3A_597 : vector<1x1x16xf32> to vector<16xf32>
      %mul3A_599 = arith.mulf %get3A_598, %gather3A_591 : vector<16xf32>
      %add3A_600 = arith.addf %add3A_558, %mul3A_599 : vector<16xf32>
      %get3A_601 = arith.constant 1 : i32
      %get3A_602 = arith.constant 193 : i32
      %get3A_603 = arith.index_cast %get3A_601 : i32 to index
      %get3A_604 = arith.index_cast %get3A_602 : i32 to index
      %get3A_605 = arith.constant 16 : index
      %get3A_606 = tpu.vector_load %arg15[%get3A_603, %get3A_604, %get3A_605] {strides = array<i32>} : memref<2x200x64xf32, #tpu.memory_space<vmem>>, vector<1x1x16xf32>,
      %get3A_607 = vector.shape_cast %get3A_606 : vector<1x1x16xf32> to vector<16xf32>
      %mul3A_608 = arith.mulf %get3A_607, %gather3A_591 : vector<16xf32>
      %add3A_609 = arith.addf %add3A_567, %mul3A_608 : vector<16xf32>
      %get3A_610 = arith.constant 1 : i32
      %get3A_611 = arith.constant 193 : i32
      %get3A_612 = arith.index_cast %get3A_610 : i32 to index
      %get3A_613 = arith.index_cast %get3A_611 : i32 to index
      %get3A_614 = arith.constant 32 : index
      %get3A_615 = tpu.vector_load %arg15[%get3A_612, %get3A_613, %get3A_614] {strides = array<i32>} : memref<2x200x64xf32, #tpu.memory_space<vmem>>, vector<1x1x16xf32>,
      %get3A_616 = vector.shape_cast %get3A_615 : vector<1x1x16xf32> to vector<16xf32>
      %mul3A_617 = arith.mulf %get3A_616, %gather3A_591 : vector<16xf32>
      %add3A_618 = arith.addf %add3A_576, %mul3A_617 : vector<16xf32>
      %get3A_619 = arith.constant 1 : i32
      %get3A_620 = arith.constant 193 : i32
      %get3A_621 = arith.index_cast %get3A_619 : i32 to index
      %get3A_622 = arith.index_cast %get3A_620 : i32 to index
      %get3A_623 = arith.constant 48 : index
      %get3A_624 = tpu.vector_load %arg15[%get3A_621, %get3A_622, %get3A_623] {strides = array<i32>} : memref<2x200x64xf32, #tpu.memory_space<vmem>>, vector<1x1x16xf32>,
      %get3A_625 = vector.shape_cast %get3A_624 : vector<1x1x16xf32> to vector<16xf32>
      %mul3A_626 = arith.mulf %get3A_625, %gather3A_591 : vector<16xf32>
      %add3A_627 = arith.addf %add3A_585, %mul3A_626 : vector<16xf32>
      %add3A_628 = arith.constant 2 : i32
      %add3A_629 = vector.broadcast %add3A_628 : i32 to vector<16xi32>
      %add3A_630 = arith.addi %mul3A_538, %add3A_629 : vector<16xi32>
      %reshape3A_631 = vector.shape_cast %add3A_630 : vector<16xi32> to vector<16x1xi32>
      %gather3A_632 = vector.shape_cast %reshape3A_631 : vector<16x1xi32> to vector<16xi32>
      %gather3A_633 = tpu.dynamic_gather %get3A_542[%gather3A_632] in [0] : vector<16xf32>, vector<16xi32> -> vector<16xf32>
      %get3A_634 = arith.constant 1 : i32
      %get3A_635 = arith.constant 194 : i32
      %get3A_636 = arith.index_cast %get3A_634 : i32 to index
      %get3A_637 = arith.index_cast %get3A_635 : i32 to index
      %get3A_638 = arith.constant 0 : index
      %get3A_639 = tpu.vector_load %arg15[%get3A_636, %get3A_637, %get3A_638] {strides = array<i32>} : memref<2x200x64xf32, #tpu.memory_space<vmem>>, vector<1x1x16xf32>,
      %get3A_640 = vector.shape_cast %get3A_639 : vector<1x1x16xf32> to vector<16xf32>
      %mul3A_641 = arith.mulf %get3A_640, %gather3A_633 : vector<16xf32>
      %add3A_642 = arith.addf %add3A_600, %mul3A_641 : vector<16xf32>
      %get3A_643 = arith.constant 1 : i32
      %get3A_644 = arith.constant 194 : i32
      %get3A_645 = arith.index_cast %get3A_643 : i32 to index
      %get3A_646 = arith.index_cast %get3A_644 : i32 to index
      %get3A_647 = arith.constant 16 : index
      %get3A_648 = tpu.vector_load %arg15[%get3A_645, %get3A_646, %get3A_647] {strides = array<i32>} : memref<2x200x64xf32, #tpu.memory_space<vmem>>, vector<1x1x16xf32>,
      %get3A_649 = vector.shape_cast %get3A_648 : vector<1x1x16xf32> to vector<16xf32>
      %mul3A_650 = arith.mulf %get3A_649, %gather3A_633 : vector<16xf32>
      %add3A_651 = arith.addf %add3A_609, %mul3A_650 : vector<16xf32>
      %get3A_652 = arith.constant 1 : i32
      %get3A_653 = arith.constant 194 : i32
      %get3A_654 = arith.index_cast %get3A_652 : i32 to index
      %get3A_655 = arith.index_cast %get3A_653 : i32 to index
      %get3A_656 = arith.constant 32 : index
      %get3A_657 = tpu.vector_load %arg15[%get3A_654, %get3A_655, %get3A_656] {strides = array<i32>} : memref<2x200x64xf32, #tpu.memory_space<vmem>>, vector<1x1x16xf32>,
      %get3A_658 = vector.shape_cast %get3A_657 : vector<1x1x16xf32> to vector<16xf32>
      %mul3A_659 = arith.mulf %get3A_658, %gather3A_633 : vector<16xf32>
      %add3A_660 = arith.addf %add3A_618, %mul3A_659 : vector<16xf32>
      %get3A_661 = arith.constant 1 : i32
      %get3A_662 = arith.constant 194 : i32
      %get3A_663 = arith.index_cast %get3A_661 : i32 to index
      %get3A_664 = arith.index_cast %get3A_662 : i32 to index
      %get3A_665 = arith.constant 48 : index
      %get3A_666 = tpu.vector_load %arg15[%get3A_663, %get3A_664, %get3A_665] {strides = array<i32>} : memref<2x200x64xf32, #tpu.memory_space<vmem>>, vector<1x1x16xf32>,
      %get3A_667 = vector.shape_cast %get3A_666 : vector<1x1x16xf32> to vector<16xf32>
      %mul3A_668 = arith.mulf %get3A_667, %gather3A_633 : vector<16xf32>
      %add3A_669 = arith.addf %add3A_627, %mul3A_668 : vector<16xf32>
      %add3A_670 = arith.constant 3 : i32
      %add3A_671 = vector.broadcast %add3A_670 : i32 to vector<16xi32>
      %add3A_672 = arith.addi %mul3A_538, %add3A_671 : vector<16xi32>
      %reshape3A_673 = vector.shape_cast %add3A_672 : vector<16xi32> to vector<16x1xi32>
      %gather3A_674 = vector.shape_cast %reshape3A_673 : vector<16x1xi32> to vector<16xi32>
      %gather3A_675 = tpu.dynamic_gather %get3A_542[%gather3A_674] in [0] : vector<16xf32>, vector<16xi32> -> vector<16xf32>
      %get3A_676 = arith.constant 1 : i32
      %get3A_677 = arith.constant 195 : i32
      %get3A_678 = arith.index_cast %get3A_676 : i32 to index
      %get3A_679 = arith.index_cast %get3A_677 : i32 to index
      %get3A_680 = arith.constant 0 : index
      %get3A_681 = tpu.vector_load %arg15[%get3A_678, %get3A_679, %get3A_680] {strides = array<i32>} : memref<2x200x64xf32, #tpu.memory_space<vmem>>, vector<1x1x16xf32>,
      %get3A_682 = vector.shape_cast %get3A_681 : vector<1x1x16xf32> to vector<16xf32>
      %mul3A_683 = arith.mulf %get3A_682, %gather3A_675 : vector<16xf32>
      %add3A_684 = arith.addf %add3A_642, %mul3A_683 : vector<16xf32>
      %get3A_685 = arith.constant 1 : i32
      %get3A_686 = arith.constant 195 : i32
      %get3A_687 = arith.index_cast %get3A_685 : i32 to index
      %get3A_688 = arith.index_cast %get3A_686 : i32 to index
      %get3A_689 = arith.constant 16 : index
      %get3A_690 = tpu.vector_load %arg15[%get3A_687, %get3A_688, %get3A_689] {strides = array<i32>} : memref<2x200x64xf32, #tpu.memory_space<vmem>>, vector<1x1x16xf32>,
      %get3A_691 = vector.shape_cast %get3A_690 : vector<1x1x16xf32> to vector<16xf32>
      %mul3A_692 = arith.mulf %get3A_691, %gather3A_675 : vector<16xf32>
      %add3A_693 = arith.addf %add3A_651, %mul3A_692 : vector<16xf32>
      %get3A_694 = arith.constant 1 : i32
      %get3A_695 = arith.constant 195 : i32
      %get3A_696 = arith.index_cast %get3A_694 : i32 to index
      %get3A_697 = arith.index_cast %get3A_695 : i32 to index
      %get3A_698 = arith.constant 32 : index
      %get3A_699 = tpu.vector_load %arg15[%get3A_696, %get3A_697, %get3A_698] {strides = array<i32>} : memref<2x200x64xf32, #tpu.memory_space<vmem>>, vector<1x1x16xf32>,
      %get3A_700 = vector.shape_cast %get3A_699 : vector<1x1x16xf32> to vector<16xf32>
      %mul3A_701 = arith.mulf %get3A_700, %gather3A_675 : vector<16xf32>
      %add3A_702 = arith.addf %add3A_660, %mul3A_701 : vector<16xf32>
      %get3A_703 = arith.constant 1 : i32
      %get3A_704 = arith.constant 195 : i32
      %get3A_705 = arith.index_cast %get3A_703 : i32 to index
      %get3A_706 = arith.index_cast %get3A_704 : i32 to index
      %get3A_707 = arith.constant 48 : index
      %get3A_708 = tpu.vector_load %arg15[%get3A_705, %get3A_706, %get3A_707] {strides = array<i32>} : memref<2x200x64xf32, #tpu.memory_space<vmem>>, vector<1x1x16xf32>,
      %get3A_709 = vector.shape_cast %get3A_708 : vector<1x1x16xf32> to vector<16xf32>
      %mul3A_710 = arith.mulf %get3A_709, %gather3A_675 : vector<16xf32>
      %add3A_711 = arith.addf %add3A_669, %mul3A_710 : vector<16xf32>
      %add3A_712 = arith.constant 4 : i32
      %add3A_713 = vector.broadcast %add3A_712 : i32 to vector<16xi32>
      %add3A_714 = arith.addi %mul3A_538, %add3A_713 : vector<16xi32>
      %reshape3A_715 = vector.shape_cast %add3A_714 : vector<16xi32> to vector<16x1xi32>
      %gather3A_716 = vector.shape_cast %reshape3A_715 : vector<16x1xi32> to vector<16xi32>
      %gather3A_717 = tpu.dynamic_gather %get3A_542[%gather3A_716] in [0] : vector<16xf32>, vector<16xi32> -> vector<16xf32>
      %get3A_718 = arith.constant 1 : i32
      %get3A_719 = arith.constant 196 : i32
      %get3A_720 = arith.index_cast %get3A_718 : i32 to index
      %get3A_721 = arith.index_cast %get3A_719 : i32 to index
      %get3A_722 = arith.constant 0 : index
      %get3A_723 = tpu.vector_load %arg15[%get3A_720, %get3A_721, %get3A_722] {strides = array<i32>} : memref<2x200x64xf32, #tpu.memory_space<vmem>>, vector<1x1x16xf32>,
      %get3A_724 = vector.shape_cast %get3A_723 : vector<1x1x16xf32> to vector<16xf32>
      %mul3A_725 = arith.mulf %get3A_724, %gather3A_717 : vector<16xf32>
      %add3A_726 = arith.addf %add3A_684, %mul3A_725 : vector<16xf32>
      %get3A_727 = arith.constant 1 : i32
      %get3A_728 = arith.constant 196 : i32
      %get3A_729 = arith.index_cast %get3A_727 : i32 to index
      %get3A_730 = arith.index_cast %get3A_728 : i32 to index
      %get3A_731 = arith.constant 16 : index
      %get3A_732 = tpu.vector_load %arg15[%get3A_729, %get3A_730, %get3A_731] {strides = array<i32>} : memref<2x200x64xf32, #tpu.memory_space<vmem>>, vector<1x1x16xf32>,
      %get3A_733 = vector.shape_cast %get3A_732 : vector<1x1x16xf32> to vector<16xf32>
      %mul3A_734 = arith.mulf %get3A_733, %gather3A_717 : vector<16xf32>
      %add3A_735 = arith.addf %add3A_693, %mul3A_734 : vector<16xf32>
      %get3A_736 = arith.constant 1 : i32
      %get3A_737 = arith.constant 196 : i32
      %get3A_738 = arith.index_cast %get3A_736 : i32 to index
      %get3A_739 = arith.index_cast %get3A_737 : i32 to index
      %get3A_740 = arith.constant 32 : index
      %get3A_741 = tpu.vector_load %arg15[%get3A_738, %get3A_739, %get3A_740] {strides = array<i32>} : memref<2x200x64xf32, #tpu.memory_space<vmem>>, vector<1x1x16xf32>,
      %get3A_742 = vector.shape_cast %get3A_741 : vector<1x1x16xf32> to vector<16xf32>
      %mul3A_743 = arith.mulf %get3A_742, %gather3A_717 : vector<16xf32>
      %add3A_744 = arith.addf %add3A_702, %mul3A_743 : vector<16xf32>
      %get3A_745 = arith.constant 1 : i32
      %get3A_746 = arith.constant 196 : i32
      %get3A_747 = arith.index_cast %get3A_745 : i32 to index
      %get3A_748 = arith.index_cast %get3A_746 : i32 to index
      %get3A_749 = arith.constant 48 : index
      %get3A_750 = tpu.vector_load %arg15[%get3A_747, %get3A_748, %get3A_749] {strides = array<i32>} : memref<2x200x64xf32, #tpu.memory_space<vmem>>, vector<1x1x16xf32>,
      %get3A_751 = vector.shape_cast %get3A_750 : vector<1x1x16xf32> to vector<16xf32>
      %mul3A_752 = arith.mulf %get3A_751, %gather3A_717 : vector<16xf32>
      %add3A_753 = arith.addf %add3A_711, %mul3A_752 : vector<16xf32>
      %add3A_754 = arith.constant 5 : i32
      %add3A_755 = vector.broadcast %add3A_754 : i32 to vector<16xi32>
      %add3A_756 = arith.addi %mul3A_538, %add3A_755 : vector<16xi32>
      %reshape3A_757 = vector.shape_cast %add3A_756 : vector<16xi32> to vector<16x1xi32>
      %gather3A_758 = vector.shape_cast %reshape3A_757 : vector<16x1xi32> to vector<16xi32>
      %gather3A_759 = tpu.dynamic_gather %get3A_542[%gather3A_758] in [0] : vector<16xf32>, vector<16xi32> -> vector<16xf32>
      %get3A_760 = arith.constant 1 : i32
      %get3A_761 = arith.constant 197 : i32
      %get3A_762 = arith.index_cast %get3A_760 : i32 to index
      %get3A_763 = arith.index_cast %get3A_761 : i32 to index
      %get3A_764 = arith.constant 0 : index
      %get3A_765 = tpu.vector_load %arg15[%get3A_762, %get3A_763, %get3A_764] {strides = array<i32>} : memref<2x200x64xf32, #tpu.memory_space<vmem>>, vector<1x1x16xf32>,
      %get3A_766 = vector.shape_cast %get3A_765 : vector<1x1x16xf32> to vector<16xf32>
      %mul3A_767 = arith.mulf %get3A_766, %gather3A_759 : vector<16xf32>
      %add3A_768 = arith.addf %add3A_726, %mul3A_767 : vector<16xf32>
      %get3A_769 = arith.constant 1 : i32
      %get3A_770 = arith.constant 197 : i32
      %get3A_771 = arith.index_cast %get3A_769 : i32 to index
      %get3A_772 = arith.index_cast %get3A_770 : i32 to index
      %get3A_773 = arith.constant 16 : index
      %get3A_774 = tpu.vector_load %arg15[%get3A_771, %get3A_772, %get3A_773] {strides = array<i32>} : memref<2x200x64xf32, #tpu.memory_space<vmem>>, vector<1x1x16xf32>,
      %get3A_775 = vector.shape_cast %get3A_774 : vector<1x1x16xf32> to vector<16xf32>
      %mul3A_776 = arith.mulf %get3A_775, %gather3A_759 : vector<16xf32>
      %add3A_777 = arith.addf %add3A_735, %mul3A_776 : vector<16xf32>
      %get3A_778 = arith.constant 1 : i32
      %get3A_779 = arith.constant 197 : i32
      %get3A_780 = arith.index_cast %get3A_778 : i32 to index
      %get3A_781 = arith.index_cast %get3A_779 : i32 to index
      %get3A_782 = arith.constant 32 : index
      %get3A_783 = tpu.vector_load %arg15[%get3A_780, %get3A_781, %get3A_782] {strides = array<i32>} : memref<2x200x64xf32, #tpu.memory_space<vmem>>, vector<1x1x16xf32>,
      %get3A_784 = vector.shape_cast %get3A_783 : vector<1x1x16xf32> to vector<16xf32>
      %mul3A_785 = arith.mulf %get3A_784, %gather3A_759 : vector<16xf32>
      %add3A_786 = arith.addf %add3A_744, %mul3A_785 : vector<16xf32>
      %get3A_787 = arith.constant 1 : i32
      %get3A_788 = arith.constant 197 : i32
      %get3A_789 = arith.index_cast %get3A_787 : i32 to index
      %get3A_790 = arith.index_cast %get3A_788 : i32 to index
      %get3A_791 = arith.constant 48 : index
      %get3A_792 = tpu.vector_load %arg15[%get3A_789, %get3A_790, %get3A_791] {strides = array<i32>} : memref<2x200x64xf32, #tpu.memory_space<vmem>>, vector<1x1x16xf32>,
      %get3A_793 = vector.shape_cast %get3A_792 : vector<1x1x16xf32> to vector<16xf32>
      %mul3A_794 = arith.mulf %get3A_793, %gather3A_759 : vector<16xf32>
      %add3A_795 = arith.addf %add3A_753, %mul3A_794 : vector<16xf32>
      %add3A_796 = arith.constant 6 : i32
      %add3A_797 = vector.broadcast %add3A_796 : i32 to vector<16xi32>
      %add3A_798 = arith.addi %mul3A_538, %add3A_797 : vector<16xi32>
      %reshape3A_799 = vector.shape_cast %add3A_798 : vector<16xi32> to vector<16x1xi32>
      %gather3A_800 = vector.shape_cast %reshape3A_799 : vector<16x1xi32> to vector<16xi32>
      %gather3A_801 = tpu.dynamic_gather %get3A_542[%gather3A_800] in [0] : vector<16xf32>, vector<16xi32> -> vector<16xf32>
      %get3A_802 = arith.constant 1 : i32
      %get3A_803 = arith.constant 198 : i32
      %get3A_804 = arith.index_cast %get3A_802 : i32 to index
      %get3A_805 = arith.index_cast %get3A_803 : i32 to index
      %get3A_806 = arith.constant 0 : index
      %get3A_807 = tpu.vector_load %arg15[%get3A_804, %get3A_805, %get3A_806] {strides = array<i32>} : memref<2x200x64xf32, #tpu.memory_space<vmem>>, vector<1x1x16xf32>,
      %get3A_808 = vector.shape_cast %get3A_807 : vector<1x1x16xf32> to vector<16xf32>
      %mul3A_809 = arith.mulf %get3A_808, %gather3A_801 : vector<16xf32>
      %add3A_810 = arith.addf %add3A_768, %mul3A_809 : vector<16xf32>
      %get3A_811 = arith.constant 1 : i32
      %get3A_812 = arith.constant 198 : i32
      %get3A_813 = arith.index_cast %get3A_811 : i32 to index
      %get3A_814 = arith.index_cast %get3A_812 : i32 to index
      %get3A_815 = arith.constant 16 : index
      %get3A_816 = tpu.vector_load %arg15[%get3A_813, %get3A_814, %get3A_815] {strides = array<i32>} : memref<2x200x64xf32, #tpu.memory_space<vmem>>, vector<1x1x16xf32>,
      %get3A_817 = vector.shape_cast %get3A_816 : vector<1x1x16xf32> to vector<16xf32>
      %mul3A_818 = arith.mulf %get3A_817, %gather3A_801 : vector<16xf32>
      %add3A_819 = arith.addf %add3A_777, %mul3A_818 : vector<16xf32>
      %get3A_820 = arith.constant 1 : i32
      %get3A_821 = arith.constant 198 : i32
      %get3A_822 = arith.index_cast %get3A_820 : i32 to index
      %get3A_823 = arith.index_cast %get3A_821 : i32 to index
      %get3A_824 = arith.constant 32 : index
      %get3A_825 = tpu.vector_load %arg15[%get3A_822, %get3A_823, %get3A_824] {strides = array<i32>} : memref<2x200x64xf32, #tpu.memory_space<vmem>>, vector<1x1x16xf32>,
      %get3A_826 = vector.shape_cast %get3A_825 : vector<1x1x16xf32> to vector<16xf32>
      %mul3A_827 = arith.mulf %get3A_826, %gather3A_801 : vector<16xf32>
      %add3A_828 = arith.addf %add3A_786, %mul3A_827 : vector<16xf32>
      %get3A_829 = arith.constant 1 : i32
      %get3A_830 = arith.constant 198 : i32
      %get3A_831 = arith.index_cast %get3A_829 : i32 to index
      %get3A_832 = arith.index_cast %get3A_830 : i32 to index
      %get3A_833 = arith.constant 48 : index
      %get3A_834 = tpu.vector_load %arg15[%get3A_831, %get3A_832, %get3A_833] {strides = array<i32>} : memref<2x200x64xf32, #tpu.memory_space<vmem>>, vector<1x1x16xf32>,
      %get3A_835 = vector.shape_cast %get3A_834 : vector<1x1x16xf32> to vector<16xf32>
      %mul3A_836 = arith.mulf %get3A_835, %gather3A_801 : vector<16xf32>
      %add3A_837 = arith.addf %add3A_795, %mul3A_836 : vector<16xf32>
      %add3A_838 = arith.constant 7 : i32
      %add3A_839 = vector.broadcast %add3A_838 : i32 to vector<16xi32>
      %add3A_840 = arith.addi %mul3A_538, %add3A_839 : vector<16xi32>
      %reshape3A_841 = vector.shape_cast %add3A_840 : vector<16xi32> to vector<16x1xi32>
      %gather3A_842 = vector.shape_cast %reshape3A_841 : vector<16x1xi32> to vector<16xi32>
      %gather3A_843 = tpu.dynamic_gather %get3A_542[%gather3A_842] in [0] : vector<16xf32>, vector<16xi32> -> vector<16xf32>
      %get3A_844 = arith.constant 1 : i32
      %get3A_845 = arith.constant 199 : i32
      %get3A_846 = arith.index_cast %get3A_844 : i32 to index
      %get3A_847 = arith.index_cast %get3A_845 : i32 to index
      %get3A_848 = arith.constant 0 : index
      %get3A_849 = tpu.vector_load %arg15[%get3A_846, %get3A_847, %get3A_848] {strides = array<i32>} : memref<2x200x64xf32, #tpu.memory_space<vmem>>, vector<1x1x16xf32>,
      %get3A_850 = vector.shape_cast %get3A_849 : vector<1x1x16xf32> to vector<16xf32>
      %mul3A_851 = arith.mulf %get3A_850, %gather3A_843 : vector<16xf32>
      %add3A_852 = arith.addf %add3A_810, %mul3A_851 : vector<16xf32>
      %get3A_853 = arith.constant 1 : i32
      %get3A_854 = arith.constant 199 : i32
      %get3A_855 = arith.index_cast %get3A_853 : i32 to index
      %get3A_856 = arith.index_cast %get3A_854 : i32 to index
      %get3A_857 = arith.constant 16 : index
      %get3A_858 = tpu.vector_load %arg15[%get3A_855, %get3A_856, %get3A_857] {strides = array<i32>} : memref<2x200x64xf32, #tpu.memory_space<vmem>>, vector<1x1x16xf32>,
      %get3A_859 = vector.shape_cast %get3A_858 : vector<1x1x16xf32> to vector<16xf32>
      %mul3A_860 = arith.mulf %get3A_859, %gather3A_843 : vector<16xf32>
      %add3A_861 = arith.addf %add3A_819, %mul3A_860 : vector<16xf32>
      %get3A_862 = arith.constant 1 : i32
      %get3A_863 = arith.constant 199 : i32
      %get3A_864 = arith.index_cast %get3A_862 : i32 to index
      %get3A_865 = arith.index_cast %get3A_863 : i32 to index
      %get3A_866 = arith.constant 32 : index
      %get3A_867 = tpu.vector_load %arg15[%get3A_864, %get3A_865, %get3A_866] {strides = array<i32>} : memref<2x200x64xf32, #tpu.memory_space<vmem>>, vector<1x1x16xf32>,
      %get3A_868 = vector.shape_cast %get3A_867 : vector<1x1x16xf32> to vector<16xf32>
      %mul3A_869 = arith.mulf %get3A_868, %gather3A_843 : vector<16xf32>
      %add3A_870 = arith.addf %add3A_828, %mul3A_869 : vector<16xf32>
      %get3A_871 = arith.constant 1 : i32
      %get3A_872 = arith.constant 199 : i32
      %get3A_873 = arith.index_cast %get3A_871 : i32 to index
      %get3A_874 = arith.index_cast %get3A_872 : i32 to index
      %get3A_875 = arith.constant 48 : index
      %get3A_876 = tpu.vector_load %arg15[%get3A_873, %get3A_874, %get3A_875] {strides = array<i32>} : memref<2x200x64xf32, #tpu.memory_space<vmem>>, vector<1x1x16xf32>,
      %get3A_877 = vector.shape_cast %get3A_876 : vector<1x1x16xf32> to vector<16xf32>
      %mul3A_878 = arith.mulf %get3A_877, %gather3A_843 : vector<16xf32>
      %add3A_879 = arith.addf %add3A_837, %mul3A_878 : vector<16xf32>
      %xor3A_880 = arith.constant 8 : i32
      %xor3A_881 = vector.broadcast %xor3A_880 : i32 to vector<16xi32>
      %xor3A_882 = arith.xori %get3A_535, %xor3A_881 : vector<16xi32>
      %reshape3A_883 = vector.shape_cast %xor3A_882 : vector<16xi32> to vector<16x1xi32>
      %gather3A_884 = vector.shape_cast %reshape3A_883 : vector<16x1xi32> to vector<16xi32>
      %gather3A_885 = tpu.dynamic_gather %add3A_543[%gather3A_884] in [0] : vector<16xf32>, vector<16xi32> -> vector<16xf32>
      %add3A_886 = arith.addf %add3A_543, %gather3A_885 : vector<16xf32>
      %xor3A_887 = arith.constant 4 : i32
      %xor3A_888 = vector.broadcast %xor3A_887 : i32 to vector<16xi32>
      %xor3A_889 = arith.xori %get3A_535, %xor3A_888 : vector<16xi32>
      %reshape3A_890 = vector.shape_cast %xor3A_889 : vector<16xi32> to vector<16x1xi32>
      %gather3A_891 = vector.shape_cast %reshape3A_890 : vector<16x1xi32> to vector<16xi32>
      %gather3A_892 = tpu.dynamic_gather %add3A_886[%gather3A_891] in [0] : vector<16xf32>, vector<16xi32> -> vector<16xf32>
      %add3A_893 = arith.addf %add3A_886, %gather3A_892 : vector<16xf32>
      %xor3A_894 = arith.constant 2 : i32
      %xor3A_895 = vector.broadcast %xor3A_894 : i32 to vector<16xi32>
      %xor3A_896 = arith.xori %get3A_535, %xor3A_895 : vector<16xi32>
      %reshape3A_897 = vector.shape_cast %xor3A_896 : vector<16xi32> to vector<16x1xi32>
      %gather3A_898 = vector.shape_cast %reshape3A_897 : vector<16x1xi32> to vector<16xi32>
      %gather3A_899 = tpu.dynamic_gather %add3A_893[%gather3A_898] in [0] : vector<16xf32>, vector<16xi32> -> vector<16xf32>
      %add3A_900 = arith.addf %add3A_893, %gather3A_899 : vector<16xf32>
      %xor3A_901 = arith.constant 1 : i32
      %xor3A_902 = vector.broadcast %xor3A_901 : i32 to vector<16xi32>
      %xor3A_903 = arith.xori %get3A_535, %xor3A_902 : vector<16xi32>
      %reshape3A_904 = vector.shape_cast %xor3A_903 : vector<16xi32> to vector<16x1xi32>
      %gather3A_905 = vector.shape_cast %reshape3A_904 : vector<16x1xi32> to vector<16xi32>
      %gather3A_906 = tpu.dynamic_gather %add3A_900[%gather3A_905] in [0] : vector<16xf32>, vector<16xi32> -> vector<16xf32>
      %add3A_907 = arith.addf %add3A_900, %gather3A_906 : vector<16xf32>
      %add3A_908 = arith.constant 9.99999993E-9 : f32
      %add3A_909 = vector.broadcast %add3A_908 : f32 to vector<16xf32>
      %add3A_910 = arith.addf %add3A_907, %add3A_909 : vector<16xf32>
      %div3A_911 = arith.constant 1.000000e+00 : f32
      %div3A_912 = vector.broadcast %div3A_911 : f32 to vector<16xf32>
      %div3A_913 = arith.divf %div3A_912, %add3A_910 : vector<16xf32>
      %mul3A_914 = arith.mulf %add3A_852, %div3A_913 : vector<16xf32>
      %swap3A_915 = arith.index_cast %add3A_502 : i32 to index
      %swap3A_916 = arith.constant 0 : index
      %swap3A_917 = tpu.vector_load %arg16[%swap3A_915, %swap3A_916] {strides = array<i32>} : memref<128x64xf32, #tpu.memory_space<vmem>>, vector<1x16xf32>,
      %swap3A_918 = vector.shape_cast %swap3A_917 : vector<1x16xf32> to vector<16xf32>
      %swap3A_919 = vector.shape_cast %mul3A_914 : vector<16xf32> to vector<1x16xf32>
      tpu.vector_store %arg16[%swap3A_915, %swap3A_916], %swap3A_919 {strides = array<i32>} : memref<128x64xf32, #tpu.memory_space<vmem>>, vector<1x16xf32>,
      %mul3A_920 = arith.mulf %add3A_861, %div3A_913 : vector<16xf32>
      %swap3A_921 = arith.index_cast %add3A_502 : i32 to index
      %swap3A_922 = arith.constant 16 : index
      %swap3A_923 = tpu.vector_load %arg16[%swap3A_921, %swap3A_922] {strides = array<i32>} : memref<128x64xf32, #tpu.memory_space<vmem>>, vector<1x16xf32>,
      %swap3A_924 = vector.shape_cast %swap3A_923 : vector<1x16xf32> to vector<16xf32>
      %swap3A_925 = vector.shape_cast %mul3A_920 : vector<16xf32> to vector<1x16xf32>
      tpu.vector_store %arg16[%swap3A_921, %swap3A_922], %swap3A_925 {strides = array<i32>} : memref<128x64xf32, #tpu.memory_space<vmem>>, vector<1x16xf32>,
      %mul3A_926 = arith.mulf %add3A_870, %div3A_913 : vector<16xf32>
      %swap3A_927 = arith.index_cast %add3A_502 : i32 to index
      %swap3A_928 = arith.constant 32 : index
      %swap3A_929 = tpu.vector_load %arg16[%swap3A_927, %swap3A_928] {strides = array<i32>} : memref<128x64xf32, #tpu.memory_space<vmem>>, vector<1x16xf32>,
      %swap3A_930 = vector.shape_cast %swap3A_929 : vector<1x16xf32> to vector<16xf32>
      %swap3A_931 = vector.shape_cast %mul3A_926 : vector<16xf32> to vector<1x16xf32>
      tpu.vector_store %arg16[%swap3A_927, %swap3A_928], %swap3A_931 {strides = array<i32>} : memref<128x64xf32, #tpu.memory_space<vmem>>, vector<1x16xf32>,
      %mul3A_932 = arith.mulf %add3A_879, %div3A_913 : vector<16xf32>
      %swap3A_933 = arith.index_cast %add3A_502 : i32 to index
      %swap3A_934 = arith.constant 48 : index
      %swap3A_935 = tpu.vector_load %arg16[%swap3A_933, %swap3A_934] {strides = array<i32>} : memref<128x64xf32, #tpu.memory_space<vmem>>, vector<1x16xf32>,
      %swap3A_936 = vector.shape_cast %swap3A_935 : vector<1x16xf32> to vector<16xf32>
      %swap3A_937 = vector.shape_cast %mul3A_932 : vector<16xf32> to vector<1x16xf32>
      tpu.vector_store %arg16[%swap3A_933, %swap3A_934], %swap3A_937 {strides = array<i32>} : memref<128x64xf32, #tpu.memory_space<vmem>>, vector<1x16xf32>,
      %add3A_938 = arith.constant 2 : i32
      %add3A_939 = arith.addi %add3A_502, %add3A_938 : i32
      %lt3A_940 = arith.constant 128 : i32
      %lt3A_941 = arith.cmpi slt, %add3A_939, %lt3A_940 : i32
      %convert_element_type3A_942 = arith.extui %lt3A_941 : i1 to i32
      %cond3A_943 = arith.constant 0 : i32
      %cond3A_944 = arith.cmpi ne, %convert_element_type3A_942, %cond3A_943 : i32
      scf.if %cond3A_944 {
        %add3A_946 = arith.constant 2 : i32
        %add3A_947 = arith.addi %add3A_502, %add3A_946 : i32
        %dma_start3A_948 = arith.constant 1 : i32
        %dma_start3A_949 = arith.constant 0 : i32
        %dma_start3A_950 = arith.constant 0 : i32
        %dma_start3A_951 = tpu.memref_slice %arg15[%dma_start3A_948, %dma_start3A_949, %dma_start3A_950] : memref<2x200x64xf32, #tpu.memory_space<vmem>> -> memref<1x128x64xf32, #tpu.memory_space<vmem>>
        %dma_start3A_952 = tpu.memref_squeeze %dma_start3A_951 : memref<1x128x64xf32, #tpu.memory_space<vmem>> -> memref<128x64xf32, #tpu.memory_space<vmem>>
        %dma_start3A_953 = arith.constant 0 : i32
        %dma_start3A_954 = tpu.memref_slice %arg12[%add3A_947, %dma_start3A_953] : memref<128x200xi32, #tpu.memory_space<vmem>> -> memref<1x128xi32, #tpu.memory_space<vmem>>
        %dma_start3A_955 = tpu.memref_squeeze %dma_start3A_954 : memref<1x128xi32, #tpu.memory_space<vmem>> -> memref<128xi32, #tpu.memory_space<vmem>>
        %dma_start3A_956 = arith.constant 0 : i32
        %dma_start3A_957 = arith.constant 0 : i32
        %dma_start3A_958 = tpu.memref_slice %arg7[%dma_start3A_956, %dma_start3A_957] : memref<1000000x64xf32, #tpu.memory_space<hbm>> -> memref<1000000x64xf32, #tpu.memory_space<hbm>>
        tpu.enqueue_indirect_dma source(%dma_start3A_958 : memref<1000000x64xf32, #tpu.memory_space<hbm>>) target(%dma_start3A_952 : memref<128x64xf32, #tpu.memory_space<vmem>>) offsets(%dma_start3A_955 : memref<128xi32, #tpu.memory_space<vmem>>) semaphore(%arg19 : memref<!tpu.dma_semaphore, #tpu.memory_space<semaphore_mem>>)
        %dma_start3A_959 = arith.constant 1 : i32
        %dma_start3A_960 = arith.constant 128 : i32
        %dma_start3A_961 = arith.constant 0 : i32
        %dma_start3A_962 = tpu.memref_slice %arg15[%dma_start3A_959, %dma_start3A_960, %dma_start3A_961] : memref<2x200x64xf32, #tpu.memory_space<vmem>> -> memref<1x72x64xf32, #tpu.memory_space<vmem>>
        %dma_start3A_963 = tpu.memref_squeeze %dma_start3A_962 : memref<1x72x64xf32, #tpu.memory_space<vmem>> -> memref<72x64xf32, #tpu.memory_space<vmem>>
        %dma_start3A_964 = arith.constant 128 : i32
        %dma_start3A_965 = tpu.memref_slice %arg12[%add3A_947, %dma_start3A_964] : memref<128x200xi32, #tpu.memory_space<vmem>> -> memref<1x72xi32, #tpu.memory_space<vmem>>
        %dma_start3A_966 = tpu.memref_squeeze %dma_start3A_965 : memref<1x72xi32, #tpu.memory_space<vmem>> -> memref<72xi32, #tpu.memory_space<vmem>>
        %dma_start3A_967 = arith.constant 0 : i32
        %dma_start3A_968 = arith.constant 0 : i32
        %dma_start3A_969 = tpu.memref_slice %arg7[%dma_start3A_967, %dma_start3A_968] : memref<1000000x64xf32, #tpu.memory_space<hbm>> -> memref<1000000x64xf32, #tpu.memory_space<hbm>>
        tpu.enqueue_indirect_dma source(%dma_start3A_969 : memref<1000000x64xf32, #tpu.memory_space<hbm>>) target(%dma_start3A_963 : memref<72x64xf32, #tpu.memory_space<vmem>>) offsets(%dma_start3A_966 : memref<72xi32, #tpu.memory_space<vmem>>) semaphore(%arg19 : memref<!tpu.dma_semaphore, #tpu.memory_space<semaphore_mem>>)
      } else {
      }
      %scan3A_945 = arith.constant 0 : i32
      scf.yield %scan3A_945 : i32
    }
    %scan3A_60 = arith.constant 64 : i32
    "tpu.region"() ({
      %run_scoped3A = tpu.sem_alloc : memref<!tpu.dma_semaphore, #tpu.memory_space<semaphore_mem>>
      %dma_start3A_61 = arith.constant 0 : i32
      %dma_start3A_62 = tpu.memref_slice %arg9[%mul3A_2, %dma_start3A_61] : memref<4096x64xf32, #tpu.memory_space<hbm>> -> memref<128x64xf32, #tpu.memory_space<hbm>>
      %dma_start3A_63 = arith.constant 0 : i32
      %dma_start3A_64 = tpu.memref_slice %arg9[%mul3A_2, %dma_start3A_63] : memref<4096x64xf32, #tpu.memory_space<hbm>> -> memref<128x64xf32, #tpu.memory_space<hbm>>
      tpu.enqueue_dma source(%arg16 : memref<128x64xf32, #tpu.memory_space<vmem>>) target(%dma_start3A_64 : memref<128x64xf32, #tpu.memory_space<hbm>>) target_semaphore(%run_scoped3A : memref<!tpu.dma_semaphore, #tpu.memory_space<semaphore_mem>>)
      %dma_wait3A_65 = arith.constant 0 : i32
      %dma_wait3A_66 = tpu.memref_slice %arg9[%mul3A_2, %dma_wait3A_65] : memref<4096x64xf32, #tpu.memory_space<hbm>> -> memref<128x64xf32, #tpu.memory_space<hbm>>
      %dma_wait3A_67 = arith.constant 0 : i32
      %dma_wait3A_68 = tpu.memref_slice %arg9[%mul3A_2, %dma_wait3A_67] : memref<4096x64xf32, #tpu.memory_space<hbm>> -> memref<128x64xf32, #tpu.memory_space<hbm>>
      tpu.wait_dma2 semaphore(%run_scoped3A : memref<!tpu.dma_semaphore, #tpu.memory_space<semaphore_mem>>) src(%arg16 : memref<128x64xf32, #tpu.memory_space<vmem>>) dst(%dma_wait3A_68 : memref<128x64xf32, #tpu.memory_space<hbm>>)
      tpu.yield
    }) : () -> ()
    return
  }
}

module attributes {stable_mosaic.version = 14 : i64} {
  func.func @_mlp_body(%arg0: memref<4096x64xf32, #tpu.memory_space<vmem>>, %arg1: memref<4096x64xf32, #tpu.memory_space<vmem>>, %arg2: memref<128x128xf32, #tpu.memory_space<vmem>>, %arg3: memref<128x1xf32, #tpu.memory_space<vmem>>, %arg4: memref<128x1xf32, #tpu.memory_space<vmem>>, %arg5: memref<128x1xf32, #tpu.memory_space<vmem>>, %arg6: memref<64x128xf32, #tpu.memory_space<vmem>>, %arg7: memref<64x1xf32, #tpu.memory_space<vmem>>, %arg8: memref<64x4096xf32, #tpu.memory_space<vmem>>) attributes {dimension_semantics = [], scalar_prefetch = 0 : i64, scratch_operands = 0 : i64, tpu.core_type = #tpu.core_type<tc>} {
    %get3A = arith.constant 0 : index
    %get3A_0 = arith.constant 0 : index
    %get3A_1 = vector.load %arg2[%get3A, %get3A_0] : memref<128x128xf32, #tpu.memory_space<vmem>>, vector<128x64xf32>
    %get3A_2 = arith.constant 0 : index
    %get3A_3 = arith.constant 0 : index
    %get3A_4 = vector.load %arg0[%get3A_2, %get3A_3] : memref<4096x64xf32, #tpu.memory_space<vmem>>, vector<4096x64xf32>
    %dot_general3A = arith.constant dense<0.000000e+00> : vector<128x4096xf32>
    %dot_general3A_5 = tpu.matmul %get3A_1, %get3A_4, %dot_general3A {dimension_numbers = #tpu.dot_dimension_numbers<[1], [1], [0], [0], [0, 0, 1, 0], [], []>, precision = #tpu.contract_precision<fp32>, transpose_lhs_hint = false} : vector<128x64xf32>, vector<4096x64xf32>, vector<128x4096xf32> -> vector<128x4096xf32>
    %get3A_6 = arith.constant 0 : index
    %get3A_7 = arith.constant 64 : index
    %get3A_8 = vector.load %arg2[%get3A_6, %get3A_7] : memref<128x128xf32, #tpu.memory_space<vmem>>, vector<128x64xf32>
    %get3A_9 = arith.constant 0 : index
    %get3A_10 = arith.constant 0 : index
    %get3A_11 = vector.load %arg1[%get3A_9, %get3A_10] : memref<4096x64xf32, #tpu.memory_space<vmem>>, vector<4096x64xf32>
    %dot_general3A_12 = arith.constant dense<0.000000e+00> : vector<128x4096xf32>
    %dot_general3A_13 = tpu.matmul %get3A_8, %get3A_11, %dot_general3A_12 {dimension_numbers = #tpu.dot_dimension_numbers<[1], [1], [0], [0], [0, 0, 1, 0], [], []>, precision = #tpu.contract_precision<fp32>, transpose_lhs_hint = false} : vector<128x64xf32>, vector<4096x64xf32>, vector<128x4096xf32> -> vector<128x4096xf32>
    %add3A = arith.addf %dot_general3A_5, %dot_general3A_13 : vector<128x4096xf32>
    %get3A_14 = arith.constant 0 : index
    %get3A_15 = arith.constant 0 : index
    %get3A_16 = vector.load %arg3[%get3A_14, %get3A_15] : memref<128x1xf32, #tpu.memory_space<vmem>>, vector<128x1xf32>
    %add3A_17 = vector.broadcast %get3A_16 : vector<128x1xf32> to vector<128x4096xf32>
    %add3A_18 = arith.addf %add3A, %add3A_17 : vector<128x4096xf32>
    %reduce_sum3A = arith.constant dense<0.000000e+00> : vector<128xf32>
    %reduce_sum3A_19 = vector.multi_reduction <add>, %add3A_18, %reduce_sum3A [1] : vector<128x4096xf32> to vector<128xf32>
    %broadcast_in_dim3A = vector.shape_cast %reduce_sum3A_19 : vector<128xf32> to vector<128x1xf32>
    %div3A = arith.constant 4.096000e+03 : f32
    %div3A_20 = vector.broadcast %div3A : f32 to vector<128x1xf32>
    %div3A_21 = arith.divf %broadcast_in_dim3A, %div3A_20 : vector<128x1xf32>
    %sub3A = vector.broadcast %div3A_21 : vector<128x1xf32> to vector<128x4096xf32>
    %sub3A_22 = arith.subf %add3A_18, %sub3A : vector<128x4096xf32>
    %mul3A = arith.mulf %sub3A_22, %sub3A_22 : vector<128x4096xf32>
    %reduce_sum3A_23 = arith.constant dense<0.000000e+00> : vector<128xf32>
    %reduce_sum3A_24 = vector.multi_reduction <add>, %mul3A, %reduce_sum3A_23 [1] : vector<128x4096xf32> to vector<128xf32>
    %broadcast_in_dim3A_25 = vector.shape_cast %reduce_sum3A_24 : vector<128xf32> to vector<128x1xf32>
    %div3A_26 = arith.constant 4.096000e+03 : f32
    %div3A_27 = vector.broadcast %div3A_26 : f32 to vector<128x1xf32>
    %div3A_28 = arith.divf %broadcast_in_dim3A_25, %div3A_27 : vector<128x1xf32>
    %add3A_29 = arith.constant 9.99999974E-6 : f32
    %add3A_30 = vector.broadcast %add3A_29 : f32 to vector<128x1xf32>
    %add3A_31 = arith.addf %div3A_28, %add3A_30 : vector<128x1xf32>
    %rsqrt3A = math.rsqrt %add3A_31 : vector<128x1xf32>
    %mul3A_32 = vector.broadcast %rsqrt3A : vector<128x1xf32> to vector<128x4096xf32>
    %mul3A_33 = arith.mulf %sub3A_22, %mul3A_32 : vector<128x4096xf32>
    %get3A_34 = arith.constant 0 : index
    %get3A_35 = arith.constant 0 : index
    %get3A_36 = vector.load %arg4[%get3A_34, %get3A_35] : memref<128x1xf32, #tpu.memory_space<vmem>>, vector<128x1xf32>
    %mul3A_37 = vector.broadcast %get3A_36 : vector<128x1xf32> to vector<128x4096xf32>
    %mul3A_38 = arith.mulf %mul3A_33, %mul3A_37 : vector<128x4096xf32>
    %get3A_39 = arith.constant 0 : index
    %get3A_40 = arith.constant 0 : index
    %get3A_41 = vector.load %arg5[%get3A_39, %get3A_40] : memref<128x1xf32, #tpu.memory_space<vmem>>, vector<128x1xf32>
    %add3A_42 = vector.broadcast %get3A_41 : vector<128x1xf32> to vector<128x4096xf32>
    %add3A_43 = arith.addf %mul3A_38, %add3A_42 : vector<128x4096xf32>
    %max3A = arith.constant 0.000000e+00 : f32
    %max3A_44 = vector.broadcast %max3A : f32 to vector<128x4096xf32>
    %max3A_45 = arith.maximumf %add3A_43, %max3A_44 : vector<128x4096xf32>
    %get3A_46 = arith.constant 0 : index
    %get3A_47 = arith.constant 0 : index
    %get3A_48 = vector.load %arg6[%get3A_46, %get3A_47] : memref<64x128xf32, #tpu.memory_space<vmem>>, vector<64x128xf32>
    %dot_general3A_49 = arith.constant dense<0.000000e+00> : vector<64x4096xf32>
    %dot_general3A_50 = tpu.matmul %get3A_48, %max3A_45, %dot_general3A_49 {dimension_numbers = #tpu.dot_dimension_numbers<[1], [0], [0], [1], [0, 0, 1, 1], [], []>, precision = #tpu.contract_precision<fp32>, transpose_lhs_hint = false} : vector<64x128xf32>, vector<128x4096xf32>, vector<64x4096xf32> -> vector<64x4096xf32>
    %get3A_51 = arith.constant 0 : index
    %get3A_52 = arith.constant 0 : index
    %get3A_53 = vector.load %arg7[%get3A_51, %get3A_52] : memref<64x1xf32, #tpu.memory_space<vmem>>, vector<64x1xf32>
    %add3A_54 = vector.broadcast %get3A_53 : vector<64x1xf32> to vector<64x4096xf32>
    %add3A_55 = arith.addf %dot_general3A_50, %add3A_54 : vector<64x4096xf32>
    %mul3A_56 = arith.mulf %add3A_55, %add3A_55 : vector<64x4096xf32>
    %reduce_sum3A_57 = arith.constant dense<0.000000e+00> : vector<4096xf32>
    %reduce_sum3A_58 = vector.multi_reduction <add>, %mul3A_56, %reduce_sum3A_57 [0] : vector<64x4096xf32> to vector<4096xf32>
    %broadcast_in_dim3A_59 = vector.shape_cast %reduce_sum3A_58 : vector<4096xf32> to vector<1x4096xf32>
    %sqrt3A = math.sqrt %broadcast_in_dim3A_59 : vector<1x4096xf32>
    %max3A_60 = arith.constant 9.99999996E-13 : f32
    %max3A_61 = vector.broadcast %max3A_60 : f32 to vector<1x4096xf32>
    %max3A_62 = arith.maximumf %sqrt3A, %max3A_61 : vector<1x4096xf32>
    %div3A_63 = vector.broadcast %max3A_62 : vector<1x4096xf32> to vector<64x4096xf32>
    %div3A_64 = arith.divf %add3A_55, %div3A_63 : vector<64x4096xf32>
    %swap3A = arith.constant 0 : index
    %swap3A_65 = arith.constant 0 : index
    %swap3A_66 = vector.load %arg8[%swap3A, %swap3A_65] : memref<64x4096xf32, #tpu.memory_space<vmem>>, vector<64x4096xf32>
    tpu.vector_store %arg8[%swap3A, %swap3A_65], %div3A_64 {strides = array<i32>} : memref<64x4096xf32, #tpu.memory_space<vmem>>, vector<64x4096xf32>,
    return
  }
}

</mosaic_0001>

<sc_bundles>
// kernel: kernel.4.cloned.1.call-start
scs
__scs_entry_jumppad:
0x0: {  	(pc) =	sbr.rel $0x88, $3  }
0x1: {  	(tag) =	ssettag $0x0;
	lr =	simm.s32 $0x1  }
0x2: {  	[smem:$0x3F95] =	sst lr;
	_ =	strace $0xD0000000  }
0x3: {  	_ = 	snop  }
0x4: {  	_ = 	snop  }
0x5: {  	_ = 	snop  }
0x6: {  	_ = 	snop  }
0x7: {  	_ = 	snop  }
__scs_overlays_trampoline_lowered:
0x8: {  	[smem:$0x3FA4] =	sst s0  }
0x9: {  	[smem:$0x3FA5] =	sst s1  }
0xa: {  	[smem:$0x3FA6] =	sst s2  }
0xb: {  	[smem:$0x3FA7] =	sst s3  }
0xc: {  	[smem:$0x3FA8] =	sst s4  }
0xd: {  	[smem:$0x3FA9] =	sst s5  }
0xe: {  	[smem:$0x3FAA] =	sst s6  }
0xf: {  	[smem:$0x3FAB] =	sst s7  }
0x10: {  	[smem:$0x3FAC] =	sst s8  }
0x11: {  	[smem:$0x3FAD] =	sst s9;
	s0 =	simm.s32 @!p0 $0x0  }
0x12: {  	s1 =	sld [smem:$0x3F93];
	s0 =	simm.s32 @p0 $0x1  }
0x13: {  	[smem:$0x3FAE] =	sst s0;
	s0 =	simm.s32 @!p1 $0x0  }
0x14: {  	s2 =	sld [smem:$0x3F92];
	s0 =	simm.s32 @p1 $0x1  }
0x15: {  	[smem:$0x3FAF] =	sst s0;
	s0 =	simm.s32 @!p2 $0x0  }
0x16: {  	s3 =	sld [smem:$0x3FDB];
	s0 =	simm.s32 @p2 $0x1  }
0x17: {  	s4 =	simm.s32 $0x1BF5;
	[smem:$0x3FB1] =	sst s0  }
0x18: {  	s0 =	sld [smem:$0x3F94];
	_ =	swait.ge [sflag:s4], $0x0  }
0x19: {  	s7 =	sld [smem:$0x3F95]  }
0x1a: {  	s8 =	sadd.s32 $0xFFFFE003, lr  }
0x1b: {  	s9 =	sadd.s32 $0xFFFFFEF7, lr;
	s5 =	simm.s32 $0xFFFFFFFF;
	p2 =	slt.u32 s8, $0xFFFFF086  }
0x1c: {  	p1 =	slt.u32 s9, $0xF7A;
	s5 =	simm.s32 @!p2 $0x0  }
0x1d: {  	s5 =	simm.s32 @p1 $0x1;
	p0 =	seq.s32 s7, s2  }
0x1e: {  	s7 =	smul.u32 @!p0 $0xF7A, s2;
	p2 =	seq.s32 @!p0 s5, $0x0  }
0x1f: {  	s9 =	smul.u32 $0xF7A, s1;
	s8 =	simm.s32 @!p0 $0x1BF5;
	p2 =	por !p2, p0  }
0x20: {  	[sflag:s8] =	ssyncset.s32 @!p0 $0xFFFFF086;
	s6 =	sadd.s32 @!p0 s3, s7;
	s7 =	simm.s32 @!p0 $0x108  }
0x21: {  	s3 =	sadd.s32 s3, s9;
	s6 =	sadd.s32 @!p0 $0x88, s6;
	s7 =	simm.s32 @p2 $0x1082  }
0x22: {  	[simem:s7], [sflag:s8] =	dma.local @!p0 [hbm:s6], $0xF7A  }
0x23: {  	s9 =	sor.u32 $0xD0000000, s2;
	s6 =	simm.s32 $0x108;
	_ =	swait.ge @!p0 [sflag:s8], $0x0  }
0x24: {  	s3 =	sadd.s32 $0x88, s3;
	s6 =	simm.s32 @!p1 $0x1082;
	[sflag:s4] =	ssyncset.s32 $0xFFFFF086  }
0x25: {  	[simem:s6], [sflag:s4] =	dma.local [hbm:s3], $0xF7A  }
0x26: {  	[smem:$0x3F95] =	sst s1;
	(tag) =	ssettag s2;
	_ =	strace s9  }
0x27: {  	s1 =	sld [smem:$0x3FA5]  }
0x28: {  	s2 =	sld [smem:$0x3FA6]  }
0x29: {  	s4 =	sld [smem:$0x3FA8]  }
0x2a: {  	p0 =	seq.s32 s5, $0x0;
	s5 =	sld [smem:$0x3FA9]  }
0x2b: {  	s6 =	sld [smem:$0x3FAA]  }
0x2c: {  	s7 =	sld [smem:$0x3FAB]  }
0x2d: {  	s3 =	simm.s32 $0x108;
	s8 =	sld [smem:$0x3FAC]  }
0x2e: {  	s3 =	simm.s32 @!p0 $0x1082;
	s9 =	sld [smem:$0x3FAD]  }
0x2f: {  	lr =	sadd.s32 s0, s3;
	s0 =	sld [smem:$0x3FA4]  }
0x30: {  	s3 =	sld [smem:$0x3FA7]  }
0x31: {  	[smem:$0x3FB0] =	sst s10  }
0x32: {  	s10 =	sld [smem:$0x3FAE];
	_ =	sdelay $0x3  }
0x33: {  	p0 =	seq.s32 s10, $0x1;
	s10 =	sld [smem:$0x3FB0];
	_ =	sdelay $0x3  }
0x34: {  	[smem:$0x3FB0] =	sst s10  }
0x35: {  	s10 =	sld [smem:$0x3FAF];
	_ =	sdelay $0x3  }
0x36: {  	p1 =	seq.s32 s10, $0x1;
	s10 =	sld [smem:$0x3FB0];
	_ =	sdelay $0x3  }
0x37: {  	[smem:$0x3FB0] =	sst s10  }
0x38: {  	s10 =	sld [smem:$0x3FB1]  }
0x39: {  	_ = 	snop;
	(pc) =	sbr.ind lr, $3  }
0x3a: {  	_ = 	snop  }
0x3b: {  	_ = 	snop  }
0x3c: {  	p2 =	seq.s32 s10, $0x1;
	s10 =	sld [smem:$0x3FB0]  }
0x3d: {  	_ =	shalt  }
0x3e: {  	_ =	shalt  }
0x3f: {  	_ =	shalt  }
0x40: {  	_ =	shalt  }
0x41: {  	_ =	shalt  }
0x42: {  	_ =	shalt  }
0x43: {  	_ =	shalt  }
0x44: {  	_ =	shalt  }
0x45: {  	_ =	shalt  }
0x46: {  	_ =	shalt  }
0x47: {  	_ =	shalt  }
0x48: {  	_ =	shalt  }
0x49: {  	_ =	shalt  }
0x4a: {  	_ =	shalt  }
0x4b: {  	_ =	shalt  }
0x4c: {  	_ =	shalt  }
0x4d: {  	_ =	shalt  }
0x4e: {  	_ =	shalt  }
0x4f: {  	_ =	shalt  }
0x50: {  	_ =	shalt  }
0x51: {  	_ =	shalt  }
0x52: {  	_ =	shalt  }
0x53: {  	_ =	shalt  }
0x54: {  	_ =	shalt  }
0x55: {  	_ =	shalt  }
0x56: {  	_ =	shalt  }
0x57: {  	_ =	shalt  }
0x58: {  	_ =	shalt  }
0x59: {  	_ =	shalt  }
0x5a: {  	_ =	shalt  }
0x5b: {  	_ =	shalt  }
0x5c: {  	_ =	shalt  }
0x5d: {  	_ =	shalt  }
0x5e: {  	_ =	shalt  }
0x5f: {  	_ =	shalt  }
0x60: {  	_ =	shalt  }
0x61: {  	_ =	shalt  }
0x62: {  	_ =	shalt  }
0x63: {  	_ =	shalt  }
0x64: {  	_ =	shalt  }
0x65: {  	_ =	shalt  }
0x66: {  	_ =	shalt  }
0x67: {  	_ =	shalt  }
0x68: {  	_ =	shalt  }
0x69: {  	_ =	shalt  }
0x6a: {  	_ =	shalt  }
0x6b: {  	_ =	shalt  }
0x6c: {  	_ =	shalt  }
0x6d: {  	_ =	shalt  }
0x6e: {  	_ =	shalt  }
0x6f: {  	_ =	shalt  }
0x70: {  	_ =	shalt  }
0x71: {  	_ =	shalt  }
0x72: {  	_ =	shalt  }
0x73: {  	_ =	shalt  }
0x74: {  	_ =	shalt  }
0x75: {  	_ =	shalt  }
0x76: {  	_ =	shalt  }
0x77: {  	_ =	shalt  }
0x78: {  	_ =	shalt  }
0x79: {  	_ =	shalt  }
0x7a: {  	_ =	shalt  }
0x7b: {  	_ =	shalt  }
0x7c: {  	_ =	shalt  }
0x7d: {  	_ =	shalt  }
0x7e: {  	_ =	shalt  }
0x7f: {  	_ =	shalt  }
0x80: {  	_ =	shalt  }
0x81: {  	_ =	shalt  }
0x82: {  	_ =	shalt  }
0x83: {  	_ =	shalt  }
0x84: {  	_ =	shalt  }
0x85: {  	_ =	shalt  }
0x86: {  	_ =	shalt  }
0x87: {  	_ =	shalt  }
.Lfunc_end0:
.L_simem_size_0:
called_computation_lowered:
.L_overlay_start_0:
0x88: {  	s2 =	sld [smem:$0x3FD9]  }
0x89: {  	s3 =	sld [smem:$0x3FFE];
	_ =	sdelay $0x1  }
0x8a: {  	s1 =	srdreg.scid  }
0x8b: {  	s0 =	sand.u32 $0x1, s1  }
0x8c: {  	s17 =	sshll.u32 s0, $0xA;
	s2 =	sadd.s32 s3, s2  }
0x8d: {  	s2 =	sadd.s32 s2, s17  }
0x8e: {  	[smem:$0x3FBC] =	sst s2  }
0x8f: {  	_ = 	snop  }
0x90: {  	s2 =	sld [smem:$0x3FC9]  }
0x91: {  	s18 =	sld [smem:$0x3FD0];
	(tm) =	ssettm $0x1  }
0x92: {  	s4 =	sld [smem:$0x3FFB];
	_ =	sdelay $0x3  }
0x93: {  	_ =	strace s4  }
0x94: {  	s4 =	sld [smem:$0x3FFC];
	_ =	sdelay $0x3  }
0x95: {  	_ =	strace s4  }
0x96: {  	s4 =	sld [smem:$0x3FFD];
	_ =	sdelay $0x3  }
0x97: {  	_ =	strace s4  }
0x98: {  	_ =	strace $0x8FFFFFFF  }
0x99: {  	s19 =	sld [smem:$0x3FDB];
	_ =	sdelay $0x1  }
0x9a: {  	s5 =	simm.s32 $_scs_section_size  }
0x9b: {  	s6 =	simm.s32 $_size__tile_overlayer_lowered;
	s7 =	simm.s32 $_tile_overlayer_lowered  }
0x9c: {  	s22 =	simm.s32 $0x1BFF;
	s21 =	sshll.u32 s7, $0x1;
	s4 =	sadd.s32 s5, s19  }
0x9d: {  	s8 =	simm.s32 $0x0;
	s20 =	sshll.u32 s6, $0x1;
	s6 =	sadd.s32 s21, s4  }
0x9e: {  	[timem:s8], [sflag:s22] =	dma.local [hbm:s6], s20  }
0x9f: {  	_ =	swait.ge [sflag:s22], s20  }
0xa0: {  	s5 =	ssub.s32 $0x0, s20;
	[sflag:s22] =	ssyncset.done $0x0  }
0xa1: {  	[sflag:s22] =	ssyncadd.s32 s5;
	_ =	sdelay $0x1  }
0xa2: {  	s23 =	simm.s32 $0x1B8B  }
0xa3: {  	_ =	swait.ge [sflag:s23], $0x1  }
0xa4: {  	[sflag:s23] =	ssyncset.done $0x0  }
0xa5: {  	s25 =	simm.s32 $0x1B8E;
	s24 =	sld [smem:$0x3FFE];
	[sflag:s23] =	ssyncadd.s32 $0xFFFFFFFF  }
0xa6: {  	s26 =	simm.s32 $execute0_lowered;
	[smem:$0x3FD2] =	sst s25  }
0xa7: {  	s6 =	sshll.u32 s26, $0x1;
	_ =	strace $0x80000046;
	[dreg:$0x1] =	wrdreg $0xFFFFFFFF  }
0xa8: {  	s28 =	simm.s32 $_size_execute0_lowered;
	s4 =	sadd.s32 s4, s6;
	[dreg:$0x0] =	wrdreg $0x0  }
0xa9: {  	s6 =	sshll.u32 s28, $0x1;
	[dreg:$0x2] =	wrdreg s4  }
0xaa: {  	[dreg:$0x3] =	wrdreg s6  }
0xab: {  	[dreg:$0x4] =	wrdreg $0xC0  }
0xac: {  	_ =	task [dreg:s8], $0x5FFFF  }
0xad: {  	[dreg:$0x1] =	wrdreg $0xFFFFFFFF  }
0xae: {  	[dreg:$0x0] =	wrdreg $0x60  }
0xaf: {  	[dreg:$0x2] =	wrdreg s2  }
0xb0: {  	[dreg:$0x3] =	wrdreg s24  }
0xb1: {  	[dreg:$0x4] =	wrdreg s18  }
0xb2: {  	[dreg:$0x5] =	wrdreg $0x9  }
0xb3: {  	_ =	task.clear_ibuf [dreg:s8], $0x6FFFF;
	_ =	strace $0x90000046  }
0xb4: {  	s29 =	simm.s32 $0x9;
	_ =	strace $0x80000048  }
0xb5: {  	_ =	swait.ge [sflag:s29], $0x1  }
0xb6: {  	[sflag:s29] =	ssyncadd.s32 $0xFFFFFFFF  }
0xb7: {  	_ =	strace $0x90000048  }
0xb8: {  	_ =	sfence  }
0xb9: {  	s30 =	sld [smem:$0x0];
	_ =	sdelay $0x2  }
0xba: {  	s31 =	sshll.u32 s1, $0xD;
	s1 =	sshrl.u32 s1, $0x2  }
0xbb: {  	s3 =	sand.u32 $0x4000, s31;
	s1 =	sadd.s32 s1, s30  }
0xbc: {  	s0 =	sor.u32 s3, s0;
	s1 =	sshll.u32 s1, $0x11  }
0xbd: {  	s0 =	sor.u32 s1, s0  }
0xbe: {  	s0 =	sadd.s32 $0x8F2B, s0  }
0xbf: {  	[sflag:s0] =	ssyncadd.remote.s32 $0x1  }
0xc0: {  	_ =	sfence.sel $0xFFFF  }
0xc1: {  	[dreg:$0x0] =	wrdreg $0xFFFFFFFF;
	(pc) =	sbr.abs _section_cstart, $3  }
0xc2: {  	[dreg:$0x1] =	wrdreg $0xFFFFFFFF  }
0xc3: {  	_ =	task.clear_ibuf [dreg:s8], $0x2FFFF;
	_ =	strace $0x9FFFFFFF  }
0xc4: {  	(tm) =	ssettm $0x7FFFFFFF  }
0xc5: {  	_ =	shalt  }
tec
execute0_lowered:
.L_overlay_start_1:
0x0: {  	(tag) =	ssettag $0x1  }
0x1: {  	s1 =	rddreg [dreg:$0x0]  }
0x2: {  	s0 =	srdreg.scid;
	s6 =	rddreg [dreg:$0x1]  }
0x3: {  	s2 =	stileid.u32;
	s9 =	rddreg [dreg:$0x2];
	s13 =	simm.s32 $0x80  }
0x4: {  	s14 =	simm.s32 $0x2080;
	s16 =	simm.s32 $0x1;
	s18 =	simm.s32 $0x48  }
0x5: {  	s21 =	simm.s32 $0x2148;
	s22 =	simm.s32 $0x11E90;
	s23 =	simm.s32 $0x21C8  }
0x6: {  	s24 =	simm.s32 $0x13E90;
	s25 =	simm.s32 $0x2;
	s26 =	simm.s32 $0x3  }
0x7: {  	s28 =	simm.s32 $0x15090;
	s29 =	simm.s32 $0x0;
	s0 =	sand.u32 $0x1, s0  }
0x8: {  	s2 =	sshll.u32 s2, $0x8;
	s5 =	sadd.s32 $0xF43E00, s6;
	s3 =	sshll.u32 s0, $0x7  }
0x9: {  	s0 =	ssub.s32 $0x2, s0;
	s7 =	sor.u32 s3, s2;
	s2 =	simm.s32 $0x0  }
0xa: {  	s31 =	sshrl.u32 s0, $0x1;
	s3 =	smul.u32 $0x19, s7;
	[smem:$0x7FF] =	sst s2  }
0xb: {  	v15 =	vimm.s32 $0x0;
	s4 =	smul.u32 $0x1A, s7;
	s11 =	sshll.u32 s7, $0x3;
	s7 =	sshrl.u32 s7, $0x3  }
.Ltmp0:
0xc: {  	v12 =	vimm.s32 $0x1;
	v13 =	vimm.s32 $0x2;
	v14 =	vimm.s32 $0x3;
	s0 =	ssub.s32 s0, s31;
	_ =	strace $0x80000047;
	(pc) =	sbr.rel .LBB2_1-.Ltmp0, $4  }
0xd: {  	v4 =	vimm.s32 $0x4;
	v5 =	vimm.s32 $0x5;
	v6 =	vimm.s32 $0x6;
	s12 =	sadd.s32 s11, s6;
	s9 =	sadd.s32 s9, s11;
	s11 =	smax.u32 s0, $0x1  }
0xe: {  	v7 =	vimm.s32 $0x7;
	v8 =	vimm.s32 $0x8;
	v9 =	vimm.s32 $0x9;
	s8 =	sadd.s32 s3, s6;
	s10 =	sadd.s32 s4, s6;
	s3 =	sadd.s32 $0x34A00, s6  }
0xf: {  	v10 =	vimm.s32 $0xA;
	v11 =	vimm.s32 $0xB;
	v19 =	vimm.s32 $0xC;
	s4 =	sadd.s32 $0x16E5000, s6;
	s6 =	sadd.s32 s1, s7;
	s7 =	sadd.s32 $0x1BA00, s8  }
0x10: {  	v20 =	vimm.s32 $0xD;
	v16 =	vimm.s32 $0xE;
	v21 =	vimm.s32 $0xF;
	s8 =	sadd.s32 $0x1A00, s10;
	s10 =	sadd.s32 $0x34C00, s12;
	s12 =	simm.s32 $0x4  }
.LBB2_8:
0x11: {  	s29 =	sadd.s32 $0x1, s29  }
0x12: {  	p0 =	sne.s32 s29, s11  }
.Ltmp1:
0x13: {  	_ = 	snop;
	(pc) =	sbr.rel @!p0 .LBB2_9-.Ltmp1, $4  }
0x14: {  	[hbm4b:s10+s2] =	stream.linear.scatter [tilespmem:s28], [sflag:$0x4], $0x2000, $0x38;
	[tilespmem:$0x17090] =	vst v63  }
0x15: {  	v15 =	vimm.s32 $0x0;
	v8 =	vimm.s32 $0x8;
	v9 =	vimm.s32 $0x9;
	_ =	swait.ge [sflag:s12], $0x2000  }
0x16: {  	v10 =	vimm.s32 $0xA;
	v11 =	vimm.s32 $0xB;
	v19 =	vimm.s32 $0xC;
	[sflag:s12] =	ssyncset.done $0x0  }
0x17: {  	v20 =	vimm.s32 $0xD;
	v16 =	vimm.s32 $0xE;
	v21 =	vimm.s32 $0xF;
	[sflag:s12] =	ssyncadd.s32 $0xFFFFE000  }
.LBB2_1:
0x18: {  	[tilespmem:s2], [sflag:$0x4] =	stream.linear.gather [hbm4b:s6+s2], $0x80, $0x38;
	[tilespmem:$0x17090] =	vst v63  }
0x19: {  	_ =	swait.ge [sflag:s12], $0x80  }
0x1a: {  	[sflag:s12] =	ssyncset.done $0x0  }
0x1b: {  	[sflag:s12] =	ssyncadd.s32 $0xFFFFFF80  }
0x1c: {  	[tilespmem:s13], [sflag:$0x1] =	stream.indirect.gather [hbm4b:s4+s13], $0x40, s2, s13, $0xb8;
	[tilespmem:$0x17090] =	vst v63  }
0x1d: {  	_ = 	snop  }
0x1e: {  	[tilespmem:s14], [sflag:$0x4] =	stream.linear.gather [hbm4b:s7+s2], $0x6400, $0x38;
	[tilespmem:$0x17090] =	vst v63  }
0x1f: {  	_ =	swait.ge [sflag:s12], $0x6400  }
0x20: {  	[sflag:s12] =	ssyncset.done $0x0  }
0x21: {  	s30 =	simm.s32 $0x8480;
	[sflag:s12] =	ssyncadd.s32 $0xFFFF9C00  }
0x22: {  	[tilespmem:s30], [sflag:$0x4] =	stream.linear.gather [hbm4b:s8+s2], $0x6800, $0x38;
	[tilespmem:$0x17090] =	vst v63  }
0x23: {  	_ =	swait.ge [sflag:s12], $0x6800  }
0x24: {  	[sflag:s12] =	ssyncset.done $0x0  }
0x25: {  	s0 =	simm.s32 $0xEC80;
	[sflag:s12] =	ssyncadd.s32 $0xFFFF9800  }
0x26: {  	[tilespmem:s0], [sflag:$0x4] =	stream.linear.gather [hbm4b:s3+s2], $0x10, $0x38;
	[tilespmem:$0x17090] =	vst v63  }
0x27: {  	_ =	swait.ge [sflag:s12], $0x10  }
0x28: {  	[sflag:s12] =	ssyncset.done $0x0  }
0x29: {  	[sflag:s12] =	ssyncadd.s32 $0xFFFFFFF0  }
0x2a: {  	_ =	swait.ge [sflag:s16], $0x2000  }
0x2b: {  	[sflag:s16] =	ssyncset.done $0x0  }
0x2c: {  	[sflag:s16] =	ssyncadd.s32 $0xFFFFE000  }
0x2d: {  	[hbm4b:s9+s2] =	stream.linear.scatter [tilespmem:s13], [sflag:$0x4], $0x2000, $0x38;
	[tilespmem:$0x17090] =	vst v63  }
0x2e: {  	_ =	swait.ge [sflag:s12], $0x2000  }
0x2f: {  	[sflag:s12] =	ssyncset.done $0x0  }
0x30: {  	s19 =	simm.s32 $0xEC90;
	[sflag:s12] =	ssyncadd.s32 $0xFFFFE000  }
0x31: {  	[tilespmem:s19], [sflag:$0x2] =	stream.indirect.gather [hbm4b:s5+s13], $0x40, s14, s13, $0xb8;
	[tilespmem:$0x17090] =	vst v63  }
0x32: {  	s20 =	simm.s32 $0x2100;
	s1 =	simm.s32 $0x10C90  }
0x33: {  	[tilespmem:s1], [sflag:$0x2] =	stream.indirect.gather [hbm4b:s5+s18], $0x40, s20, s18, $0xb8;
	[tilespmem:$0x17090] =	vst v63  }
0x34: {  	_ = 	snop  }
0x35: {  	[tilespmem:s22], [sflag:$0x3] =	stream.indirect.gather [hbm4b:s5+s13], $0x40, s21, s13, $0xb8;
	[tilespmem:$0x17090] =	vst v63  }
0x36: {  	s31 =	simm.s32 $0x8550;
	s1 =	simm.s32 $0x0  }
0x37: {  	[tilespmem:s24], [sflag:$0x3] =	stream.indirect.gather [hbm4b:s5+s18], $0x40, s23, s18, $0xb8;
	[tilespmem:$0x17090] =	vst v63  }
.LBB2_2:
0x38: {  	_ =	swait.ge [sflag:s25], $0x2000  }
0x39: {  	[sflag:s25] =	ssyncset.done $0x0  }
0x3a: {  	[sflag:s25] =	ssyncadd.s32 $0xFFFFE000  }
0x3b: {  	_ =	swait.ge [sflag:s25], $0x1200  }
0x3c: {  	[sflag:s25] =	ssyncset.done $0x0  }
0x3d: {  	s0 =	simm.s32 $0xEE90;
	[sflag:s25] =	ssyncadd.s32 $0xFFFFEE00  }
0x3e: {  	v0 =	vld [tilespmem:s0+$0x1C0]  }
0x3f: {  	v1 =	vld [tilespmem:s0+$0x1D0]  }
0x40: {  	v2 =	vld [tilespmem:s0+$0x180]  }
0x41: {  	v3 =	vld [tilespmem:s0+$0x190]  }
0x42: {  	v29 =	vmov s30;
	v17 =	vld [tilespmem:s0+$0x140]  }
0x43: {  	v27 =	vld [tilespmem:s0+$0x150]  }
0x44: {  	v30 =	vld [tilespmem:s0+$0x100]  }
0x45: {  	v31 =	vld [tilespmem:s0+$0x110]  }
0x46: {  	s15 =	simm.s32 $0x0;
	v34 =	vld [tilespmem:s0+$0xC0]  }
0x47: {  	v43 =	vld.idx.msk [tilespmem:v29+s15+$0x0 ss:$0x1], $0xffff  }
0x48: {  	v35 =	vld [tilespmem:s0+$0xD0]  }
0x49: {  	v37 =	vld [tilespmem:s0+$0x80]  }
0x4a: {  	v38 =	vld [tilespmem:s0+$0x90]  }
0x4b: {  	v40 =	vld [tilespmem:s0+$0x40]  }
0x4c: {  	v41 =	vld [tilespmem:s0+$0x50]  }
0x4d: {  	v44 =	vld [tilespmem:s0+$0x0];
	v18 =	vperm.xlane v43, v16;
	v16 =	vperm.xlane v43, v21  }
0x4e: {  	v49 =	vld [tilespmem:s0+$0x10];
	v22 =	vperm.xlane v43, v19;
	v19 =	vperm.xlane v43, v20  }
0x4f: {  	v53 =	vld [tilespmem:s0+$0xFFFFFFC0];
	v28 =	vperm.xlane v43, v10;
	v25 =	vperm.xlane v43, v11  }
0x50: {  	v54 =	vld [tilespmem:s0+$0xFFFFFFD0];
	v33 =	vperm.xlane v43, v8;
	v32 =	vperm.xlane v43, v9  }
0x51: {  	v51 =	vld [tilespmem:s0+$0xFFFFFF80];
	v39 =	vperm.xlane v43, v6;
	v36 =	vperm.xlane v43, v7  }
0x52: {  	v55 =	vld [tilespmem:s0+$0xFFFFFF90];
	v45 =	vperm.xlane v43, v4;
	v42 =	vperm.xlane v43, v5  }
0x53: {  	v56 =	vld [tilespmem:s0+$0xFFFFFF40];
	v47 =	vperm.xlane v43, v13;
	v46 =	vperm.xlane v43, v14  }
0x54: {  	v48 =	vimm.f32 $0.0e+00;
	v59 =	vld [tilespmem:s0+$0xFFFFFF50];
	v61 =	vperm.xlane v43, v15;
	v57 =	vperm.xlane v43, v12  }
0x55: {  	v52 =	vimm.f32 $0.0e+00;
	v58 =	vld [tilespmem:s0+$0xFFFFFF00];
	v21 =	vmul.f32 v0, v16;
	v20 =	vmul.f32 v1, v16  }
0x56: {  	v50 =	vimm.f32 $0.0e+00;
	v60 =	vld [tilespmem:s0+$0xFFFFFF10];
	v23 =	vmul.f32 v2, v18;
	v24 =	vmul.f32 v3, v18  }
0x57: {  	v62 =	vld [tilespmem:s0+$0xFFFFFEC0];
	v12 =	vimm.s32 $0x1;
	v26 =	vmul.f32 v17, v19;
	v27 =	vmul.f32 v27, v19  }
0x58: {  	v63 =	vld [tilespmem:s0+$0xFFFFFED0];
	v13 =	vimm.s32 $0x2;
	v30 =	vmul.f32 v30, v22;
	v31 =	vmul.f32 v31, v22  }
0x59: {  	v14 =	vimm.s32 $0x3;
	v34 =	vmul.f32 v34, v25;
	v35 =	vmul.f32 v35, v25;
	v0 =	vld [tilespmem:s0+$0xFFFFFE80]  }
0x5a: {  	s20 =	smul.u32 $0x680, s1;
	v15 =	vimm.s32 $0x0;
	v37 =	vmul.f32 v37, v28;
	v38 =	vmul.f32 v38, v28;
	v1 =	vld [tilespmem:s0+$0xFFFFFE90]  }
0x5b: {  	v40 =	vmul.f32 v40, v32;
	v41 =	vmul.f32 v41, v32;
	v17 =	vadd.f32 v43, v48;
	v2 =	vld [tilespmem:s0+$0xFFFFFE40]  }
0x5c: {  	s17 =	simm.s32 $0x40;
	s15 =	sshra.s32 s20, $0x2;
	v43 =	vmul.f32 v44, v33;
	v44 =	vmul.f32 v49, v33;
	v3 =	vld [tilespmem:s0+$0xFFFFFE50];
	v49 =	vimm.f32 $0.0e+00  }
.LBB2_3:
0x5d: {  	p0 =	sne.s32 s17, $0x2C0;
	v4 =	vld [tilespmem:s0+$0xFFFFFE00];
	v53 =	vmul.f32 v53, v36;
	v54 =	vmul.f32 v54, v36  }
0x5e: {  	v51 =	vmul.f32 v51, v39;
	v55 =	vmul.f32 v55, v39;
	v5 =	vld [tilespmem:s0+$0xFFFFFE10]  }
0x5f: {  	v56 =	vmul.f32 v56, v42;
	v59 =	vmul.f32 v59, v42;
	v6 =	vld [tilespmem:s0+$0xFFFFFE20]  }
0x60: {  	v58 =	vmul.f32 v58, v45;
	v60 =	vmul.f32 v60, v45;
	v8 =	vld [tilespmem:s0+$0xFFFFFE30]  }
0x61: {  	v62 =	vmul.f32 v62, v46;
	v63 =	vmul.f32 v63, v46;
	v7 =	vld [tilespmem:s0+$0xFFFFFE60]  }
0x62: {  	v0 =	vmul.f32 v0, v47;
	v1 =	vmul.f32 v1, v47;
	v9 =	vld [tilespmem:s0+$0xFFFFFE70]  }
0x63: {  	v2 =	vmul.f32 v2, v57;
	v3 =	vmul.f32 v3, v57;
	v10 =	vld [tilespmem:s0+$0xFFFFFEA0]  }
0x64: {  	v4 =	vmul.f32 v4, v61;
	v5 =	vmul.f32 v5, v61;
	v11 =	vld [tilespmem:s0+$0xFFFFFEB0]  }
0x65: {  	v6 =	vmul.f32 v6, v61;
	v8 =	vmul.f32 v8, v61;
	v61 =	vld [tilespmem:s0+$0xFFFFFEE0]  }
0x66: {  	v4 =	vadd.f32 v4, v48;
	v5 =	vadd.f32 v5, v52;
	v7 =	vmul.f32 v7, v57;
	v48 =	vld [tilespmem:s0+$0xFFFFFEF0]  }
0x67: {  	v6 =	vadd.f32 v6, v50;
	v8 =	vadd.f32 v8, v49;
	v9 =	vmul.f32 v9, v57;
	v49 =	vld [tilespmem:s0+$0xFFFFFF20]  }
0x68: {  	v2 =	vadd.f32 v2, v4;
	v3 =	vadd.f32 v3, v5;
	v4 =	vmul.f32 v10, v47;
	v5 =	vld [tilespmem:s0+$0xFFFFFF30]  }
0x69: {  	v6 =	vadd.f32 v7, v6;
	v7 =	vadd.f32 v9, v8;
	v8 =	vmul.f32 v11, v47;
	v9 =	vld [tilespmem:s0+$0xFFFFFF60]  }
0x6a: {  	v0 =	vadd.f32 v0, v2;
	v1 =	vadd.f32 v1, v3;
	v2 =	vmul.f32 v61, v46;
	v3 =	vld [tilespmem:s0+$0xFFFFFF70]  }
0x6b: {  	v4 =	vadd.f32 v4, v6;
	v6 =	vadd.f32 v8, v7;
	v7 =	vmul.f32 v48, v46;
	v8 =	vld [tilespmem:s0+$0xFFFFFFA0]  }
0x6c: {  	v0 =	vadd.f32 v62, v0;
	v1 =	vadd.f32 v63, v1;
	v10 =	vmul.f32 v49, v45;
	v11 =	vld [tilespmem:s0+$0xFFFFFFB0]  }
0x6d: {  	v2 =	vadd.f32 v2, v4;
	v4 =	vadd.f32 v7, v6;
	v5 =	vmul.f32 v5, v45;
	v6 =	vld [tilespmem:s0+$0xFFFFFFE0]  }
0x6e: {  	v0 =	vadd.f32 v58, v0;
	v1 =	vadd.f32 v60, v1;
	v7 =	vmul.f32 v9, v42;
	v9 =	vld [tilespmem:s0+$0xFFFFFFF0]  }
0x6f: {  	v2 =	vadd.f32 v10, v2;
	v4 =	vadd.f32 v5, v4;
	v3 =	vmul.f32 v3, v42;
	v5 =	vld [tilespmem:s0+$0x20]  }
0x70: {  	v0 =	vadd.f32 v56, v0;
	v1 =	vadd.f32 v59, v1;
	v8 =	vmul.f32 v8, v39;
	v10 =	vld [tilespmem:s0+$0x30]  }
0x71: {  	v2 =	vadd.f32 v7, v2;
	v3 =	vadd.f32 v3, v4;
	v4 =	vmul.f32 v11, v39;
	v7 =	vld [tilespmem:s0+$0x60]  }
0x72: {  	v0 =	vadd.f32 v51, v0;
	v1 =	vadd.f32 v55, v1;
	v6 =	vmul.f32 v6, v36;
	v11 =	vld [tilespmem:s0+$0x70]  }
0x73: {  	v2 =	vadd.f32 v8, v2;
	v3 =	vadd.f32 v4, v3;
	v4 =	vmul.f32 v9, v36;
	v8 =	vld [tilespmem:s0+$0xA0]  }
0x74: {  	v0 =	vadd.f32 v53, v0;
	v1 =	vadd.f32 v54, v1;
	v5 =	vmul.f32 v5, v33;
	v9 =	vld [tilespmem:s0+$0xB0]  }
0x75: {  	v2 =	vadd.f32 v6, v2;
	v3 =	vadd.f32 v4, v3;
	v4 =	vmul.f32 v10, v33;
	v6 =	vld [tilespmem:s0+$0xE0]  }
0x76: {  	v0 =	vadd.f32 v43, v0;
	v1 =	vadd.f32 v44, v1;
	v7 =	vmul.f32 v7, v32;
	v10 =	vld [tilespmem:s0+$0xF0]  }
0x77: {  	v2 =	vadd.f32 v5, v2;
	v3 =	vadd.f32 v4, v3;
	v4 =	vmul.f32 v11, v32;
	v5 =	vld [tilespmem:s0+$0x120]  }
0x78: {  	v0 =	vadd.f32 v40, v0;
	v1 =	vadd.f32 v41, v1;
	v8 =	vmul.f32 v8, v28;
	v11 =	vld [tilespmem:s0+$0x130]  }
0x79: {  	v2 =	vadd.f32 v7, v2;
	v3 =	vadd.f32 v4, v3;
	v4 =	vmul.f32 v9, v28;
	v7 =	vld [tilespmem:s0+$0x160]  }
0x7a: {  	v0 =	vadd.f32 v37, v0;
	v1 =	vadd.f32 v38, v1;
	v6 =	vmul.f32 v6, v25;
	v9 =	vld [tilespmem:s0+$0x170]  }
0x7b: {  	v2 =	vadd.f32 v8, v2;
	v3 =	vadd.f32 v4, v3;
	v4 =	vmul.f32 v10, v25;
	v8 =	vld [tilespmem:s0+$0x1A0]  }
0x7c: {  	v0 =	vadd.f32 v34, v0;
	v1 =	vadd.f32 v35, v1;
	v5 =	vmul.f32 v5, v22;
	v10 =	vld [tilespmem:s0+$0x1B0]  }
0x7d: {  	v2 =	vadd.f32 v6, v2;
	v3 =	vadd.f32 v4, v3;
	v4 =	vmul.f32 v11, v22;
	v6 =	vld [tilespmem:s0+$0x1E0]  }
0x7e: {  	v0 =	vadd.f32 v30, v0;
	v1 =	vadd.f32 v31, v1;
	v7 =	vmul.f32 v7, v19;
	v11 =	vld [tilespmem:s0+$0x1F0];
	s0 =	sadd.s32 $0x400, s0  }
0x7f: {  	v2 =	vadd.f32 v5, v2;
	v30 =	vld [tilespmem:s0+$0x1C0];
	v3 =	vadd.f32 v4, v3;
	v4 =	vmul.f32 v9, v19  }
0x80: {  	v0 =	vadd.f32 v26, v0;
	v1 =	vadd.f32 v27, v1;
	v5 =	vld [tilespmem:s0+$0x1D0];
	v8 =	vmul.f32 v8, v18  }
0x81: {  	v2 =	vadd.f32 v7, v2;
	v9 =	vld [tilespmem:s0+$0x180];
	v3 =	vadd.f32 v4, v3;
	v4 =	vmul.f32 v10, v18  }
0x82: {  	v0 =	vadd.f32 v23, v0;
	v1 =	vadd.f32 v24, v1;
	v7 =	vld [tilespmem:s0+$0x190];
	v6 =	vmul.f32 v6, v16  }
0x83: {  	v2 =	vadd.f32 v8, v2;
	v10 =	vld [tilespmem:s0+$0x140];
	v3 =	vadd.f32 v4, v3;
	v4 =	vmul.f32 v11, v16  }
0x84: {  	v48 =	vadd.f32 v21, v0;
	v52 =	vadd.f32 v20, v1;
	v8 =	vld [tilespmem:s0+$0x150]  }
0x85: {  	v50 =	vadd.f32 v6, v2;
	v0 =	vld [tilespmem:s0+$0x100];
	v49 =	vadd.f32 v4, v3  }
0x86: {  	v1 =	vld [tilespmem:s0+$0x110]  }
0x87: {  	s19 =	sshra.s32 s17, $0x2;
	v2 =	vld [tilespmem:s0+$0xC0]  }
0x88: {  	v3 =	vld.idx.msk [tilespmem:v29+s19+$0x0 ss:$0x1], $0xffff;
	_ =	sdelay $0x2  }
0x89: {  	v4 =	vld [tilespmem:s0+$0xD0]  }
0x8a: {  	v19 =	vimm.s32 $0xC;
	v16 =	vimm.s32 $0xE;
	v20 =	vimm.s32 $0xA;
	v6 =	vld [tilespmem:s0+$0x80]  }
0x8b: {  	v11 =	vld [tilespmem:s0+$0x90];
	v17 =	vadd.f32 v3, v17;
	v18 =	vperm.xlane v3, v16;
	v16 =	vimm.s32 $0xF  }
0x8c: {  	v40 =	vld [tilespmem:s0+$0x40];
	v22 =	vperm.xlane v3, v19;
	v28 =	vperm.xlane v3, v20;
	v20 =	vimm.s32 $0xB  }
0x8d: {  	v41 =	vld [tilespmem:s0+$0x50];
	v19 =	vimm.s32 $0xD;
	v25 =	vperm.xlane v3, v20;
	v20 =	vimm.s32 $0x8  }
0x8e: {  	v43 =	vld [tilespmem:s0+$0x0];
	v16 =	vperm.xlane v3, v16;
	v33 =	vperm.xlane v3, v20;
	v20 =	vimm.s32 $0x9  }
0x8f: {  	v19 =	vperm.xlane v3, v19;
	v44 =	vld [tilespmem:s0+$0x10];
	v32 =	vperm.xlane v3, v20;
	v20 =	vimm.s32 $0x6  }
0x90: {  	v53 =	vld [tilespmem:s0+$0xFFFFFFC0];
	v39 =	vperm.xlane v3, v20;
	v20 =	vimm.s32 $0x7  }
0x91: {  	v54 =	vld [tilespmem:s0+$0xFFFFFFD0];
	v36 =	vperm.xlane v3, v20;
	v20 =	vimm.s32 $0x4  }
0x92: {  	v51 =	vld [tilespmem:s0+$0xFFFFFF80];
	v45 =	vperm.xlane v3, v20;
	v20 =	vimm.s32 $0x5  }
0x93: {  	v55 =	vld [tilespmem:s0+$0xFFFFFF90];
	v42 =	vperm.xlane v3, v20  }
0x94: {  	v47 =	vperm.xlane v3, v13;
	v46 =	vperm.xlane v3, v14;
	v56 =	vld [tilespmem:s0+$0xFFFFFF40]  }
0x95: {  	v61 =	vperm.xlane v3, v15;
	v57 =	vperm.xlane v3, v12;
	v59 =	vld [tilespmem:s0+$0xFFFFFF50]  }
0x96: {  	v21 =	vmul.f32 v30, v16;
	v20 =	vmul.f32 v5, v16;
	v58 =	vld [tilespmem:s0+$0xFFFFFF00]  }
0x97: {  	v23 =	vmul.f32 v9, v18;
	v24 =	vmul.f32 v7, v18;
	v60 =	vld [tilespmem:s0+$0xFFFFFF10]  }
0x98: {  	v26 =	vmul.f32 v10, v19;
	v27 =	vmul.f32 v8, v19;
	v62 =	vld [tilespmem:s0+$0xFFFFFEC0]  }
.Ltmp2:
0x99: {  	v31 =	vmul.f32 v1, v22;
	v30 =	vmul.f32 v0, v22;
	v63 =	vld [tilespmem:s0+$0xFFFFFED0];
	(pc) =	sbr.rel @p0 .LBB2_3-.Ltmp2, $4  }
0x9a: {  	v34 =	vmul.f32 v2, v25;
	v35 =	vmul.f32 v4, v25;
	v0 =	vld [tilespmem:s0+$0xFFFFFE80]  }
0x9b: {  	v37 =	vmul.f32 v6, v28;
	v38 =	vmul.f32 v11, v28;
	v1 =	vld [tilespmem:s0+$0xFFFFFE90]  }
0x9c: {  	v40 =	vmul.f32 v40, v32;
	v41 =	vmul.f32 v41, v32;
	v2 =	vld [tilespmem:s0+$0xFFFFFE40]  }
0x9d: {  	s17 =	sadd.s32 $0x40, s17;
	v43 =	vmul.f32 v43, v33;
	v44 =	vmul.f32 v44, v33;
	v3 =	vld [tilespmem:s0+$0xFFFFFE50]  }
0x9e: {  	v4 =	vld [tilespmem:s0+$0xFFFFFE00]  }
0x9f: {  	v5 =	vld [tilespmem:s0+$0xFFFFFE10]  }
0xa0: {  	v6 =	vld [tilespmem:s0+$0xFFFFFE20]  }
0xa1: {  	v7 =	vld [tilespmem:s0+$0xFFFFFE30]  }
0xa2: {  	v8 =	vld [tilespmem:s0+$0xFFFFFE60]  }
0xa3: {  	v9 =	vld [tilespmem:s0+$0xFFFFFE70]  }
0xa4: {  	v11 =	vld [tilespmem:s0+$0xFFFFFEB0];
	v0 =	vmul.f32 v0, v47  }
0xa5: {  	v1 =	vmul.f32 v1, v47;
	v2 =	vmul.f32 v2, v57  }
0xa6: {  	v3 =	vmul.f32 v3, v57;
	v4 =	vmul.f32 v4, v61  }
0xa7: {  	v10 =	vld [tilespmem:s0+$0xFFFFFEA0];
	v5 =	vmul.f32 v5, v61;
	v6 =	vmul.f32 v6, v61  }
0xa8: {  	v29 =	vld [tilespmem:s0+$0xFFFFFEE0];
	v12 =	vimm.s32 $0x4;
	v7 =	vmul.f32 v7, v61;
	v8 =	vmul.f32 v8, v57  }
0xa9: {  	v15 =	vimm.s32 $0x5;
	v9 =	vmul.f32 v9, v57;
	v57 =	vmul.f32 v11, v47  }
0xaa: {  	v11 =	vmul.f32 v54, v36;
	v54 =	vld [tilespmem:s0+$0xB0];
	v5 =	vadd.f32 v5, v52;
	v6 =	vadd.f32 v6, v50  }
0xab: {  	v61 =	vmul.f32 v62, v46;
	v4 =	vadd.f32 v4, v48;
	v48 =	vld [tilespmem:s0+$0xFFFFFEF0];
	v7 =	vadd.f32 v7, v49  }
0xac: {  	v49 =	vld [tilespmem:s0+$0xFFFFFF20];
	v52 =	vmul.f32 v10, v47;
	v3 =	vadd.f32 v3, v5;
	v5 =	vadd.f32 v8, v6  }
0xad: {  	v62 =	vmul.f32 v63, v46;
	v63 =	vmul.f32 v29, v46;
	v50 =	vld [tilespmem:s0+$0x20];
	v6 =	vadd.f32 v9, v7  }
0xae: {  	v10 =	vmul.f32 v53, v36;
	v2 =	vadd.f32 v2, v4;
	v4 =	vld [tilespmem:s0+$0xFFFFFF30];
	v5 =	vadd.f32 v52, v5  }
0xaf: {  	v7 =	vld [tilespmem:s0+$0xFFFFFF60];
	v6 =	vadd.f32 v57, v6;
	v52 =	vmul.f32 v56, v42;
	v57 =	vmul.f32 v59, v42  }
0xb0: {  	v0 =	vadd.f32 v0, v2;
	v2 =	vld [tilespmem:s0+$0xFFFFFF70];
	v59 =	vmul.f32 v58, v45;
	v29 =	vmul.f32 v48, v46  }
0xb1: {  	v1 =	vadd.f32 v1, v3;
	v3 =	vld [tilespmem:s0+$0xFFFFFFA0];
	v48 =	vmul.f32 v51, v39;
	v51 =	vmul.f32 v55, v39  }
0xb2: {  	v14 =	vimm.s32 $0x6;
	v46 =	vld [tilespmem:s0+$0xFFFFFFE0];
	v49 =	vmul.f32 v49, v45;
	v58 =	vmul.f32 v50, v33  }
0xb3: {  	v55 =	vld [tilespmem:s0+$0xE0];
	v0 =	vadd.f32 v61, v0;
	v1 =	vadd.f32 v62, v1;
	v61 =	vmul.f32 v60, v45  }
0xb4: {  	v8 =	vld [tilespmem:s0+$0xFFFFFFB0];
	v5 =	vadd.f32 v63, v5;
	v6 =	vadd.f32 v29, v6;
	v4 =	vmul.f32 v4, v45  }
0xb5: {  	v60 =	vld [tilespmem:s0+$0x160];
	v7 =	vmul.f32 v7, v42;
	v0 =	vadd.f32 v59, v0;
	v1 =	vadd.f32 v61, v1  }
0xb6: {  	v47 =	vld [tilespmem:s0+$0xFFFFFFF0];
	v5 =	vadd.f32 v49, v5;
	v4 =	vadd.f32 v4, v6;
	v2 =	vmul.f32 v2, v42  }
0xb7: {  	v29 =	vld [tilespmem:s0+$0x60];
	v3 =	vmul.f32 v3, v39;
	v0 =	vadd.f32 v52, v0;
	v1 =	vadd.f32 v57, v1  }
0xb8: {  	v62 =	vld [tilespmem:s0+$0x30];
	v5 =	vadd.f32 v7, v5;
	v56 =	vmul.f32 v46, v36;
	v7 =	vmul.f32 v55, v25  }
0xb9: {  	v49 =	vld [tilespmem:s0+$0xA0];
	v2 =	vadd.f32 v2, v4;
	v4 =	vmul.f32 v8, v39;
	v0 =	vadd.f32 v48, v0  }
0xba: {  	v63 =	vld [tilespmem:s0+$0x70];
	v8 =	vmul.f32 v60, v19;
	v1 =	vadd.f32 v51, v1;
	v3 =	vadd.f32 v3, v5  }
0xbb: {  	v5 =	vld [tilespmem:s0+$0x120];
	v2 =	vadd.f32 v4, v2;
	v4 =	vmul.f32 v47, v36;
	v0 =	vadd.f32 v10, v0  }
0xbc: {  	v59 =	vld [tilespmem:s0+$0x130];
	v61 =	vmul.f32 v29, v32;
	v1 =	vadd.f32 v11, v1;
	v3 =	vadd.f32 v56, v3  }
0xbd: {  	v36 =	vld [tilespmem:s0+$0x1E0];
	v2 =	vadd.f32 v4, v2;
	v4 =	vmul.f32 v62, v33;
	v0 =	vadd.f32 v43, v0  }
0xbe: {  	v57 =	vld [tilespmem:s0+$0xF0];
	v6 =	vmul.f32 v49, v28;
	v1 =	vadd.f32 v44, v1;
	v3 =	vadd.f32 v58, v3  }
0xbf: {  	v62 =	vld [tilespmem:s0+$0x1A0];
	v2 =	vadd.f32 v4, v2;
	v4 =	vmul.f32 v63, v32;
	v0 =	vadd.f32 v40, v0  }
0xc0: {  	v29 =	vld [tilespmem:s0+$0x170];
	v5 =	vmul.f32 v5, v22;
	v1 =	vadd.f32 v41, v1;
	v3 =	vadd.f32 v61, v3  }
0xc1: {  	v63 =	vld [tilespmem:s0+$0x1B0];
	v2 =	vadd.f32 v4, v2;
	v4 =	vmul.f32 v54, v28;
	v0 =	vadd.f32 v37, v0  }
0xc2: {  	v9 =	vmul.f32 v36, v16;
	v28 =	vld [tilespmem:s0+$0x1F0];
	v1 =	vadd.f32 v38, v1;
	v3 =	vadd.f32 v6, v3  }
0xc3: {  	v37 =	vld [tilespmem:$0xEC80];
	v2 =	vadd.f32 v4, v2;
	v4 =	vmul.f32 v57, v25;
	v0 =	vadd.f32 v34, v0  }
0xc4: {  	v50 =	vld [tilespmem:$0x11DD0];
	v10 =	vmul.f32 v62, v18;
	v1 =	vadd.f32 v35, v1;
	v3 =	vadd.f32 v7, v3  }
0xc5: {  	v25 =	vld [tilespmem:s15+$0x8540];
	v2 =	vadd.f32 v4, v2;
	v4 =	vmul.f32 v59, v22;
	v0 =	vadd.f32 v30, v0  }
0xc6: {  	v45 =	vld [tilespmem:$0x11D30];
	v40 =	vmul.f32 v63, v18;
	v1 =	vadd.f32 v31, v1;
	v3 =	vadd.f32 v5, v3  }
0xc7: {  	v52 =	vld [tilespmem:$0x11DF0];
	v42 =	vmul.f32 v28, v16;
	v30 =	vimm.s32 $0x2;
	v2 =	vadd.f32 v4, v2  }
0xc8: {  	v38 =	vld [tilespmem:$0x11C90];
	v4 =	vmul.f32 v29, v19;
	v6 =	vxor.u32 $0x1, v37;
	v0 =	vadd.f32 v26, v0  }
0xc9: {  	v39 =	vld [tilespmem:$0x11CA0];
	v1 =	vadd.f32 v27, v1;
	v3 =	vadd.f32 v8, v3;
	v26 =	vimm.s32 $0x0  }
0xca: {  	v5 =	vld [tilespmem:$0x11CB0];
	v16 =	vadd.f32 v25, v17;
	v27 =	vimm.s32 $0x3;
	v2 =	vadd.f32 v4, v2  }
0xcb: {  	v19 =	vld [tilespmem:$0x11CC0];
	v41 =	vperm.xlane v25, v26;
	v0 =	vadd.f32 v23, v0;
	v1 =	vadd.f32 v24, v1  }
0xcc: {  	v4 =	vld [tilespmem:$0x11CD0];
	v3 =	vadd.f32 v10, v3;
	v23 =	vxor.u32 $0x8, v37;
	v24 =	vimm.s32 $0x1  }
0xcd: {  	v18 =	vld [tilespmem:$0x11CE0];
	v2 =	vadd.f32 v40, v2;
	v7 =	vmul.f32 v38, v41;
	v44 =	vperm.xlane v25, v24  }
0xce: {  	v22 =	vld [tilespmem:$0x11CF0];
	v11 =	vmul.f32 v39, v41;
	v1 =	vadd.f32 v20, v1;
	v20 =	vperm.xlane v16, v23  }
0xcf: {  	v17 =	vld [tilespmem:$0x11D00];
	v5 =	vmul.f32 v5, v41;
	v0 =	vadd.f32 v21, v0;
	v3 =	vadd.f32 v9, v3  }
0xd0: {  	v21 =	vld [tilespmem:$0x11D10];
	v10 =	vmul.f32 v19, v41;
	v2 =	vadd.f32 v42, v2;
	v16 =	vadd.f32 v20, v16  }
0xd1: {  	v47 =	vld [tilespmem:$0x11D70];
	v0 =	vadd.f32 v7, v0;
	v4 =	vmul.f32 v4, v44;
	v20 =	vxor.u32 $0x4, v37  }
0xd2: {  	v49 =	vld [tilespmem:$0x11DB0];
	v18 =	vmul.f32 v18, v44;
	v1 =	vadd.f32 v11, v1;
	v46 =	vperm.xlane v16, v20  }
0xd3: {  	v43 =	vld [tilespmem:$0x11D20];
	v3 =	vadd.f32 v5, v3;
	v0 =	vadd.f32 v4, v0;
	v4 =	vperm.xlane v25, v30  }
0xd4: {  	v23 =	vld [tilespmem:$0x11D40];
	v7 =	vmul.f32 v17, v44;
	v20 =	vmul.f32 v22, v44;
	v11 =	vadd.f32 v46, v16  }
0xd5: {  	v19 =	vld [tilespmem:$0x11D50];
	v2 =	vadd.f32 v10, v2;
	v16 =	vmul.f32 v21, v4;
	v21 =	vxor.u32 $0x2, v37  }
0xd6: {  	v53 =	vperm.xlane v25, v12;
	v5 =	vld [tilespmem:$0x11D60];
	v3 =	vadd.f32 v20, v3;
	v20 =	vperm.xlane v11, v21  }
0xd7: {  	v56 =	vld [tilespmem:$0x11E40];
	v55 =	vperm.xlane v25, v15;
	v1 =	vadd.f32 v18, v1;
	v2 =	vadd.f32 v7, v2  }
0xd8: {  	v22 =	vld [tilespmem:$0x11D80];
	v48 =	vmul.f32 v43, v4;
	v8 =	vmul.f32 v45, v4;
	v11 =	vadd.f32 v20, v11  }
0xd9: {  	v17 =	vld [tilespmem:$0x11D90];
	v4 =	vmul.f32 v23, v4;
	v0 =	vadd.f32 v16, v0;
	v16 =	vperm.xlane v25, v27  }
0xda: {  	v59 =	vperm.xlane v25, v14;
	v18 =	vld [tilespmem:$0x11DA0];
	v1 =	vadd.f32 v48, v1;
	v6 =	vperm.xlane v11, v6  }
0xdb: {  	v21 =	vld [tilespmem:$0x11DC0];
	v2 =	vadd.f32 v4, v2;
	v51 =	vmul.f32 v19, v16;
	v4 =	vmul.f32 v5, v16  }
0xdc: {  	v3 =	vadd.f32 v8, v3;
	v19 =	vld [tilespmem:$0x11DE0];
	v5 =	vmul.f32 v47, v16;
	v6 =	vadd.f32 v6, v11  }
0xdd: {  	v20 =	vld [tilespmem:$0x11E00];
	v0 =	vadd.f32 v51, v0;
	v1 =	vadd.f32 v4, v1;
	v4 =	vmul.f32 v22, v16  }
0xde: {  	v57 =	vld [tilespmem:$0x11E50];
	v54 =	vmul.f32 v17, v53;
	v3 =	vadd.f32 v5, v3;
	v6 =	vadd.f32 $9.999999930e-09, v6  }
0xdf: {  	v5 =	vld [tilespmem:$0x11E10];
	v16 =	vmul.f32 v18, v53;
	v2 =	vadd.f32 v4, v2;
	v4 =	vmul.f32 v49, v53  }
0xe0: {  	v13 =	vimm.s32 $0x7;
	v17 =	vld [tilespmem:$0x11E20];
	v8 =	vmul.f32 v21, v53;
	(erf) = vrcp.f32 v6  }
0xe1: {  	v18 =	vld [tilespmem:$0x11E30];
	v0 =	vadd.f32 v54, v0;
	v3 =	vadd.f32 v4, v3;
	v4 =	vmul.f32 v50, v55  }
0xe2: {  	v1 =	vadd.f32 v16, v1;
	v16 =	vld [tilespmem:$0x11E60];
	v58 =	vmul.f32 v19, v55;
	v9 =	vmul.f32 v20, v55  }
0xe3: {  	v60 =	vld [tilespmem:$0x11E70];
	v2 =	vadd.f32 v8, v2;
	v0 =	vadd.f32 v4, v0;
	v4 =	vmul.f32 v52, v55  }
0xe4: {  	v61 =	vperm.xlane v25, v13;
	v19 =	vld [tilespmem:$0x11E80];
	v1 =	vadd.f32 v58, v1;
	v5 =	vmul.f32 v5, v59  }
0xe5: {  	v2 =	vadd.f32 v9, v2;
	v3 =	vadd.f32 v4, v3;
	v4 =	vmul.f32 v17, v59  }
0xe6: {  	v6 =	vmul.f32 v57, v61;
	v0 =	vadd.f32 v5, v0;
	v5 =	vmul.f32 v18, v59  }
0xe7: {  	v62 =	vmul.f32 v16, v61;
	v1 =	vadd.f32 v4, v1;
	v4 =	vmul.f32 v56, v59  }
0xe8: {  	v3 =	vadd.f32 v5, v3;
	v0 =	vadd.f32 v6, v0;
	v5 =	vmul.f32 v60, v61  }
0xe9: {  	v2 =	vadd.f32 v4, v2;
	v1 =	vadd.f32 v62, v1;
	v4 =	vmul.f32 v19, v61;
	v63 =	vpop (erf)  }
0xea: {  	s15 =	sshll.u32 s1, $0x7;
	v3 =	vadd.f32 v5, v3;
	v0 =	vmul.f32 v63, v0  }
0xeb: {  	p0 =	seq.s32 s1, $0x3F;
	s0 =	sand.u32 $0x3FFFFF80, s15;
	v2 =	vadd.f32 v4, v2;
	v1 =	vmul.f32 v63, v1  }
0xec: {  	s15 =	smul.u32 @!p0 $0x640, s1;
	[tilespmem:s0+$0x15090] =	vst v0;
	v0 =	vmul.f32 v63, v3  }
0xed: {  	[tilespmem:s0+$0x150A0] =	vst v1;
	v1 =	vmul.f32 v63, v2  }
0xee: {  	s15 =	sshra.s32 @!p0 s15, $0x2;
	[tilespmem:s0+$0x150B0] =	vst v0  }
0xef: {  	s17 =	simm.s32 @!p0 $0x80;
	s19 =	simm.s32 @!p0 $0xEC90;
	[tilespmem:s0+$0x150C0] =	vst v1;
	s0 =	sadd.s32 @!p0 $0x2210, s15  }
0xf0: {  	[tilespmem:s19], [sflag:$0x2] =	stream.indirect.gather @!p0 [hbm4b:s5+s17], $0x40, s0, s17, $0xb8;
	[tilespmem:$0x17090] =	vst v63  }
0xf1: {  	s0 =	sadd.s32 @!p0 $0x2290, s15;
	s15 =	simm.s32 @!p0 $0x48;
	s17 =	simm.s32 @!p0 $0x10C90  }
0xf2: {  	[tilespmem:s17], [sflag:$0x2] =	stream.indirect.gather @!p0 [hbm4b:s5+s15], $0x40, s0, s15, $0xb8;
	[tilespmem:$0x17090] =	vst v63  }
0xf3: {  	_ =	swait.ge [sflag:s26], $0x2000  }
0xf4: {  	[sflag:s26] =	ssyncset.done $0x0  }
0xf5: {  	[sflag:s26] =	ssyncadd.s32 $0xFFFFE000  }
0xf6: {  	_ =	swait.ge [sflag:s26], $0x1200  }
0xf7: {  	[sflag:s26] =	ssyncset.done $0x0  }
0xf8: {  	s15 =	simm.s32 $0x12280;
	[sflag:s26] =	ssyncadd.s32 $0xFFFFEE00  }
0xf9: {  	v0 =	vld [tilespmem:s15+$0xFFFFFFD0]  }
0xfa: {  	v1 =	vld [tilespmem:s15+$0xFFFFFFE0]  }
0xfb: {  	v2 =	vld [tilespmem:s15+$0xFFFFFF90]  }
0xfc: {  	v3 =	vld [tilespmem:s15+$0xFFFFFFA0]  }
0xfd: {  	v29 =	vmov s31;
	v4 =	vld [tilespmem:s15+$0xFFFFFF50]  }
0xfe: {  	v5 =	vld [tilespmem:s15+$0xFFFFFF60]  }
0xff: {  	v6 =	vld [tilespmem:s15+$0xFFFFFF10]  }
0x100: {  	v7 =	vld [tilespmem:s15+$0xFFFFFF20]  }
0x101: {  	s17 =	simm.s32 $0x0;
	v8 =	vld [tilespmem:s15+$0xFFFFFED0]  }
0x102: {  	v9 =	vld.idx.msk [tilespmem:v29+s17+$0x0 ss:$0x1], $0xffff  }
0x103: {  	v10 =	vld [tilespmem:s15+$0xFFFFFEE0]  }
0x104: {  	v11 =	vld [tilespmem:s15+$0xFFFFFE90]  }
0x105: {  	v17 =	vld [tilespmem:s15+$0xFFFFFEA0]  }
0x106: {  	v40 =	vld [tilespmem:s15+$0xFFFFFE50]  }
0x107: {  	v16 =	vimm.s32 $0xE;
	v19 =	vimm.s32 $0xC;
	v43 =	vld [tilespmem:s15+$0xFFFFFE60]  }
0x108: {  	v20 =	vimm.s32 $0xA;
	v44 =	vld [tilespmem:s15+$0xFFFFFE10];
	v18 =	vperm.xlane v9, v16;
	v22 =	vperm.xlane v9, v19  }
0x109: {  	v53 =	vld [tilespmem:s15+$0xFFFFFE20];
	v28 =	vperm.xlane v9, v20;
	v39 =	vperm.xlane v9, v14  }
0x10a: {  	v46 =	vld [tilespmem:s15+$0xFFFFFDD0];
	v36 =	vperm.xlane v9, v13;
	v45 =	vperm.xlane v9, v12  }
0x10b: {  	v48 =	vld [tilespmem:s15+$0xFFFFFDE0];
	v16 =	vimm.s32 $0xF;
	v42 =	vperm.xlane v9, v15;
	v49 =	vperm.xlane v9, v30  }
0x10c: {  	v50 =	vld [tilespmem:s15+$0xFFFFFD90];
	v19 =	vimm.s32 $0xD;
	v47 =	vperm.xlane v9, v27;
	v61 =	vperm.xlane v9, v26  }
0x10d: {  	v51 =	vld [tilespmem:s15+$0xFFFFFDA0];
	v20 =	vimm.s32 $0xB;
	v58 =	vperm.xlane v9, v24;
	v16 =	vperm.xlane v9, v16  }
0x10e: {  	v56 =	vld [tilespmem:s15+$0xFFFFFD50];
	v19 =	vperm.xlane v9, v19;
	v25 =	vperm.xlane v9, v20;
	v20 =	vimm.s32 $0x8  }
0x10f: {  	v54 =	vimm.f32 $0.0e+00;
	v57 =	vld [tilespmem:s15+$0xFFFFFD60];
	v33 =	vperm.xlane v9, v20;
	v23 =	vmul.f32 v2, v18  }
0x110: {  	v52 =	vimm.f32 $0.0e+00;
	v59 =	vld [tilespmem:s15+$0xFFFFFD10];
	v24 =	vmul.f32 v3, v18;
	v31 =	vmul.f32 v6, v22  }
0x111: {  	v60 =	vld [tilespmem:s15+$0xFFFFFD20];
	v20 =	vimm.s32 $0x9;
	v30 =	vmul.f32 v7, v22;
	v38 =	vmul.f32 v11, v28  }
0x112: {  	v55 =	vimm.f32 $0.0e+00;
	v62 =	vld [tilespmem:s15+$0xFFFFFCD0];
	v37 =	vmul.f32 v17, v28;
	v32 =	vperm.xlane v9, v20  }
0x113: {  	s19 =	sshll.u32 s1, $0x1;
	v63 =	vld [tilespmem:s15+$0xFFFFFCE0];
	v15 =	vimm.s32 $0x2;
	v21 =	vmul.f32 v0, v16;
	v20 =	vmul.f32 v1, v16  }
0x114: {  	s0 =	sor.u32 $0x1, s19;
	v14 =	vimm.s32 $0x1;
	v2 =	vld [tilespmem:s15+$0xFFFFFC50];
	v26 =	vmul.f32 v4, v19;
	v27 =	vmul.f32 v5, v19  }
0x115: {  	s20 =	smul.u32 $0x340, s0;
	v13 =	vimm.s32 $0x0;
	v3 =	vld [tilespmem:s15+$0xFFFFFC60];
	v35 =	vmul.f32 v8, v25;
	v34 =	vmul.f32 v10, v25  }
0x116: {  	v17 =	vadd.f32 v9, v52;
	v0 =	vld [tilespmem:s15+$0xFFFFFC90];
	v44 =	vmul.f32 v44, v33;
	v41 =	vmul.f32 v40, v32  }
0x117: {  	s19 =	simm.s32 $0x40;
	s17 =	sshra.s32 s20, $0x2;
	v1 =	vld [tilespmem:s15+$0xFFFFFCA0];
	v40 =	vmul.f32 v43, v32;
	v43 =	vmul.f32 v53, v33;
	v53 =	vimm.f32 $0.0e+00  }
.LBB2_5:
0x118: {  	p1 =	sne.s32 s19, $0x2C0;
	v4 =	vld [tilespmem:s15+$0xFFFFFC10];
	v5 =	vmul.f32 v46, v36;
	v6 =	vmul.f32 v48, v36  }
0x119: {  	v8 =	vmul.f32 v50, v39;
	v9 =	vmul.f32 v51, v39;
	v7 =	vld [tilespmem:s15+$0xFFFFFC20]  }
0x11a: {  	v11 =	vmul.f32 v56, v42;
	v46 =	vmul.f32 v57, v42;
	v10 =	vld [tilespmem:s15+$0xFFFFFC30]  }
0x11b: {  	v50 =	vmul.f32 v59, v45;
	v51 =	vmul.f32 v60, v45;
	v48 =	vld [tilespmem:s15+$0xFFFFFC40]  }
0x11c: {  	v57 =	vmul.f32 v62, v47;
	v59 =	vmul.f32 v63, v47;
	v56 =	vld [tilespmem:s15+$0xFFFFFC70]  }
0x11d: {  	v0 =	vmul.f32 v0, v49;
	v1 =	vmul.f32 v1, v49;
	v60 =	vld [tilespmem:s15+$0xFFFFFC80]  }
0x11e: {  	v2 =	vmul.f32 v2, v58;
	v3 =	vmul.f32 v3, v58;
	v62 =	vld [tilespmem:s15+$0xFFFFFCB0]  }
0x11f: {  	v4 =	vmul.f32 v4, v61;
	v7 =	vmul.f32 v7, v61;
	v63 =	vld [tilespmem:s15+$0xFFFFFCC0]  }
0x120: {  	v10 =	vmul.f32 v10, v61;
	v48 =	vmul.f32 v48, v61;
	v61 =	vld [tilespmem:s15+$0xFFFFFCF0]  }
0x121: {  	v4 =	vadd.f32 v4, v52;
	v7 =	vadd.f32 v7, v55;
	v52 =	vmul.f32 v56, v58;
	v55 =	vld [tilespmem:s15+$0xFFFFFD00]  }
0x122: {  	v10 =	vadd.f32 v10, v54;
	v48 =	vadd.f32 v48, v53;
	v53 =	vmul.f32 v60, v58;
	v54 =	vld [tilespmem:s15+$0xFFFFFD30]  }
0x123: {  	v2 =	vadd.f32 v2, v4;
	v3 =	vadd.f32 v3, v7;
	v4 =	vmul.f32 v62, v49;
	v7 =	vld [tilespmem:s15+$0xFFFFFD40]  }
0x124: {  	v10 =	vadd.f32 v52, v10;
	v48 =	vadd.f32 v53, v48;
	v49 =	vmul.f32 v63, v49;
	v52 =	vld [tilespmem:s15+$0xFFFFFD70]  }
0x125: {  	v0 =	vadd.f32 v0, v2;
	v1 =	vadd.f32 v1, v3;
	v2 =	vmul.f32 v61, v47;
	v3 =	vld [tilespmem:s15+$0xFFFFFD80]  }
0x126: {  	v4 =	vadd.f32 v4, v10;
	v10 =	vadd.f32 v49, v48;
	v47 =	vmul.f32 v55, v47;
	v48 =	vld [tilespmem:s15+$0xFFFFFDB0]  }
0x127: {  	v0 =	vadd.f32 v57, v0;
	v1 =	vadd.f32 v59, v1;
	v49 =	vmul.f32 v54, v45;
	v53 =	vld [tilespmem:s15+$0xFFFFFDC0]  }
0x128: {  	v2 =	vadd.f32 v2, v4;
	v4 =	vadd.f32 v47, v10;
	v7 =	vmul.f32 v7, v45;
	v10 =	vld [tilespmem:s15+$0xFFFFFDF0]  }
0x129: {  	v0 =	vadd.f32 v50, v0;
	v1 =	vadd.f32 v51, v1;
	v45 =	vmul.f32 v52, v42;
	v47 =	vld [tilespmem:s15+$0xFFFFFE00]  }
0x12a: {  	v2 =	vadd.f32 v49, v2;
	v4 =	vadd.f32 v7, v4;
	v3 =	vmul.f32 v3, v42;
	v7 =	vld [tilespmem:s15+$0xFFFFFE30]  }
0x12b: {  	v0 =	vadd.f32 v11, v0;
	v1 =	vadd.f32 v46, v1;
	v11 =	vmul.f32 v48, v39;
	v42 =	vld [tilespmem:s15+$0xFFFFFE40]  }
0x12c: {  	v2 =	vadd.f32 v45, v2;
	v3 =	vadd.f32 v3, v4;
	v4 =	vmul.f32 v53, v39;
	v39 =	vld [tilespmem:s15+$0xFFFFFE70]  }
0x12d: {  	v0 =	vadd.f32 v8, v0;
	v1 =	vadd.f32 v9, v1;
	v8 =	vmul.f32 v10, v36;
	v9 =	vld [tilespmem:s15+$0xFFFFFE80]  }
0x12e: {  	v2 =	vadd.f32 v11, v2;
	v3 =	vadd.f32 v4, v3;
	v4 =	vmul.f32 v47, v36;
	v10 =	vld [tilespmem:s15+$0xFFFFFEB0]  }
0x12f: {  	v0 =	vadd.f32 v5, v0;
	v1 =	vadd.f32 v6, v1;
	v5 =	vmul.f32 v7, v33;
	v6 =	vld [tilespmem:s15+$0xFFFFFEC0]  }
0x130: {  	v2 =	vadd.f32 v8, v2;
	v3 =	vadd.f32 v4, v3;
	v4 =	vmul.f32 v42, v33;
	v7 =	vld [tilespmem:s15+$0xFFFFFEF0]  }
0x131: {  	v0 =	vadd.f32 v44, v0;
	v1 =	vadd.f32 v43, v1;
	v8 =	vmul.f32 v39, v32;
	v11 =	vld [tilespmem:s15+$0xFFFFFF00]  }
0x132: {  	v2 =	vadd.f32 v5, v2;
	v3 =	vadd.f32 v4, v3;
	v4 =	vmul.f32 v9, v32;
	v5 =	vld [tilespmem:s15+$0xFFFFFF30]  }
0x133: {  	v0 =	vadd.f32 v41, v0;
	v1 =	vadd.f32 v40, v1;
	v9 =	vmul.f32 v10, v28;
	v10 =	vld [tilespmem:s15+$0xFFFFFF40]  }
0x134: {  	v2 =	vadd.f32 v8, v2;
	v3 =	vadd.f32 v4, v3;
	v4 =	vmul.f32 v6, v28;
	v6 =	vld [tilespmem:s15+$0xFFFFFF70]  }
0x135: {  	v0 =	vadd.f32 v38, v0;
	v1 =	vadd.f32 v37, v1;
	v7 =	vmul.f32 v7, v25;
	v8 =	vld [tilespmem:s15+$0xFFFFFF80]  }
0x136: {  	v2 =	vadd.f32 v9, v2;
	v3 =	vadd.f32 v4, v3;
	v4 =	vmul.f32 v11, v25;
	v9 =	vld [tilespmem:s15+$0xFFFFFFB0]  }
0x137: {  	v0 =	vadd.f32 v35, v0;
	v1 =	vadd.f32 v34, v1;
	v5 =	vmul.f32 v5, v22;
	v11 =	vld [tilespmem:s15+$0xFFFFFFC0]  }
0x138: {  	v2 =	vadd.f32 v7, v2;
	v3 =	vadd.f32 v4, v3;
	v4 =	vmul.f32 v10, v22;
	v7 =	vld [tilespmem:s15+$0xFFFFFFF0]  }
0x139: {  	v0 =	vadd.f32 v31, v0;
	v1 =	vadd.f32 v30, v1;
	v6 =	vmul.f32 v6, v19;
	v10 =	vld [tilespmem:s15+$0x0];
	s15 =	sadd.s32 $0x400, s15  }
0x13a: {  	v2 =	vadd.f32 v5, v2;
	v30 =	vld [tilespmem:s15+$0xFFFFFFD0];
	v3 =	vadd.f32 v4, v3;
	v4 =	vmul.f32 v8, v19  }
0x13b: {  	v0 =	vadd.f32 v26, v0;
	v1 =	vadd.f32 v27, v1;
	v5 =	vld [tilespmem:s15+$0xFFFFFFE0];
	v8 =	vmul.f32 v9, v18  }
0x13c: {  	v2 =	vadd.f32 v6, v2;
	v9 =	vld [tilespmem:s15+$0xFFFFFF90];
	v3 =	vadd.f32 v4, v3;
	v4 =	vmul.f32 v11, v18  }
0x13d: {  	v0 =	vadd.f32 v23, v0;
	v1 =	vadd.f32 v24, v1;
	v6 =	vld [tilespmem:s15+$0xFFFFFFA0];
	v7 =	vmul.f32 v7, v16  }
0x13e: {  	v2 =	vadd.f32 v8, v2;
	v11 =	vld [tilespmem:s15+$0xFFFFFF50];
	v3 =	vadd.f32 v4, v3;
	v4 =	vmul.f32 v10, v16  }
0x13f: {  	v52 =	vadd.f32 v21, v0;
	v55 =	vadd.f32 v20, v1;
	v8 =	vld [tilespmem:s15+$0xFFFFFF60]  }
0x140: {  	v54 =	vadd.f32 v7, v2;
	v0 =	vld [tilespmem:s15+$0xFFFFFF10];
	v53 =	vadd.f32 v4, v3  }
0x141: {  	v1 =	vld [tilespmem:s15+$0xFFFFFF20]  }
0x142: {  	s20 =	sshra.s32 s19, $0x2;
	v2 =	vld [tilespmem:s15+$0xFFFFFED0]  }
0x143: {  	v3 =	vld.idx.msk [tilespmem:v29+s20+$0x0 ss:$0x1], $0xffff;
	_ =	sdelay $0x2  }
0x144: {  	v4 =	vld [tilespmem:s15+$0xFFFFFEE0]  }
0x145: {  	v12 =	vimm.s32 $0xE;
	v19 =	vimm.s32 $0xC;
	v20 =	vimm.s32 $0xA;
	v7 =	vld [tilespmem:s15+$0xFFFFFE90]  }
0x146: {  	v10 =	vld [tilespmem:s15+$0xFFFFFEA0];
	v17 =	vadd.f32 v3, v17;
	v18 =	vperm.xlane v3, v12;
	v12 =	vimm.s32 $0xF  }
0x147: {  	v40 =	vld [tilespmem:s15+$0xFFFFFE50];
	v22 =	vperm.xlane v3, v19;
	v28 =	vperm.xlane v3, v20;
	v20 =	vimm.s32 $0xB  }
0x148: {  	v43 =	vld [tilespmem:s15+$0xFFFFFE60];
	v19 =	vimm.s32 $0xD;
	v25 =	vperm.xlane v3, v20;
	v20 =	vimm.s32 $0x8  }
0x149: {  	v44 =	vld [tilespmem:s15+$0xFFFFFE10];
	v16 =	vperm.xlane v3, v12;
	v33 =	vperm.xlane v3, v20;
	v20 =	vimm.s32 $0x9  }
0x14a: {  	v19 =	vperm.xlane v3, v19;
	v12 =	vld [tilespmem:s15+$0xFFFFFE20];
	v32 =	vperm.xlane v3, v20;
	v20 =	vimm.s32 $0x6  }
0x14b: {  	v46 =	vld [tilespmem:s15+$0xFFFFFDD0];
	v39 =	vperm.xlane v3, v20;
	v20 =	vimm.s32 $0x7  }
0x14c: {  	v48 =	vld [tilespmem:s15+$0xFFFFFDE0];
	v36 =	vperm.xlane v3, v20;
	v20 =	vimm.s32 $0x4  }
0x14d: {  	v50 =	vld [tilespmem:s15+$0xFFFFFD90];
	v45 =	vperm.xlane v3, v20;
	v20 =	vimm.s32 $0x5  }
0x14e: {  	v51 =	vld [tilespmem:s15+$0xFFFFFDA0];
	v42 =	vperm.xlane v3, v20;
	v20 =	vimm.s32 $0x3  }
0x14f: {  	v49 =	vperm.xlane v3, v15;
	v47 =	vperm.xlane v3, v20;
	v56 =	vld [tilespmem:s15+$0xFFFFFD50]  }
0x150: {  	v61 =	vperm.xlane v3, v13;
	v58 =	vperm.xlane v3, v14;
	v57 =	vld [tilespmem:s15+$0xFFFFFD60]  }
0x151: {  	v21 =	vmul.f32 v30, v16;
	v20 =	vmul.f32 v5, v16;
	v59 =	vld [tilespmem:s15+$0xFFFFFD10]  }
0x152: {  	v23 =	vmul.f32 v9, v18;
	v24 =	vmul.f32 v6, v18;
	v60 =	vld [tilespmem:s15+$0xFFFFFD20]  }
0x153: {  	v26 =	vmul.f32 v11, v19;
	v27 =	vmul.f32 v8, v19;
	v62 =	vld [tilespmem:s15+$0xFFFFFCD0]  }
.Ltmp3:
0x154: {  	v31 =	vmul.f32 v0, v22;
	v30 =	vmul.f32 v1, v22;
	v63 =	vld [tilespmem:s15+$0xFFFFFCE0];
	(pc) =	sbr.rel @p1 .LBB2_5-.Ltmp3, $4  }
0x155: {  	v35 =	vmul.f32 v2, v25;
	v34 =	vmul.f32 v4, v25;
	v0 =	vld [tilespmem:s15+$0xFFFFFC90]  }
0x156: {  	v38 =	vmul.f32 v7, v28;
	v37 =	vmul.f32 v10, v28;
	v1 =	vld [tilespmem:s15+$0xFFFFFCA0]  }
0x157: {  	v41 =	vmul.f32 v40, v32;
	v40 =	vmul.f32 v43, v32;
	v2 =	vld [tilespmem:s15+$0xFFFFFC50]  }
0x158: {  	s19 =	sadd.s32 $0x40, s19;
	v44 =	vmul.f32 v44, v33;
	v43 =	vmul.f32 v12, v33;
	v3 =	vld [tilespmem:s15+$0xFFFFFC60]  }
0x159: {  	v4 =	vld [tilespmem:s15+$0xFFFFFC10]  }
0x15a: {  	v5 =	vld [tilespmem:s15+$0xFFFFFC20]  }
0x15b: {  	v6 =	vld [tilespmem:s15+$0xFFFFFC30]  }
0x15c: {  	v7 =	vld [tilespmem:s15+$0xFFFFFC40]  }
0x15d: {  	v8 =	vld [tilespmem:s15+$0xFFFFFC70];
	v60 =	vmul.f32 v60, v45  }
0x15e: {  	v9 =	vld [tilespmem:s15+$0xFFFFFC80];
	v50 =	vmul.f32 v50, v39;
	v0 =	vmul.f32 v0, v49  }
0x15f: {  	v1 =	vmul.f32 v1, v49;
	v2 =	vmul.f32 v2, v58  }
0x160: {  	v11 =	vld [tilespmem:s15+$0xFFFFFCC0];
	v3 =	vmul.f32 v3, v58;
	v4 =	vmul.f32 v4, v61  }
0x161: {  	v12 =	vld [tilespmem:s15+$0xFFFFFCF0];
	v5 =	vmul.f32 v5, v61;
	v6 =	vmul.f32 v6, v61  }
0x162: {  	v10 =	vld [tilespmem:s15+$0xFFFFFCB0];
	v7 =	vmul.f32 v7, v61;
	v8 =	vmul.f32 v8, v58  }
0x163: {  	v29 =	vld [tilespmem:s15+$0xFFFFFD00];
	v9 =	vmul.f32 v9, v58;
	v61 =	vmul.f32 v56, v42  }
0x164: {  	v58 =	vld [tilespmem:s15+$0xFFFFFDC0];
	v56 =	vmul.f32 v48, v36;
	v4 =	vadd.f32 v4, v52;
	v5 =	vadd.f32 v5, v55  }
0x165: {  	v48 =	vld [tilespmem:$0x14FA0];
	v6 =	vadd.f32 v6, v54;
	v7 =	vadd.f32 v7, v53;
	v52 =	vmul.f32 v11, v49  }
0x166: {  	v53 =	vld [tilespmem:s15+$0xFFFFFD80];
	v54 =	vmul.f32 v63, v47;
	v55 =	vmul.f32 v12, v47;
	v2 =	vadd.f32 v2, v4  }
0x167: {  	v3 =	vadd.f32 v3, v5;
	v5 =	vld [tilespmem:s15+$0xFFFFFD40];
	v6 =	vadd.f32 v8, v6;
	v8 =	vmul.f32 v10, v49  }
0x168: {  	v12 =	vmul.f32 v29, v47;
	v4 =	vld [tilespmem:s15+$0xFFFFFD30];
	v7 =	vadd.f32 v9, v7;
	v0 =	vadd.f32 v0, v2  }
0x169: {  	v63 =	vld [tilespmem:s15+$0xFFFFFE40];
	v1 =	vadd.f32 v1, v3;
	v3 =	vmul.f32 v62, v47;
	v6 =	vadd.f32 v8, v6  }
0x16a: {  	v9 =	vld [tilespmem:s15+$0xFFFFFD70];
	v7 =	vadd.f32 v52, v7;
	v62 =	vmul.f32 v57, v42;
	v52 =	vmul.f32 v51, v39  }
0x16b: {  	v8 =	vld [tilespmem:s15+$0xFFFFFDB0];
	v2 =	vmul.f32 v53, v42;
	v0 =	vadd.f32 v3, v0;
	v3 =	vmul.f32 v59, v45  }
0x16c: {  	v1 =	vadd.f32 v54, v1;
	v59 =	vld [tilespmem:s15+$0xFFFFFDF0];
	v7 =	vadd.f32 v12, v7;
	v5 =	vmul.f32 v5, v45  }
0x16d: {  	v6 =	vadd.f32 v55, v6;
	v55 =	vld [tilespmem:s15+$0xFFFFFEF0];
	v4 =	vmul.f32 v4, v45;
	v0 =	vadd.f32 v3, v0  }
0x16e: {  	v12 =	vld [tilespmem:s15+$0xFFFFFE00];
	v54 =	vmul.f32 v46, v36;
	v1 =	vadd.f32 v60, v1;
	v5 =	vadd.f32 v5, v7  }
0x16f: {  	v3 =	vld [tilespmem:s15+$0xFFFFFE30];
	v4 =	vadd.f32 v4, v6;
	v6 =	vmul.f32 v9, v42;
	v0 =	vadd.f32 v61, v0  }
0x170: {  	v7 =	vld [tilespmem:s15+$0xFFFFFE70];
	v1 =	vadd.f32 v62, v1;
	v2 =	vadd.f32 v2, v5;
	v5 =	vmul.f32 v8, v39  }
0x171: {  	v49 =	vld [tilespmem:s15+$0xFFFFFE80];
	v4 =	vadd.f32 v6, v4;
	v8 =	vmul.f32 v58, v39;
	v11 =	vmul.f32 v59, v36  }
0x172: {  	v6 =	vld [tilespmem:s15+$0xFFFFFEB0];
	v61 =	vmul.f32 v55, v25;
	v0 =	vadd.f32 v50, v0;
	v1 =	vadd.f32 v52, v1  }
0x173: {  	v57 =	vld [tilespmem:s15+$0xFFFFFF40];
	v4 =	vadd.f32 v5, v4;
	v2 =	vadd.f32 v8, v2;
	v8 =	vmul.f32 v12, v36  }
0x174: {  	v60 =	vld [tilespmem:s15+$0xFFFFFFF0];
	v3 =	vmul.f32 v3, v33;
	v0 =	vadd.f32 v54, v0;
	v1 =	vadd.f32 v56, v1  }
0x175: {  	v53 =	vld [tilespmem:s15+$0xFFFFFEC0];
	v7 =	vmul.f32 v7, v32;
	v54 =	vimm.s32 $0x4;
	v4 =	vadd.f32 v11, v4  }
0x176: {  	v5 =	vld [tilespmem:s15+$0xFFFFFF00];
	v2 =	vadd.f32 v8, v2;
	v8 =	vmul.f32 v63, v33;
	v0 =	vadd.f32 v44, v0  }
0x177: {  	v12 =	vld [tilespmem:s15+$0xFFFFFF30];
	v1 =	vadd.f32 v43, v1;
	v6 =	vmul.f32 v6, v28;
	v3 =	vadd.f32 v3, v4  }
0x178: {  	v4 =	vld [tilespmem:s15+$0xFFFFFF80];
	v2 =	vadd.f32 v8, v2;
	v8 =	vmul.f32 v49, v32;
	v0 =	vadd.f32 v41, v0  }
0x179: {  	v58 =	vld [tilespmem:s15+$0xFFFFFF70];
	v32 =	vmul.f32 v60, v16;
	v1 =	vadd.f32 v40, v1;
	v3 =	vadd.f32 v7, v3  }
0x17a: {  	v7 =	vld [tilespmem:s15+$0xFFFFFFC0];
	v2 =	vadd.f32 v8, v2;
	v8 =	vmul.f32 v53, v28;
	v0 =	vadd.f32 v38, v0  }
0x17b: {  	v59 =	vld [tilespmem:s15+$0xFFFFFFB0];
	v5 =	vmul.f32 v5, v25;
	v1 =	vadd.f32 v37, v1;
	v3 =	vadd.f32 v6, v3  }
0x17c: {  	v12 =	vmul.f32 v12, v22;
	v6 =	vld [tilespmem:s15+$0x0];
	v2 =	vadd.f32 v8, v2;
	v0 =	vadd.f32 v35, v0  }
0x17d: {  	v8 =	vld [tilespmem:$0xEC80];
	v1 =	vadd.f32 v34, v1;
	v4 =	vmul.f32 v4, v19;
	v3 =	vadd.f32 v61, v3  }
0x17e: {  	v29 =	vld [tilespmem:$0x14EB0];
	v2 =	vadd.f32 v5, v2;
	v5 =	vmul.f32 v57, v22;
	v61 =	vimm.s32 $0x7  }
0x17f: {  	v62 =	vld [tilespmem:s17+$0x8540];
	v0 =	vadd.f32 v31, v0;
	v1 =	vadd.f32 v30, v1;
	v7 =	vmul.f32 v7, v18  }
0x180: {  	v46 =	vld [tilespmem:$0x14F90];
	v3 =	vadd.f32 v12, v3;
	v2 =	vadd.f32 v5, v2;
	v5 =	vmul.f32 v58, v19  }
0x181: {  	v39 =	vld [tilespmem:$0x14F30];
	v0 =	vadd.f32 v26, v0;
	v1 =	vadd.f32 v27, v1;
	v6 =	vmul.f32 v6, v16  }
0x182: {  	v63 =	vld [tilespmem:$0x14E90];
	v36 =	vxor.u32 $0x8, v8;
	v3 =	vadd.f32 v5, v3;
	v5 =	vmul.f32 v59, v18  }
0x183: {  	v12 =	vld [tilespmem:$0x14EA0];
	v42 =	vxor.u32 $0x4, v8;
	v2 =	vadd.f32 v4, v2;
	v0 =	vadd.f32 v23, v0  }
0x184: {  	v30 =	vld [tilespmem:$0x14EC0];
	v1 =	vadd.f32 v24, v1;
	v3 =	vadd.f32 v5, v3;
	v5 =	vperm.xlane v62, v13  }
0x185: {  	v4 =	vld [tilespmem:$0x14ED0];
	v2 =	vadd.f32 v7, v2;
	v7 =	vadd.f32 v62, v17;
	v13 =	vimm.s32 $0x3  }
0x186: {  	v33 =	vld [tilespmem:$0x14EF0];
	v47 =	vxor.u32 $0x2, v8;
	v0 =	vadd.f32 v21, v0;
	v49 =	vperm.xlane v62, v13  }
0x187: {  	v31 =	vld [tilespmem:$0x14EE0];
	v1 =	vadd.f32 v20, v1;
	v11 =	vmul.f32 v63, v5;
	v38 =	vperm.xlane v7, v36  }
0x188: {  	v34 =	vld [tilespmem:$0x14F00];
	v2 =	vadd.f32 v6, v2;
	v6 =	vperm.xlane v62, v14;
	v12 =	vmul.f32 v12, v5  }
0x189: {  	v35 =	vld [tilespmem:$0x14F10];
	v10 =	vmul.f32 v29, v5;
	v5 =	vmul.f32 v30, v5;
	v7 =	vadd.f32 v38, v7  }
0x18a: {  	v37 =	vld [tilespmem:$0x14F20];
	v3 =	vadd.f32 v32, v3;
	v0 =	vadd.f32 v11, v0;
	v4 =	vmul.f32 v4, v6  }
0x18b: {  	v40 =	vld [tilespmem:$0x14F40];
	v1 =	vadd.f32 v12, v1;
	v2 =	vadd.f32 v5, v2;
	v12 =	vperm.xlane v7, v42  }
0x18c: {  	v45 =	vld [tilespmem:$0x14F80];
	v9 =	vmul.f32 v31, v6;
	v0 =	vadd.f32 v4, v0;
	v4 =	vperm.xlane v62, v15  }
0x18d: {  	v43 =	vld [tilespmem:$0x14F60];
	v44 =	vmul.f32 v33, v6;
	v6 =	vmul.f32 v34, v6;
	v7 =	vadd.f32 v12, v7  }
0x18e: {  	v3 =	vadd.f32 v10, v3;
	v5 =	vld [tilespmem:$0x14F70];
	v1 =	vadd.f32 v9, v1;
	v12 =	vmul.f32 v35, v4  }
0x18f: {  	v55 =	vld [tilespmem:$0x15020];
	v2 =	vadd.f32 v6, v2;
	v6 =	vmul.f32 v37, v4;
	v17 =	vperm.xlane v7, v47  }
0x190: {  	v41 =	vld [tilespmem:$0x14F50];
	v3 =	vadd.f32 v44, v3;
	v11 =	vmul.f32 v39, v4;
	v4 =	vmul.f32 v40, v4  }
0x191: {  	v8 =	vxor.u32 $0x1, v8;
	v0 =	vadd.f32 v12, v0;
	v12 =	vld [tilespmem:$0x14FB0];
	v7 =	vadd.f32 v17, v7  }
0x192: {  	v50 =	vld [tilespmem:$0x14FC0];
	v1 =	vadd.f32 v6, v1;
	v2 =	vadd.f32 v4, v2;
	v4 =	vmul.f32 v43, v49  }
0x193: {  	v52 =	vld [tilespmem:$0x14FE0];
	v5 =	vmul.f32 v5, v49;
	v3 =	vadd.f32 v11, v3;
	v8 =	vperm.xlane v7, v8  }
0x194: {  	v6 =	vld [tilespmem:$0x14FD0];
	v11 =	vperm.xlane v62, v54;
	v1 =	vadd.f32 v4, v1;
	v4 =	vmul.f32 v45, v49  }
0x195: {  	v56 =	vld [tilespmem:$0x15030];
	v51 =	vmul.f32 v41, v49;
	v3 =	vadd.f32 v5, v3;
	v7 =	vadd.f32 v8, v7  }
0x196: {  	v53 =	vld [tilespmem:$0x14FF0];
	v2 =	vadd.f32 v4, v2;
	v4 =	vmul.f32 v12, v11;
	v12 =	vimm.s32 $0x5  }
0x197: {  	v5 =	vld [tilespmem:$0x15010];
	v16 =	vmul.f32 v46, v11;
	v12 =	vperm.xlane v62, v12;
	v7 =	vadd.f32 $9.999999930e-09, v7  }
0x198: {  	v0 =	vadd.f32 v51, v0;
	v9 =	vmul.f32 v48, v11;
	v11 =	vmul.f32 v50, v11;
	v8 =	vld [tilespmem:$0x15000]  }
0x199: {  	v3 =	vadd.f32 v4, v3;
	v4 =	vmul.f32 v6, v12;
	v6 =	vld [tilespmem:$0x15050];
	(erf) = vrcp.f32 v7  }
0x19a: {  	v58 =	vimm.s32 $0x6;
	v59 =	vld [tilespmem:$0x15060];
	v0 =	vadd.f32 v16, v0;
	v1 =	vadd.f32 v9, v1  }
0x19b: {  	v2 =	vadd.f32 v11, v2;
	v11 =	vperm.xlane v62, v58;
	v57 =	vmul.f32 v52, v12;
	v7 =	vld [tilespmem:$0x15040]  }
0x19c: {  	v60 =	vld [tilespmem:$0x15070];
	v9 =	vperm.xlane v62, v61;
	v0 =	vadd.f32 v4, v0;
	v4 =	vmul.f32 v53, v12  }
0x19d: {  	v5 =	vmul.f32 v5, v11;
	v1 =	vadd.f32 v57, v1;
	v8 =	vmul.f32 v8, v12;
	v12 =	vld [tilespmem:$0x15080]  }
0x19e: {  	v3 =	vadd.f32 v4, v3;
	v4 =	vmul.f32 v55, v11;
	v6 =	vmul.f32 v6, v9  }
0x19f: {  	v0 =	vadd.f32 v5, v0;
	v5 =	vmul.f32 v56, v11;
	v2 =	vadd.f32 v8, v2  }
0x1a0: {  	v1 =	vadd.f32 v4, v1;
	v4 =	vmul.f32 v7, v11;
	v7 =	vmul.f32 v59, v9  }
0x1a1: {  	v3 =	vadd.f32 v5, v3;
	v5 =	vmul.f32 v60, v9;
	v0 =	vadd.f32 v6, v0  }
0x1a2: {  	v2 =	vadd.f32 v4, v2;
	v1 =	vadd.f32 v7, v1;
	v4 =	vmul.f32 v12, v9;
	v6 =	vpop (erf)  }
0x1a3: {  	s0 =	sshll.u32 s0, $0x6;
	v3 =	vadd.f32 v5, v3;
	v0 =	vmul.f32 v6, v0  }
.Ltmp4:
0x1a4: {  	s0 =	sand.u32 $0x3FFFFFC0, s0;
	v2 =	vadd.f32 v4, v2;
	v1 =	vmul.f32 v6, v1;
	(pc) =	sbr.rel @p0 .LBB2_8-.Ltmp4, $4  }
0x1a5: {  	v62 =	vmul.f32 v6, v3;
	[tilespmem:s0+$0x15090] =	vst v0  }
0x1a6: {  	v13 =	vimm.s32 $0x2;
	v63 =	vmul.f32 v6, v2;
	[tilespmem:s0+$0x150A0] =	vst v1  }
0x1a7: {  	v14 =	vimm.s32 $0x3;
	v5 =	vimm.s32 $0x5;
	v12 =	vimm.s32 $0x1;
	[tilespmem:s0+$0x150B0] =	vst v62  }
0x1a8: {  	v7 =	vimm.s32 $0x7;
	v4 =	vimm.s32 $0x4;
	v6 =	vimm.s32 $0x6;
	[tilespmem:s0+$0x150C0] =	vst v63  }
0x1a9: {  	s0 =	smul.u32 $0x640, s1;
	_ =	sdelay $0x1  }
.Ltmp5:
0x1aa: {  	s0 =	sshra.s32 s0, $0x2;
	(pc) =	sbr.rel .LBB2_2-.Ltmp5, $4  }
0x1ab: {  	s1 =	sadd.s32 $0x1, s1;
	s15 =	sadd.s32 $0x22D8, s0  }
0x1ac: {  	v15 =	vimm.s32 $0x0;
	v8 =	vimm.s32 $0x8;
	v9 =	vimm.s32 $0x9;
	[tilespmem:s22], [sflag:$0x3] =	stream.indirect.gather [hbm4b:s5+s13], $0x40, s15, s13, $0xb8;
	[tilespmem:$0x17090] =	vst v63  }
0x1ad: {  	s30 =	sadd.s32 $0x1A0, s30;
	s31 =	sadd.s32 $0x1A0, s31;
	v10 =	vimm.s32 $0xA;
	v11 =	vimm.s32 $0xB;
	v19 =	vimm.s32 $0xC;
	s0 =	sadd.s32 $0x2358, s0  }
0x1ae: {  	v20 =	vimm.s32 $0xD;
	v16 =	vimm.s32 $0xE;
	v21 =	vimm.s32 $0xF;
	[tilespmem:s24], [sflag:$0x3] =	stream.indirect.gather [hbm4b:s5+s18], $0x40, s0, s18, $0xb8;
	[tilespmem:$0x17090] =	vst v63  }
.LBB2_9:
0x1af: {  	_ =	sfence.sel $0x180000  }
0x1b0: {  	[bflag:$0x0] =	sbarrier.arrive $0xFFFF  }
0x1b1: {  	_ =	strace $0x90000047  }
0x1b2: {  	s0 =	stileid.u32;
	[bflag:$0x2] =	sbarrier.arrive $0xFFFF  }
0x1b3: {  	p0 =	sne.s32 s0, $0x0;
	s0 =	rddreg [dreg:$0x3]  }
0x1b4: {  	s0 =	sadd.s32 @!p0 $0x100000, s0  }
0x1b5: {  	[sflag:s0] =	ssyncadd.tile.s32 @!p0 $0x1;
	_ =	shalt  }
.Lfunc_end2:
_tile_overlayer_lowered:
.L_overlay_start_2:
0x1b6: {  	(tag) =	ssettag $0x2  }
0x1b7: {  	s0 =	rddreg [dreg:$0x0];
	s2 =	stileid.u32  }
0x1b8: {  	s1 =	rddreg [dreg:$0x1];
	p0 =	sne.s32 s2, $0x0  }
0x1b9: {  	s3 =	rddreg [dreg:$0x2];
	[bflag:$0x3] =	sbarrier.arrive $0xFFFF;
	s2 =	simm.s32 @!p0 $0x1C04  }
0x1ba: {  	[timem:s3], [sflag:s2] =	dma.local @!p0 [hbm:s0], s1  }
0x1bb: {  	s0 =	simm.s32 @!p0 $0x4  }
0x1bc: {  	_ =	swait.ge @!p0 [sflag:s0], s1  }
0x1bd: {  	s1 =	ssub.s32 @!p0 $0x0, s1;
	[sflag:s0] =	ssyncset.done @!p0 $0x0  }
0x1be: {  	[sflag:s0] =	ssyncadd.s32 @!p0 s1  }
0x1bf: {  	[bflag:$0x3] =	sbarrier.arrive $0xFFFF  }
0x1c0: {  	_ =	shalt  }

</sc_bundles>
